<compile_context>
chip_gen: v7x
topology: tpu7x:2x2x1
jax: 0.10.2.dev20260603
libtpu: 0.0.44.dev20260713+nightly
codegen_flags: <defaults>
</compile_context>

<pallas_src>
import functools

import jax
import jax.numpy as jnp
from jax import lax
from jax.experimental import pallas as pl
from jax.experimental.pallas import tpu as pltpu
from jax.experimental.pallas import tpu_sc as plsc

_NC = 2
_NS = 16
_NW = _NC * _NS


def _sc_degree(dst_r, zeros_n16):
    nw, nch, c = dst_r.shape
    n = zeros_n16.shape[0]
    rps = (n // _NS) // 8 * 8
    tail0, tail = rps * _NS, n - rps * _NS
    mesh = plsc.VectorSubcoreMesh(core_axis_name="c", subcore_axis_name="s")

    @functools.partial(
        pl.kernel,
        mesh=mesh,
        out_type=jax.ShapeDtypeStruct((_NC, n, 16), jnp.float32),
        scratch_types=[
            pltpu.VMEM((nch, c), jnp.int32),
            pltpu.VMEM((c, 16), jnp.float32),
            pltpu.VMEM_SHARED((n, 16), jnp.float32),
        ],
    )
    def deg_kernel(dst_hbm, z_hbm, out_hbm, dstv, ones, acc):
        ci = lax.axis_index("c")
        si = lax.axis_index("s")
        wid = ci * _NS + si
        r0 = pl.multiple_of(si * rps, 8)
        pltpu.sync_copy(z_hbm.at[pl.ds(r0, rps)], acc.at[pl.ds(r0, rps)])
        if tail:
            @pl.when(si == _NS - 1)
            def _():
                pltpu.sync_copy(z_hbm.at[pl.ds(tail0, tail)],
                                acc.at[pl.ds(tail0, tail)])
        pltpu.sync_copy(dst_hbm.at[wid], dstv)

        @pl.loop(0, c)
        def _(i):
            ones[i] = jnp.ones((16,), jnp.float32)

        plsc.subcore_barrier()

        @pl.loop(0, nch)
        def _(g):
            pltpu.sync_copy(ones, acc.at[dstv.at[g]], add=True)

        plsc.subcore_barrier()
        pltpu.sync_copy(acc.at[pl.ds(r0, rps)],
                        out_hbm.at[ci].at[pl.ds(r0, rps)])
        if tail:
            @pl.when(si == _NS - 1)
            def _():
                pltpu.sync_copy(acc.at[pl.ds(tail0, tail)],
                                out_hbm.at[ci].at[pl.ds(tail0, tail)])

    return deg_kernel(dst_r, zeros_n16)


@functools.lru_cache(maxsize=None)
def _make_sc_scatter_add(n, dh, nch, c):
    rps = (n // _NS) // 8 * 8
    tail0, tail = rps * _NS, n - rps * _NS
    assert nch % 4 == 0 and nch >= 8
    mesh = plsc.VectorSubcoreMesh(core_axis_name="c", subcore_axis_name="s")

    @functools.partial(
        pl.kernel,
        mesh=mesh,
        out_type=jax.ShapeDtypeStruct((_NC, n, dh), jnp.float32),
        compiler_params=pltpu.CompilerParams(use_tc_tiling_on_sc=False),
        scratch_types=[
            pltpu.VMEM((nch, c), jnp.int32),
            pltpu.VMEM((nch, c), jnp.int32),
            pltpu.VMEM((2, c, dh), jnp.float32),
            pltpu.VMEM_SHARED((n + 8, dh), jnp.float32),
            [pltpu.SemaphoreType.DMA] * 2,
        ],
    )
    def scat_kernel(ylo_hbm, yhi_hbm, src_hbm, dst_hbm, z_hbm, out_hbm,
                    srcv, dstv, rows, acc, gsem):
        ci = lax.axis_index("c")
        si = lax.axis_index("s")
        r0 = pl.multiple_of(si * rps, 8)
        pltpu.sync_copy(src_hbm.at[si], srcv)
        pltpu.sync_copy(dst_hbm.at[si], dstv)
        pltpu.sync_copy(z_hbm.at[pl.ds(r0, rps)], acc.at[pl.ds(r0, rps)])
        if tail:
            @pl.when(si == _NS - 1)
            def _():
                pltpu.sync_copy(z_hbm.at[pl.ds(tail0, tail)],
                                acc.at[pl.ds(tail0, tail)])
        plsc.subcore_barrier()

        def run_half(y_hbm):
            for b in range(2):
                pltpu.async_copy(y_hbm.at[srcv.at[b]], rows.at[b], gsem[b])

            @pl.loop(0, nch - 2, step=2)
            def _(g):
                for b in range(2):
                    gg = g + b
                    pltpu.make_async_copy(
                        y_hbm.at[srcv.at[gg]], rows.at[b], gsem[b]).wait()
                    pltpu.sync_copy(rows.at[b], acc.at[dstv.at[gg]], add=True)
                    pltpu.async_copy(
                        y_hbm.at[srcv.at[gg + 2]], rows.at[b], gsem[b])

            for b in range(2):
                gg = nch - 2 + b
                pltpu.make_async_copy(
                    y_hbm.at[srcv.at[gg]], rows.at[b], gsem[b]).wait()
                pltpu.sync_copy(rows.at[b], acc.at[dstv.at[gg]], add=True)

        @pl.when(ci == 0)
        def _():
            run_half(ylo_hbm)

        @pl.when(ci == 1)
        def _():
            run_half(yhi_hbm)

        plsc.subcore_barrier()
        pltpu.sync_copy(acc.at[pl.ds(r0, rps)],
                        out_hbm.at[ci].at[pl.ds(r0, rps)])
        if tail:
            @pl.when(si == _NS - 1)
            def _():
                pltpu.sync_copy(acc.at[pl.ds(tail0, tail)],
                                out_hbm.at[ci].at[pl.ds(tail0, tail)])

    return scat_kernel


def _sc_scatter_add(y_lo, y_hi, src_r, dst_r, zeros_ndh):
    n, dh = y_lo.shape
    ns, nch, c = src_r.shape
    return _make_sc_scatter_add(n, dh, nch, c)(
        y_lo, y_hi, src_r, dst_r, zeros_ndh)


def _dinv_from_parts(dp):
    deg = dp[0, :, 0] + dp[1, :, 0] + 1.0
    return (1.0 / jnp.sqrt(deg))[:, None]


def _tc_matmul1(x, w1, block):
    n, d = x.shape

    def body(x_ref, w_ref, o_ref):
        o_ref[...] = jnp.dot(x_ref[...], w_ref[...],
                             preferred_element_type=jnp.float32)

    return pl.pallas_call(
        body,
        grid=(n // block,),
        in_specs=[
            pl.BlockSpec((block, d), lambda i: (i, 0)),
            pl.BlockSpec((d, d), lambda i: (0, 0)),
        ],
        out_specs=pl.BlockSpec((block, d), lambda i: (i, 0)),
        out_shape=jax.ShapeDtypeStruct((n, d), jnp.float32),
    )(x, w1)


def _tc_scale1(xw, deg_p, block):
    n, d = xw.shape
    dh = d // 2

    def body(xw_ref, dp_ref, lo_ref, hi_ref):
        dinv = _dinv_from_parts(dp_ref[...])
        y = xw_ref[...] * dinv
        lo_ref[...] = y[:, :dh]
        hi_ref[...] = y[:, dh:]

    return pl.pallas_call(
        body,
        grid=(n // block,),
        in_specs=[
            pl.BlockSpec((block, d), lambda i: (i, 0)),
            pl.BlockSpec((2, block, 16), lambda i: (0, i, 0)),
        ],
        out_specs=[
            pl.BlockSpec((block, dh), lambda i: (i, 0)),
            pl.BlockSpec((block, dh), lambda i: (i, 0)),
        ],
        out_shape=[
            jax.ShapeDtypeStruct((n, dh), jnp.float32),
            jax.ShapeDtypeStruct((n, dh), jnp.float32),
        ],
    )(xw, deg_p)


def _tc_stage2(s1, y1_lo, y1_hi, deg_p, w2, b1, block):
    n, dh = y1_lo.shape
    d = 2 * dh

    def body(s_ref, ylo_ref, yhi_ref, dp_ref, w_ref, b_ref,
             olo_ref, ohi_ref):
        dinv = _dinv_from_parts(dp_ref[...])
        sv = s_ref[...]
        b = b_ref[...]
        w = w_ref[...]
        lo = (sv[0] + ylo_ref[...]) * dinv + b[:, :dh]
        hi = (sv[1] + yhi_ref[...]) * dinv + b[:, dh:]
        h_lo = jnp.maximum(lo, 0.0)
        h_hi = jnp.maximum(hi, 0.0)
        hw = (jnp.dot(h_lo, w[:dh, :], preferred_element_type=jnp.float32)
              + jnp.dot(h_hi, w[dh:, :], preferred_element_type=jnp.float32))
        y2 = hw * dinv
        olo_ref[...] = y2[:, :dh]
        ohi_ref[...] = y2[:, dh:]

    return pl.pallas_call(
        body,
        grid=(n // block,),
        in_specs=[
            pl.BlockSpec((2, block, dh), lambda i: (0, i, 0)),
            pl.BlockSpec((block, dh), lambda i: (i, 0)),
            pl.BlockSpec((block, dh), lambda i: (i, 0)),
            pl.BlockSpec((2, block, 16), lambda i: (0, i, 0)),
            pl.BlockSpec((d, d), lambda i: (0, 0)),
            pl.BlockSpec((1, d), lambda i: (0, 0)),
        ],
        out_specs=[
            pl.BlockSpec((block, dh), lambda i: (i, 0)),
            pl.BlockSpec((block, dh), lambda i: (i, 0)),
        ],
        out_shape=[
            jax.ShapeDtypeStruct((n, dh), jnp.float32),
            jax.ShapeDtypeStruct((n, dh), jnp.float32),
        ],
    )(s1, y1_lo, y1_hi, deg_p, w2, b1)


def _tc_stage3(s2, y2_lo, y2_hi, deg_p, b2, wl_t, bl, block):
    n, dh = y2_lo.shape
    d = 2 * dh
    k = wl_t.shape[1]

    def body(s_ref, ylo_ref, yhi_ref, dp_ref, b2_ref, wl_ref, bl_ref,
             logp_ref, emb_ref):
        dinv = _dinv_from_parts(dp_ref[...])
        sv = s_ref[...]
        b2v = b2_ref[...]
        lo = (sv[0] + ylo_ref[...]) * dinv + b2v[:, :dh]
        hi = (sv[1] + yhi_ref[...]) * dinv + b2v[:, dh:]
        emb = jnp.concatenate([lo, hi], axis=1)
        logits = jnp.dot(emb, wl_ref[...],
                         preferred_element_type=jnp.float32) + bl_ref[...]
        m = jnp.max(logits, axis=1, keepdims=True)
        e = jnp.exp(logits - m)
        lse = m + jnp.log(jnp.sum(e, axis=1, keepdims=True))
        logp_ref[...] = logits - lse
        emb_ref[...] = emb

    return pl.pallas_call(
        body,
        grid=(n // block,),
        in_specs=[
            pl.BlockSpec((2, block, dh), lambda i: (0, i, 0)),
            pl.BlockSpec((block, dh), lambda i: (i, 0)),
            pl.BlockSpec((block, dh), lambda i: (i, 0)),
            pl.BlockSpec((2, block, 16), lambda i: (0, i, 0)),
            pl.BlockSpec((1, d), lambda i: (0, 0)),
            pl.BlockSpec((d, k), lambda i: (0, 0)),
            pl.BlockSpec((1, k), lambda i: (0, 0)),
        ],
        out_specs=[
            pl.BlockSpec((block, k), lambda i: (i, 0)),
            pl.BlockSpec((block, d), lambda i: (i, 0)),
        ],
        out_shape=[
            jax.ShapeDtypeStruct((n, k), jnp.float32),
            jax.ShapeDtypeStruct((n, d), jnp.float32),
        ],
    )(s2, y2_lo, y2_hi, deg_p, b2, wl_t, bl)


def kernel(x, edge_index, W1, b1, W2, b2, Wl, bl):
    n, d = x.shape
    dh = d // 2
    e = edge_index.shape[1]
    eps = e // _NS

    c_scat = 40
    c_deg = 80
    nch = -(-eps // (c_scat * 4)) * 4
    nch2 = (e // _NW) // c_deg

    src = edge_index[0]
    dst = edge_index[1]
    pad = _NS * nch * c_scat - e
    src_p = jnp.concatenate([src, jnp.zeros((pad,), jnp.int32)])
    dst_p = jnp.concatenate([dst, jnp.full((pad,), n, jnp.int32)])
    src_r = src_p.reshape(_NS, nch, c_scat)
    dst_r = dst_p.reshape(_NS, nch, c_scat)
    dstd_r = dst.reshape(_NW, nch2, c_deg)
    zeros_n16 = jnp.zeros((n, 16), jnp.float32)
    zeros_ndh = jnp.zeros((n, dh), jnp.float32)

    block = 2000

    xw1 = _tc_matmul1(x, W1, block)
    deg_p = _sc_degree(dstd_r, zeros_n16)
    y1_lo, y1_hi = _tc_scale1(xw1, deg_p, block)
    s1 = _sc_scatter_add(y1_lo, y1_hi, src_r, dst_r, zeros_ndh)
    y2_lo, y2_hi = _tc_stage2(s1, y1_lo, y1_hi, deg_p, W2,
                              b1.reshape(1, d), block)
    s2 = _sc_scatter_add(y2_lo, y2_hi, src_r, dst_r, zeros_ndh)
    logp, x_emb = _tc_stage3(s2, y2_lo, y2_hi, deg_p,
                             b2.reshape(1, d), Wl.T,
                             bl.reshape(1, -1), block)
    return (logp, x_emb)

# --- scband reference (transcript-rebuilt; emitter-appended) ---
"""Pipeline reference for scband-gcn-39427799777280 (READ-ONLY COPY).

The authoritative reference and input builder live on the scoring server;
editing this copy changes nothing except your own understanding.
"""

import jax, jax.numpy as jnp
import numpy as np

N = 10000
E = 320000
D_IN = 128
D_HID = 128
D_OUT = 40


def _glorot(key, shape):
    fan_in, fan_out = shape[0], shape[1]
    limit = np.sqrt(6.0 / (fan_in + fan_out))
    return jax.random.uniform(key, shape, dtype=jnp.float32, minval=-limit, maxval=limit)


def setup_inputs(seed: int = 0) -> dict:
    key = jax.random.key(seed)
    ks = jax.random.split(key, 8)
    x = jax.random.normal(ks[0], (N, D_IN), dtype=jnp.float32)
    edge_index = jax.random.randint(ks[1], (2, E), 0, N, dtype=jnp.int32)
    W1 = _glorot(ks[2], (D_IN, D_HID))
    b1 = jnp.zeros((D_HID,), dtype=jnp.float32)
    W2 = _glorot(ks[3], (D_HID, D_HID))
    b2 = jnp.zeros((D_HID,), dtype=jnp.float32)
    Wl = _glorot(ks[4], (D_OUT, D_HID))
    bl = jnp.zeros((D_OUT,), dtype=jnp.float32)
    return {"x": x, "edge_index": edge_index, "W1": W1, "b1": b1, "W2": W2, "b2": b2, "Wl": Wl, "bl": bl}


def _gcn_conv(x, edge_index, W, b):
    # PyG GCNConv: add self-loops, symmetric normalization D^-1/2 (A+I) D^-1/2 X W + b
    n = x.shape[0]
    loops = jnp.arange(n, dtype=edge_index.dtype)
    src = jnp.concatenate([edge_index[0], loops])
    dst = jnp.concatenate([edge_index[1], loops])
    deg = jnp.zeros((n,), dtype=jnp.float32).at[dst].add(1.0)
    dinv_sqrt = jnp.where(deg > 0, 1.0 / jnp.sqrt(deg), 0.0)
    norm = dinv_sqrt[src] * dinv_sqrt[dst]
    xw = x @ W
    msg = xw[src] * norm[:, None]
    out = jnp.zeros((n, W.shape[1]), dtype=xw.dtype).at[dst].add(msg)
    return out + b


def reference(x, edge_index, W1, b1, W2, b2, Wl, bl):
    h = _gcn_conv(x, edge_index, W1, b1)
    h = jax.nn.relu(h)
    # dropout p=0.1 is identity in eval mode
    x_emb = _gcn_conv(h, edge_index, W2, b2)
    logits = x_emb @ Wl.T + bl
    return (jax.nn.log_softmax(logits, axis=1), x_emb)

if __name__ == "__main__":
    import jax
    _d = setup_inputs()
    print(jax.jit(kernel)(*tuple(_d.values())))

</pallas_src>

<mosaic_0001>
#map = affine_map<(d0, d1) -> (0, 0)>
#map1 = affine_map<(d0, d1) -> (0, 0, 0)>
module attributes {stable_mosaic.version = 14 : i64} {
  func.func @scat_kernel(%arg0: i32, %arg1: i32, %arg2: memref<10000x64xf32, #tpu.memory_space<hbm>>, %arg3: memref<10000x64xf32, #tpu.memory_space<hbm>>, %arg4: memref<16x500x40xi32, #tpu.memory_space<hbm>>, %arg5: memref<16x500x40xi32, #tpu.memory_space<hbm>>, %arg6: memref<10000x64xf32, #tpu.memory_space<hbm>>, %arg7: memref<2x10000x64xf32, #tpu.memory_space<hbm>>, %arg8: memref<500x40xi32, #tpu.memory_space<vmem>>, %arg9: memref<500x40xi32, #tpu.memory_space<vmem>>, %arg10: memref<2x40x64xf32, #tpu.memory_space<vmem>>, %arg11: memref<10008x64xf32, #tpu.memory_space<vmem_shared>>, %arg12: memref<!tpu.dma_semaphore, #tpu.memory_space<semaphore_mem>>, %arg13: memref<!tpu.dma_semaphore, #tpu.memory_space<semaphore_mem>>) attributes {dimension_semantics = [#tpu.dimension_semantics<core_parallel>, #tpu.dimension_semantics<subcore_parallel>], iteration_bounds = array<i64: 2, 16>, scalar_prefetch = 0 : i64, scratch_operands = 6 : i64, tpu.core_type = #tpu.core_type<sc_vector_subcore>, window_params = [{transform_indices = #map}, {transform_indices = #map}, {transform_indices = #map1}, {transform_indices = #map1}, {transform_indices = #map}, {transform_indices = #map1}]} {
    %mul3A = arith.constant 624 : i32
    %mul3A_0 = arith.muli %arg1, %mul3A : i32
    %multiple_of3A = tpu.assume_multiple %mul3A_0, 8 : i32
    "tpu.region"() ({
      %run_scoped3A = tpu.sem_alloc : memref<!tpu.dma_semaphore, #tpu.memory_space<semaphore_mem>>
      %dma_start3A = arith.constant 0 : i32
      %dma_start3A_19 = arith.constant 0 : i32
      %dma_start3A_20 = tpu.memref_slice %arg4[%arg1, %dma_start3A, %dma_start3A_19] : memref<16x500x40xi32, #tpu.memory_space<hbm>> -> memref<1x500x40xi32, #tpu.memory_space<hbm>>
      %dma_start3A_21 = tpu.memref_squeeze %dma_start3A_20 : memref<1x500x40xi32, #tpu.memory_space<hbm>> -> memref<500x40xi32, #tpu.memory_space<hbm>>
      %dma_start3A_22 = arith.constant 0 : i32
      %dma_start3A_23 = arith.constant 0 : i32
      %dma_start3A_24 = tpu.memref_slice %arg4[%arg1, %dma_start3A_22, %dma_start3A_23] : memref<16x500x40xi32, #tpu.memory_space<hbm>> -> memref<1x500x40xi32, #tpu.memory_space<hbm>>
      %dma_start3A_25 = tpu.memref_squeeze %dma_start3A_24 : memref<1x500x40xi32, #tpu.memory_space<hbm>> -> memref<500x40xi32, #tpu.memory_space<hbm>>
      tpu.enqueue_dma source(%dma_start3A_25 : memref<500x40xi32, #tpu.memory_space<hbm>>) target(%arg8 : memref<500x40xi32, #tpu.memory_space<vmem>>) target_semaphore(%run_scoped3A : memref<!tpu.dma_semaphore, #tpu.memory_space<semaphore_mem>>)
      %dma_wait3A = arith.constant 0 : i32
      %dma_wait3A_26 = arith.constant 0 : i32
      %dma_wait3A_27 = tpu.memref_slice %arg4[%arg1, %dma_wait3A, %dma_wait3A_26] : memref<16x500x40xi32, #tpu.memory_space<hbm>> -> memref<1x500x40xi32, #tpu.memory_space<hbm>>
      %dma_wait3A_28 = tpu.memref_squeeze %dma_wait3A_27 : memref<1x500x40xi32, #tpu.memory_space<hbm>> -> memref<500x40xi32, #tpu.memory_space<hbm>>
      %dma_wait3A_29 = arith.constant 0 : i32
      %dma_wait3A_30 = arith.constant 0 : i32
      %dma_wait3A_31 = tpu.memref_slice %arg4[%arg1, %dma_wait3A_29, %dma_wait3A_30] : memref<16x500x40xi32, #tpu.memory_space<hbm>> -> memref<1x500x40xi32, #tpu.memory_space<hbm>>
      %dma_wait3A_32 = tpu.memref_squeeze %dma_wait3A_31 : memref<1x500x40xi32, #tpu.memory_space<hbm>> -> memref<500x40xi32, #tpu.memory_space<hbm>>
      tpu.wait_dma2 semaphore(%run_scoped3A : memref<!tpu.dma_semaphore, #tpu.memory_space<semaphore_mem>>) src(%dma_wait3A_32 : memref<500x40xi32, #tpu.memory_space<hbm>>) dst(%arg8 : memref<500x40xi32, #tpu.memory_space<vmem>>)
      tpu.yield
    }) : () -> ()
    "tpu.region"() ({
      %run_scoped3A = tpu.sem_alloc : memref<!tpu.dma_semaphore, #tpu.memory_space<semaphore_mem>>
      %dma_start3A = arith.constant 0 : i32
      %dma_start3A_19 = arith.constant 0 : i32
      %dma_start3A_20 = tpu.memref_slice %arg5[%arg1, %dma_start3A, %dma_start3A_19] : memref<16x500x40xi32, #tpu.memory_space<hbm>> -> memref<1x500x40xi32, #tpu.memory_space<hbm>>
      %dma_start3A_21 = tpu.memref_squeeze %dma_start3A_20 : memref<1x500x40xi32, #tpu.memory_space<hbm>> -> memref<500x40xi32, #tpu.memory_space<hbm>>
      %dma_start3A_22 = arith.constant 0 : i32
      %dma_start3A_23 = arith.constant 0 : i32
      %dma_start3A_24 = tpu.memref_slice %arg5[%arg1, %dma_start3A_22, %dma_start3A_23] : memref<16x500x40xi32, #tpu.memory_space<hbm>> -> memref<1x500x40xi32, #tpu.memory_space<hbm>>
      %dma_start3A_25 = tpu.memref_squeeze %dma_start3A_24 : memref<1x500x40xi32, #tpu.memory_space<hbm>> -> memref<500x40xi32, #tpu.memory_space<hbm>>
      tpu.enqueue_dma source(%dma_start3A_25 : memref<500x40xi32, #tpu.memory_space<hbm>>) target(%arg9 : memref<500x40xi32, #tpu.memory_space<vmem>>) target_semaphore(%run_scoped3A : memref<!tpu.dma_semaphore, #tpu.memory_space<semaphore_mem>>)
      %dma_wait3A = arith.constant 0 : i32
      %dma_wait3A_26 = arith.constant 0 : i32
      %dma_wait3A_27 = tpu.memref_slice %arg5[%arg1, %dma_wait3A, %dma_wait3A_26] : memref<16x500x40xi32, #tpu.memory_space<hbm>> -> memref<1x500x40xi32, #tpu.memory_space<hbm>>
      %dma_wait3A_28 = tpu.memref_squeeze %dma_wait3A_27 : memref<1x500x40xi32, #tpu.memory_space<hbm>> -> memref<500x40xi32, #tpu.memory_space<hbm>>
      %dma_wait3A_29 = arith.constant 0 : i32
      %dma_wait3A_30 = arith.constant 0 : i32
      %dma_wait3A_31 = tpu.memref_slice %arg5[%arg1, %dma_wait3A_29, %dma_wait3A_30] : memref<16x500x40xi32, #tpu.memory_space<hbm>> -> memref<1x500x40xi32, #tpu.memory_space<hbm>>
      %dma_wait3A_32 = tpu.memref_squeeze %dma_wait3A_31 : memref<1x500x40xi32, #tpu.memory_space<hbm>> -> memref<500x40xi32, #tpu.memory_space<hbm>>
      tpu.wait_dma2 semaphore(%run_scoped3A : memref<!tpu.dma_semaphore, #tpu.memory_space<semaphore_mem>>) src(%dma_wait3A_32 : memref<500x40xi32, #tpu.memory_space<hbm>>) dst(%arg9 : memref<500x40xi32, #tpu.memory_space<vmem>>)
      tpu.yield
    }) : () -> ()
    "tpu.region"() ({
      %run_scoped3A = tpu.sem_alloc : memref<!tpu.dma_semaphore, #tpu.memory_space<semaphore_mem>>
      %dma_start3A = arith.constant 0 : i32
      %dma_start3A_19 = tpu.memref_slice %arg11[%multiple_of3A, %dma_start3A] : memref<10008x64xf32, #tpu.memory_space<vmem_shared>> -> memref<624x64xf32, #tpu.memory_space<vmem_shared>>
      %dma_start3A_20 = arith.constant 0 : i32
      %dma_start3A_21 = tpu.memref_slice %arg6[%multiple_of3A, %dma_start3A_20] : memref<10000x64xf32, #tpu.memory_space<hbm>> -> memref<624x64xf32, #tpu.memory_space<hbm>>
      tpu.enqueue_dma source(%dma_start3A_21 : memref<624x64xf32, #tpu.memory_space<hbm>>) target(%dma_start3A_19 : memref<624x64xf32, #tpu.memory_space<vmem_shared>>) target_semaphore(%run_scoped3A : memref<!tpu.dma_semaphore, #tpu.memory_space<semaphore_mem>>)
      %dma_wait3A = arith.constant 0 : i32
      %dma_wait3A_22 = tpu.memref_slice %arg11[%multiple_of3A, %dma_wait3A] : memref<10008x64xf32, #tpu.memory_space<vmem_shared>> -> memref<624x64xf32, #tpu.memory_space<vmem_shared>>
      %dma_wait3A_23 = arith.constant 0 : i32
      %dma_wait3A_24 = tpu.memref_slice %arg6[%multiple_of3A, %dma_wait3A_23] : memref<10000x64xf32, #tpu.memory_space<hbm>> -> memref<624x64xf32, #tpu.memory_space<hbm>>
      tpu.wait_dma2 semaphore(%run_scoped3A : memref<!tpu.dma_semaphore, #tpu.memory_space<semaphore_mem>>) src(%dma_wait3A_24 : memref<624x64xf32, #tpu.memory_space<hbm>>) dst(%dma_wait3A_22 : memref<624x64xf32, #tpu.memory_space<vmem_shared>>)
      tpu.yield
    }) : () -> ()
    %eq3A = arith.constant 15 : i32
    %eq3A_1 = arith.cmpi eq, %arg1, %eq3A : i32
    %convert_element_type3A = arith.extui %eq3A_1 : i1 to i32
    %cond3A = arith.constant 0 : i32
    %cond3A_2 = arith.cmpi ne, %convert_element_type3A, %cond3A : i32
    scf.if %cond3A_2 {
      "tpu.region"() ({
        %run_scoped3A = tpu.sem_alloc : memref<!tpu.dma_semaphore, #tpu.memory_space<semaphore_mem>>
        %dma_start3A = arith.constant 9984 : i32
        %dma_start3A_19 = arith.constant 0 : i32
        %dma_start3A_20 = tpu.memref_slice %arg11[%dma_start3A, %dma_start3A_19] : memref<10008x64xf32, #tpu.memory_space<vmem_shared>> -> memref<16x64xf32, #tpu.memory_space<vmem_shared>>
        %dma_start3A_21 = arith.constant 9984 : i32
        %dma_start3A_22 = arith.constant 0 : i32
        %dma_start3A_23 = tpu.memref_slice %arg6[%dma_start3A_21, %dma_start3A_22] : memref<10000x64xf32, #tpu.memory_space<hbm>> -> memref<16x64xf32, #tpu.memory_space<hbm>>
        tpu.enqueue_dma source(%dma_start3A_23 : memref<16x64xf32, #tpu.memory_space<hbm>>) target(%dma_start3A_20 : memref<16x64xf32, #tpu.memory_space<vmem_shared>>) target_semaphore(%run_scoped3A : memref<!tpu.dma_semaphore, #tpu.memory_space<semaphore_mem>>)
        %dma_wait3A = arith.constant 9984 : i32
        %dma_wait3A_24 = arith.constant 0 : i32
        %dma_wait3A_25 = tpu.memref_slice %arg11[%dma_wait3A, %dma_wait3A_24] : memref<10008x64xf32, #tpu.memory_space<vmem_shared>> -> memref<16x64xf32, #tpu.memory_space<vmem_shared>>
        %dma_wait3A_26 = arith.constant 9984 : i32
        %dma_wait3A_27 = arith.constant 0 : i32
        %dma_wait3A_28 = tpu.memref_slice %arg6[%dma_wait3A_26, %dma_wait3A_27] : memref<10000x64xf32, #tpu.memory_space<hbm>> -> memref<16x64xf32, #tpu.memory_space<hbm>>
        tpu.wait_dma2 semaphore(%run_scoped3A : memref<!tpu.dma_semaphore, #tpu.memory_space<semaphore_mem>>) src(%dma_wait3A_28 : memref<16x64xf32, #tpu.memory_space<hbm>>) dst(%dma_wait3A_25 : memref<16x64xf32, #tpu.memory_space<vmem_shared>>)
        tpu.yield
      }) : () -> ()
    } else {
    }
    %barrier3A = arith.constant 0 : index
    tpu.barrier barrier_id(%barrier3A)
    %eq3A_3 = arith.constant 0 : i32
    %eq3A_4 = arith.cmpi eq, %arg0, %eq3A_3 : i32
    %convert_element_type3A_5 = arith.extui %eq3A_4 : i1 to i32
    %cond3A_6 = arith.constant 0 : i32
    %cond3A_7 = arith.cmpi ne, %convert_element_type3A_5, %cond3A_6 : i32
    scf.if %cond3A_7 {
      %dma_start3A = arith.constant 0 : i32
      %dma_start3A_19 = arith.constant 0 : i32
      %dma_start3A_20 = arith.constant 0 : i32
      %dma_start3A_21 = arith.constant 0 : i32
      %dma_start3A_22 = tpu.memref_slice %arg10[%dma_start3A_19, %dma_start3A_20, %dma_start3A_21] : memref<2x40x64xf32, #tpu.memory_space<vmem>> -> memref<1x40x64xf32, #tpu.memory_space<vmem>>
      %dma_start3A_23 = tpu.memref_squeeze %dma_start3A_22 : memref<1x40x64xf32, #tpu.memory_space<vmem>> -> memref<40x64xf32, #tpu.memory_space<vmem>>
      %dma_start3A_24 = arith.constant 0 : i32
      %dma_start3A_25 = tpu.memref_slice %arg8[%dma_start3A, %dma_start3A_24] : memref<500x40xi32, #tpu.memory_space<vmem>> -> memref<1x40xi32, #tpu.memory_space<vmem>>
      %dma_start3A_26 = tpu.memref_squeeze %dma_start3A_25 : memref<1x40xi32, #tpu.memory_space<vmem>> -> memref<40xi32, #tpu.memory_space<vmem>>
      %dma_start3A_27 = arith.constant 0 : i32
      %dma_start3A_28 = arith.constant 0 : i32
      %dma_start3A_29 = tpu.memref_slice %arg2[%dma_start3A_27, %dma_start3A_28] : memref<10000x64xf32, #tpu.memory_space<hbm>> -> memref<10000x64xf32, #tpu.memory_space<hbm>>
      tpu.enqueue_indirect_dma source(%dma_start3A_29 : memref<10000x64xf32, #tpu.memory_space<hbm>>) target(%dma_start3A_23 : memref<40x64xf32, #tpu.memory_space<vmem>>) offsets(%dma_start3A_26 : memref<40xi32, #tpu.memory_space<vmem>>) semaphore(%arg12 : memref<!tpu.dma_semaphore, #tpu.memory_space<semaphore_mem>>)
      %dma_start3A_30 = arith.constant 1 : i32
      %dma_start3A_31 = arith.constant 1 : i32
      %dma_start3A_32 = arith.constant 0 : i32
      %dma_start3A_33 = arith.constant 0 : i32
      %dma_start3A_34 = tpu.memref_slice %arg10[%dma_start3A_31, %dma_start3A_32, %dma_start3A_33] : memref<2x40x64xf32, #tpu.memory_space<vmem>> -> memref<1x40x64xf32, #tpu.memory_space<vmem>>
      %dma_start3A_35 = tpu.memref_squeeze %dma_start3A_34 : memref<1x40x64xf32, #tpu.memory_space<vmem>> -> memref<40x64xf32, #tpu.memory_space<vmem>>
      %dma_start3A_36 = arith.constant 0 : i32
      %dma_start3A_37 = tpu.memref_slice %arg8[%dma_start3A_30, %dma_start3A_36] : memref<500x40xi32, #tpu.memory_space<vmem>> -> memref<1x40xi32, #tpu.memory_space<vmem>>
      %dma_start3A_38 = tpu.memref_squeeze %dma_start3A_37 : memref<1x40xi32, #tpu.memory_space<vmem>> -> memref<40xi32, #tpu.memory_space<vmem>>
      %dma_start3A_39 = arith.constant 0 : i32
      %dma_start3A_40 = arith.constant 0 : i32
      %dma_start3A_41 = tpu.memref_slice %arg2[%dma_start3A_39, %dma_start3A_40] : memref<10000x64xf32, #tpu.memory_space<hbm>> -> memref<10000x64xf32, #tpu.memory_space<hbm>>
      tpu.enqueue_indirect_dma source(%dma_start3A_41 : memref<10000x64xf32, #tpu.memory_space<hbm>>) target(%dma_start3A_35 : memref<40x64xf32, #tpu.memory_space<vmem>>) offsets(%dma_start3A_38 : memref<40xi32, #tpu.memory_space<vmem>>) semaphore(%arg13 : memref<!tpu.dma_semaphore, #tpu.memory_space<semaphore_mem>>)
      %scan3A = arith.constant 0 : i32
      %scan3A_42 = arith.constant 249 : i32
      %scan3A_43 = arith.addi %scan3A, %scan3A_42 : i32
      %scan3A_44 = arith.constant 1 : i32
      scf.for %scan3A_72 = %scan3A to %scan3A_43 step %scan3A_44  : i32 {
        %mul3A_73 = arith.constant 2 : i32
        %mul3A_74 = arith.muli %scan3A_72, %mul3A_73 : i32
        %add3A = arith.constant 0 : i32
        %add3A_75 = arith.addi %add3A, %mul3A_74 : i32
        %add3A_76 = arith.constant 0 : i32
        %add3A_77 = arith.addi %add3A_75, %add3A_76 : i32
        %dma_wait3A_78 = arith.constant 0 : i32
        %dma_wait3A_79 = arith.constant 0 : i32
        %dma_wait3A_80 = arith.constant 0 : i32
        %dma_wait3A_81 = tpu.memref_slice %arg10[%dma_wait3A_78, %dma_wait3A_79, %dma_wait3A_80] : memref<2x40x64xf32, #tpu.memory_space<vmem>> -> memref<1x40x64xf32, #tpu.memory_space<vmem>>
        %dma_wait3A_82 = tpu.memref_squeeze %dma_wait3A_81 : memref<1x40x64xf32, #tpu.memory_space<vmem>> -> memref<40x64xf32, #tpu.memory_space<vmem>>
        %dma_wait3A_83 = arith.constant 0 : i32
        %dma_wait3A_84 = tpu.memref_slice %arg8[%add3A_77, %dma_wait3A_83] : memref<500x40xi32, #tpu.memory_space<vmem>> -> memref<1x40xi32, #tpu.memory_space<vmem>>
        %dma_wait3A_85 = tpu.memref_squeeze %dma_wait3A_84 : memref<1x40xi32, #tpu.memory_space<vmem>> -> memref<40xi32, #tpu.memory_space<vmem>>
        %dma_wait3A_86 = arith.constant 0 : i32
        %dma_wait3A_87 = arith.constant 0 : i32
        %dma_wait3A_88 = tpu.memref_slice %arg2[%dma_wait3A_86, %dma_wait3A_87] : memref<10000x64xf32, #tpu.memory_space<hbm>> -> memref<10000x64xf32, #tpu.memory_space<hbm>>
        tpu.wait_indirect_dma semaphore(%arg12 : memref<!tpu.dma_semaphore, #tpu.memory_space<semaphore_mem>>) src(%dma_wait3A_88 : memref<10000x64xf32, #tpu.memory_space<hbm>>) dst(%dma_wait3A_82 : memref<40x64xf32, #tpu.memory_space<vmem>>)
        %run_scoped3A_89 = arith.constant 0 : i32
        "tpu.region"() ({
          %run_scoped3A_130 = tpu.sem_alloc : memref<!tpu.dma_semaphore, #tpu.memory_space<semaphore_mem>>
          %dma_start3A_131 = arith.constant 0 : i32
          %dma_start3A_132 = arith.constant 0 : i32
          %dma_start3A_133 = tpu.memref_slice %arg10[%run_scoped3A_89, %dma_start3A_131, %dma_start3A_132] : memref<2x40x64xf32, #tpu.memory_space<vmem>> -> memref<1x40x64xf32, #tpu.memory_space<vmem>>
          %dma_start3A_134 = tpu.memref_squeeze %dma_start3A_133 : memref<1x40x64xf32, #tpu.memory_space<vmem>> -> memref<40x64xf32, #tpu.memory_space<vmem>>
          %dma_start3A_135 = arith.constant 0 : i32
          %dma_start3A_136 = tpu.memref_slice %arg9[%add3A_77, %dma_start3A_135] : memref<500x40xi32, #tpu.memory_space<vmem>> -> memref<1x40xi32, #tpu.memory_space<vmem>>
          %dma_start3A_137 = tpu.memref_squeeze %dma_start3A_136 : memref<1x40xi32, #tpu.memory_space<vmem>> -> memref<40xi32, #tpu.memory_space<vmem>>
          %dma_start3A_138 = arith.constant 0 : i32
          %dma_start3A_139 = arith.constant 0 : i32
          %dma_start3A_140 = tpu.memref_slice %arg11[%dma_start3A_138, %dma_start3A_139] : memref<10008x64xf32, #tpu.memory_space<vmem_shared>> -> memref<10008x64xf32, #tpu.memory_space<vmem_shared>>
          tpu.enqueue_indirect_dma source(%dma_start3A_134 : memref<40x64xf32, #tpu.memory_space<vmem>>) target(%dma_start3A_140 : memref<10008x64xf32, #tpu.memory_space<vmem_shared>>) offsets(%dma_start3A_137 : memref<40xi32, #tpu.memory_space<vmem>>) semaphore(%run_scoped3A_130 : memref<!tpu.dma_semaphore, #tpu.memory_space<semaphore_mem>>) {add = true}
          %dma_wait3A_141 = arith.constant 0 : i32
          %dma_wait3A_142 = arith.constant 0 : i32
          %dma_wait3A_143 = tpu.memref_slice %arg10[%run_scoped3A_89, %dma_wait3A_141, %dma_wait3A_142] : memref<2x40x64xf32, #tpu.memory_space<vmem>> -> memref<1x40x64xf32, #tpu.memory_space<vmem>>
          %dma_wait3A_144 = tpu.memref_squeeze %dma_wait3A_143 : memref<1x40x64xf32, #tpu.memory_space<vmem>> -> memref<40x64xf32, #tpu.memory_space<vmem>>
          %dma_wait3A_145 = arith.constant 0 : i32
          %dma_wait3A_146 = tpu.memref_slice %arg9[%add3A_77, %dma_wait3A_145] : memref<500x40xi32, #tpu.memory_space<vmem>> -> memref<1x40xi32, #tpu.memory_space<vmem>>
          %dma_wait3A_147 = tpu.memref_squeeze %dma_wait3A_146 : memref<1x40xi32, #tpu.memory_space<vmem>> -> memref<40xi32, #tpu.memory_space<vmem>>
          %dma_wait3A_148 = arith.constant 0 : i32
          %dma_wait3A_149 = arith.constant 0 : i32
          %dma_wait3A_150 = tpu.memref_slice %arg11[%dma_wait3A_148, %dma_wait3A_149] : memref<10008x64xf32, #tpu.memory_space<vmem_shared>> -> memref<10008x64xf32, #tpu.memory_space<vmem_shared>>
          tpu.wait_indirect_dma semaphore(%run_scoped3A_130 : memref<!tpu.dma_semaphore, #tpu.memory_space<semaphore_mem>>) src(%dma_wait3A_144 : memref<40x64xf32, #tpu.memory_space<vmem>>) dst(%dma_wait3A_150 : memref<10008x64xf32, #tpu.memory_space<vmem_shared>>)
          tpu.yield
        }) : () -> ()
        %add3A_90 = arith.constant 2 : i32
        %add3A_91 = arith.addi %add3A_77, %add3A_90 : i32
        %dma_start3A_92 = arith.constant 0 : i32
        %dma_start3A_93 = arith.constant 0 : i32
        %dma_start3A_94 = arith.constant 0 : i32
        %dma_start3A_95 = tpu.memref_slice %arg10[%dma_start3A_92, %dma_start3A_93, %dma_start3A_94] : memref<2x40x64xf32, #tpu.memory_space<vmem>> -> memref<1x40x64xf32, #tpu.memory_space<vmem>>
        %dma_start3A_96 = tpu.memref_squeeze %dma_start3A_95 : memref<1x40x64xf32, #tpu.memory_space<vmem>> -> memref<40x64xf32, #tpu.memory_space<vmem>>
        %dma_start3A_97 = arith.constant 0 : i32
        %dma_start3A_98 = tpu.memref_slice %arg8[%add3A_91, %dma_start3A_97] : memref<500x40xi32, #tpu.memory_space<vmem>> -> memref<1x40xi32, #tpu.memory_space<vmem>>
        %dma_start3A_99 = tpu.memref_squeeze %dma_start3A_98 : memref<1x40xi32, #tpu.memory_space<vmem>> -> memref<40xi32, #tpu.memory_space<vmem>>
        %dma_start3A_100 = arith.constant 0 : i32
        %dma_start3A_101 = arith.constant 0 : i32
        %dma_start3A_102 = tpu.memref_slice %arg2[%dma_start3A_100, %dma_start3A_101] : memref<10000x64xf32, #tpu.memory_space<hbm>> -> memref<10000x64xf32, #tpu.memory_space<hbm>>
        tpu.enqueue_indirect_dma source(%dma_start3A_102 : memref<10000x64xf32, #tpu.memory_space<hbm>>) target(%dma_start3A_96 : memref<40x64xf32, #tpu.memory_space<vmem>>) offsets(%dma_start3A_99 : memref<40xi32, #tpu.memory_space<vmem>>) semaphore(%arg12 : memref<!tpu.dma_semaphore, #tpu.memory_space<semaphore_mem>>)
        %add3A_103 = arith.constant 1 : i32
        %add3A_104 = arith.addi %add3A_75, %add3A_103 : i32
        %dma_wait3A_105 = arith.constant 1 : i32
        %dma_wait3A_106 = arith.constant 0 : i32
        %dma_wait3A_107 = arith.constant 0 : i32
        %dma_wait3A_108 = tpu.memref_slice %arg10[%dma_wait3A_105, %dma_wait3A_106, %dma_wait3A_107] : memref<2x40x64xf32, #tpu.memory_space<vmem>> -> memref<1x40x64xf32, #tpu.memory_space<vmem>>
        %dma_wait3A_109 = tpu.memref_squeeze %dma_wait3A_108 : memref<1x40x64xf32, #tpu.memory_space<vmem>> -> memref<40x64xf32, #tpu.memory_space<vmem>>
        %dma_wait3A_110 = arith.constant 0 : i32
        %dma_wait3A_111 = tpu.memref_slice %arg8[%add3A_104, %dma_wait3A_110] : memref<500x40xi32, #tpu.memory_space<vmem>> -> memref<1x40xi32, #tpu.memory_space<vmem>>
        %dma_wait3A_112 = tpu.memref_squeeze %dma_wait3A_111 : memref<1x40xi32, #tpu.memory_space<vmem>> -> memref<40xi32, #tpu.memory_space<vmem>>
        %dma_wait3A_113 = arith.constant 0 : i32
        %dma_wait3A_114 = arith.constant 0 : i32
        %dma_wait3A_115 = tpu.memref_slice %arg2[%dma_wait3A_113, %dma_wait3A_114] : memref<10000x64xf32, #tpu.memory_space<hbm>> -> memref<10000x64xf32, #tpu.memory_space<hbm>>
        tpu.wait_indirect_dma semaphore(%arg13 : memref<!tpu.dma_semaphore, #tpu.memory_space<semaphore_mem>>) src(%dma_wait3A_115 : memref<10000x64xf32, #tpu.memory_space<hbm>>) dst(%dma_wait3A_109 : memref<40x64xf32, #tpu.memory_space<vmem>>)
        %run_scoped3A_116 = arith.constant 1 : i32
        "tpu.region"() ({
          %run_scoped3A_130 = tpu.sem_alloc : memref<!tpu.dma_semaphore, #tpu.memory_space<semaphore_mem>>
          %dma_start3A_131 = arith.constant 0 : i32
          %dma_start3A_132 = arith.constant 0 : i32
          %dma_start3A_133 = tpu.memref_slice %arg10[%run_scoped3A_116, %dma_start3A_131, %dma_start3A_132] : memref<2x40x64xf32, #tpu.memory_space<vmem>> -> memref<1x40x64xf32, #tpu.memory_space<vmem>>
          %dma_start3A_134 = tpu.memref_squeeze %dma_start3A_133 : memref<1x40x64xf32, #tpu.memory_space<vmem>> -> memref<40x64xf32, #tpu.memory_space<vmem>>
          %dma_start3A_135 = arith.constant 0 : i32
          %dma_start3A_136 = tpu.memref_slice %arg9[%add3A_104, %dma_start3A_135] : memref<500x40xi32, #tpu.memory_space<vmem>> -> memref<1x40xi32, #tpu.memory_space<vmem>>
          %dma_start3A_137 = tpu.memref_squeeze %dma_start3A_136 : memref<1x40xi32, #tpu.memory_space<vmem>> -> memref<40xi32, #tpu.memory_space<vmem>>
          %dma_start3A_138 = arith.constant 0 : i32
          %dma_start3A_139 = arith.constant 0 : i32
          %dma_start3A_140 = tpu.memref_slice %arg11[%dma_start3A_138, %dma_start3A_139] : memref<10008x64xf32, #tpu.memory_space<vmem_shared>> -> memref<10008x64xf32, #tpu.memory_space<vmem_shared>>
          tpu.enqueue_indirect_dma source(%dma_start3A_134 : memref<40x64xf32, #tpu.memory_space<vmem>>) target(%dma_start3A_140 : memref<10008x64xf32, #tpu.memory_space<vmem_shared>>) offsets(%dma_start3A_137 : memref<40xi32, #tpu.memory_space<vmem>>) semaphore(%run_scoped3A_130 : memref<!tpu.dma_semaphore, #tpu.memory_space<semaphore_mem>>) {add = true}
          %dma_wait3A_141 = arith.constant 0 : i32
          %dma_wait3A_142 = arith.constant 0 : i32
          %dma_wait3A_143 = tpu.memref_slice %arg10[%run_scoped3A_116, %dma_wait3A_141, %dma_wait3A_142] : memref<2x40x64xf32, #tpu.memory_space<vmem>> -> memref<1x40x64xf32, #tpu.memory_space<vmem>>
          %dma_wait3A_144 = tpu.memref_squeeze %dma_wait3A_143 : memref<1x40x64xf32, #tpu.memory_space<vmem>> -> memref<40x64xf32, #tpu.memory_space<vmem>>
          %dma_wait3A_145 = arith.constant 0 : i32
          %dma_wait3A_146 = tpu.memref_slice %arg9[%add3A_104, %dma_wait3A_145] : memref<500x40xi32, #tpu.memory_space<vmem>> -> memref<1x40xi32, #tpu.memory_space<vmem>>
          %dma_wait3A_147 = tpu.memref_squeeze %dma_wait3A_146 : memref<1x40xi32, #tpu.memory_space<vmem>> -> memref<40xi32, #tpu.memory_space<vmem>>
          %dma_wait3A_148 = arith.constant 0 : i32
          %dma_wait3A_149 = arith.constant 0 : i32
          %dma_wait3A_150 = tpu.memref_slice %arg11[%dma_wait3A_148, %dma_wait3A_149] : memref<10008x64xf32, #tpu.memory_space<vmem_shared>> -> memref<10008x64xf32, #tpu.memory_space<vmem_shared>>
          tpu.wait_indirect_dma semaphore(%run_scoped3A_130 : memref<!tpu.dma_semaphore, #tpu.memory_space<semaphore_mem>>) src(%dma_wait3A_144 : memref<40x64xf32, #tpu.memory_space<vmem>>) dst(%dma_wait3A_150 : memref<10008x64xf32, #tpu.memory_space<vmem_shared>>)
          tpu.yield
        }) : () -> ()
        %add3A_117 = arith.constant 2 : i32
        %add3A_118 = arith.addi %add3A_104, %add3A_117 : i32
        %dma_start3A_119 = arith.constant 1 : i32
        %dma_start3A_120 = arith.constant 0 : i32
        %dma_start3A_121 = arith.constant 0 : i32
        %dma_start3A_122 = tpu.memref_slice %arg10[%dma_start3A_119, %dma_start3A_120, %dma_start3A_121] : memref<2x40x64xf32, #tpu.memory_space<vmem>> -> memref<1x40x64xf32, #tpu.memory_space<vmem>>
        %dma_start3A_123 = tpu.memref_squeeze %dma_start3A_122 : memref<1x40x64xf32, #tpu.memory_space<vmem>> -> memref<40x64xf32, #tpu.memory_space<vmem>>
        %dma_start3A_124 = arith.constant 0 : i32
        %dma_start3A_125 = tpu.memref_slice %arg8[%add3A_118, %dma_start3A_124] : memref<500x40xi32, #tpu.memory_space<vmem>> -> memref<1x40xi32, #tpu.memory_space<vmem>>
        %dma_start3A_126 = tpu.memref_squeeze %dma_start3A_125 : memref<1x40xi32, #tpu.memory_space<vmem>> -> memref<40xi32, #tpu.memory_space<vmem>>
        %dma_start3A_127 = arith.constant 0 : i32
        %dma_start3A_128 = arith.constant 0 : i32
        %dma_start3A_129 = tpu.memref_slice %arg2[%dma_start3A_127, %dma_start3A_128] : memref<10000x64xf32, #tpu.memory_space<hbm>> -> memref<10000x64xf32, #tpu.memory_space<hbm>>
        tpu.enqueue_indirect_dma source(%dma_start3A_129 : memref<10000x64xf32, #tpu.memory_space<hbm>>) target(%dma_start3A_123 : memref<40x64xf32, #tpu.memory_space<vmem>>) offsets(%dma_start3A_126 : memref<40xi32, #tpu.memory_space<vmem>>) semaphore(%arg13 : memref<!tpu.dma_semaphore, #tpu.memory_space<semaphore_mem>>)
      }
      %scan3A_45 = arith.constant 249 : i32
      %dma_wait3A = arith.constant 498 : i32
      %dma_wait3A_46 = arith.constant 0 : i32
      %dma_wait3A_47 = arith.constant 0 : i32
      %dma_wait3A_48 = arith.constant 0 : i32
      %dma_wait3A_49 = tpu.memref_slice %arg10[%dma_wait3A_46, %dma_wait3A_47, %dma_wait3A_48] : memref<2x40x64xf32, #tpu.memory_space<vmem>> -> memref<1x40x64xf32, #tpu.memory_space<vmem>>
      %dma_wait3A_50 = tpu.memref_squeeze %dma_wait3A_49 : memref<1x40x64xf32, #tpu.memory_space<vmem>> -> memref<40x64xf32, #tpu.memory_space<vmem>>
      %dma_wait3A_51 = arith.constant 0 : i32
      %dma_wait3A_52 = tpu.memref_slice %arg8[%dma_wait3A, %dma_wait3A_51] : memref<500x40xi32, #tpu.memory_space<vmem>> -> memref<1x40xi32, #tpu.memory_space<vmem>>
      %dma_wait3A_53 = tpu.memref_squeeze %dma_wait3A_52 : memref<1x40xi32, #tpu.memory_space<vmem>> -> memref<40xi32, #tpu.memory_space<vmem>>
      %dma_wait3A_54 = arith.constant 0 : i32
      %dma_wait3A_55 = arith.constant 0 : i32
      %dma_wait3A_56 = tpu.memref_slice %arg2[%dma_wait3A_54, %dma_wait3A_55] : memref<10000x64xf32, #tpu.memory_space<hbm>> -> memref<10000x64xf32, #tpu.memory_space<hbm>>
      tpu.wait_indirect_dma semaphore(%arg12 : memref<!tpu.dma_semaphore, #tpu.memory_space<semaphore_mem>>) src(%dma_wait3A_56 : memref<10000x64xf32, #tpu.memory_space<hbm>>) dst(%dma_wait3A_50 : memref<40x64xf32, #tpu.memory_space<vmem>>)
      %run_scoped3A = arith.constant 0 : i32
      %run_scoped3A_57 = arith.constant 498 : i32
      "tpu.region"() ({
        %run_scoped3A_72 = tpu.sem_alloc : memref<!tpu.dma_semaphore, #tpu.memory_space<semaphore_mem>>
        %dma_start3A_73 = arith.constant 0 : i32
        %dma_start3A_74 = arith.constant 0 : i32
        %dma_start3A_75 = tpu.memref_slice %arg10[%run_scoped3A, %dma_start3A_73, %dma_start3A_74] : memref<2x40x64xf32, #tpu.memory_space<vmem>> -> memref<1x40x64xf32, #tpu.memory_space<vmem>>
        %dma_start3A_76 = tpu.memref_squeeze %dma_start3A_75 : memref<1x40x64xf32, #tpu.memory_space<vmem>> -> memref<40x64xf32, #tpu.memory_space<vmem>>
        %dma_start3A_77 = arith.constant 0 : i32
        %dma_start3A_78 = tpu.memref_slice %arg9[%run_scoped3A_57, %dma_start3A_77] : memref<500x40xi32, #tpu.memory_space<vmem>> -> memref<1x40xi32, #tpu.memory_space<vmem>>
        %dma_start3A_79 = tpu.memref_squeeze %dma_start3A_78 : memref<1x40xi32, #tpu.memory_space<vmem>> -> memref<40xi32, #tpu.memory_space<vmem>>
        %dma_start3A_80 = arith.constant 0 : i32
        %dma_start3A_81 = arith.constant 0 : i32
        %dma_start3A_82 = tpu.memref_slice %arg11[%dma_start3A_80, %dma_start3A_81] : memref<10008x64xf32, #tpu.memory_space<vmem_shared>> -> memref<10008x64xf32, #tpu.memory_space<vmem_shared>>
        tpu.enqueue_indirect_dma source(%dma_start3A_76 : memref<40x64xf32, #tpu.memory_space<vmem>>) target(%dma_start3A_82 : memref<10008x64xf32, #tpu.memory_space<vmem_shared>>) offsets(%dma_start3A_79 : memref<40xi32, #tpu.memory_space<vmem>>) semaphore(%run_scoped3A_72 : memref<!tpu.dma_semaphore, #tpu.memory_space<semaphore_mem>>) {add = true}
        %dma_wait3A_83 = arith.constant 0 : i32
        %dma_wait3A_84 = arith.constant 0 : i32
        %dma_wait3A_85 = tpu.memref_slice %arg10[%run_scoped3A, %dma_wait3A_83, %dma_wait3A_84] : memref<2x40x64xf32, #tpu.memory_space<vmem>> -> memref<1x40x64xf32, #tpu.memory_space<vmem>>
        %dma_wait3A_86 = tpu.memref_squeeze %dma_wait3A_85 : memref<1x40x64xf32, #tpu.memory_space<vmem>> -> memref<40x64xf32, #tpu.memory_space<vmem>>
        %dma_wait3A_87 = arith.constant 0 : i32
        %dma_wait3A_88 = tpu.memref_slice %arg9[%run_scoped3A_57, %dma_wait3A_87] : memref<500x40xi32, #tpu.memory_space<vmem>> -> memref<1x40xi32, #tpu.memory_space<vmem>>
        %dma_wait3A_89 = tpu.memref_squeeze %dma_wait3A_88 : memref<1x40xi32, #tpu.memory_space<vmem>> -> memref<40xi32, #tpu.memory_space<vmem>>
        %dma_wait3A_90 = arith.constant 0 : i32
        %dma_wait3A_91 = arith.constant 0 : i32
        %dma_wait3A_92 = tpu.memref_slice %arg11[%dma_wait3A_90, %dma_wait3A_91] : memref<10008x64xf32, #tpu.memory_space<vmem_shared>> -> memref<10008x64xf32, #tpu.memory_space<vmem_shared>>
        tpu.wait_indirect_dma semaphore(%run_scoped3A_72 : memref<!tpu.dma_semaphore, #tpu.memory_space<semaphore_mem>>) src(%dma_wait3A_86 : memref<40x64xf32, #tpu.memory_space<vmem>>) dst(%dma_wait3A_92 : memref<10008x64xf32, #tpu.memory_space<vmem_shared>>)
        tpu.yield
      }) : () -> ()
      %dma_wait3A_58 = arith.constant 499 : i32
      %dma_wait3A_59 = arith.constant 1 : i32
      %dma_wait3A_60 = arith.constant 0 : i32
      %dma_wait3A_61 = arith.constant 0 : i32
      %dma_wait3A_62 = tpu.memref_slice %arg10[%dma_wait3A_59, %dma_wait3A_60, %dma_wait3A_61] : memref<2x40x64xf32, #tpu.memory_space<vmem>> -> memref<1x40x64xf32, #tpu.memory_space<vmem>>
      %dma_wait3A_63 = tpu.memref_squeeze %dma_wait3A_62 : memref<1x40x64xf32, #tpu.memory_space<vmem>> -> memref<40x64xf32, #tpu.memory_space<vmem>>
      %dma_wait3A_64 = arith.constant 0 : i32
      %dma_wait3A_65 = tpu.memref_slice %arg8[%dma_wait3A_58, %dma_wait3A_64] : memref<500x40xi32, #tpu.memory_space<vmem>> -> memref<1x40xi32, #tpu.memory_space<vmem>>
      %dma_wait3A_66 = tpu.memref_squeeze %dma_wait3A_65 : memref<1x40xi32, #tpu.memory_space<vmem>> -> memref<40xi32, #tpu.memory_space<vmem>>
      %dma_wait3A_67 = arith.constant 0 : i32
      %dma_wait3A_68 = arith.constant 0 : i32
      %dma_wait3A_69 = tpu.memref_slice %arg2[%dma_wait3A_67, %dma_wait3A_68] : memref<10000x64xf32, #tpu.memory_space<hbm>> -> memref<10000x64xf32, #tpu.memory_space<hbm>>
      tpu.wait_indirect_dma semaphore(%arg13 : memref<!tpu.dma_semaphore, #tpu.memory_space<semaphore_mem>>) src(%dma_wait3A_69 : memref<10000x64xf32, #tpu.memory_space<hbm>>) dst(%dma_wait3A_63 : memref<40x64xf32, #tpu.memory_space<vmem>>)
      %run_scoped3A_70 = arith.constant 1 : i32
      %run_scoped3A_71 = arith.constant 499 : i32
      "tpu.region"() ({
        %run_scoped3A_72 = tpu.sem_alloc : memref<!tpu.dma_semaphore, #tpu.memory_space<semaphore_mem>>
        %dma_start3A_73 = arith.constant 0 : i32
        %dma_start3A_74 = arith.constant 0 : i32
        %dma_start3A_75 = tpu.memref_slice %arg10[%run_scoped3A_70, %dma_start3A_73, %dma_start3A_74] : memref<2x40x64xf32, #tpu.memory_space<vmem>> -> memref<1x40x64xf32, #tpu.memory_space<vmem>>
        %dma_start3A_76 = tpu.memref_squeeze %dma_start3A_75 : memref<1x40x64xf32, #tpu.memory_space<vmem>> -> memref<40x64xf32, #tpu.memory_space<vmem>>
        %dma_start3A_77 = arith.constant 0 : i32
        %dma_start3A_78 = tpu.memref_slice %arg9[%run_scoped3A_71, %dma_start3A_77] : memref<500x40xi32, #tpu.memory_space<vmem>> -> memref<1x40xi32, #tpu.memory_space<vmem>>
        %dma_start3A_79 = tpu.memref_squeeze %dma_start3A_78 : memref<1x40xi32, #tpu.memory_space<vmem>> -> memref<40xi32, #tpu.memory_space<vmem>>
        %dma_start3A_80 = arith.constant 0 : i32
        %dma_start3A_81 = arith.constant 0 : i32
        %dma_start3A_82 = tpu.memref_slice %arg11[%dma_start3A_80, %dma_start3A_81] : memref<10008x64xf32, #tpu.memory_space<vmem_shared>> -> memref<10008x64xf32, #tpu.memory_space<vmem_shared>>
        tpu.enqueue_indirect_dma source(%dma_start3A_76 : memref<40x64xf32, #tpu.memory_space<vmem>>) target(%dma_start3A_82 : memref<10008x64xf32, #tpu.memory_space<vmem_shared>>) offsets(%dma_start3A_79 : memref<40xi32, #tpu.memory_space<vmem>>) semaphore(%run_scoped3A_72 : memref<!tpu.dma_semaphore, #tpu.memory_space<semaphore_mem>>) {add = true}
        %dma_wait3A_83 = arith.constant 0 : i32
        %dma_wait3A_84 = arith.constant 0 : i32
        %dma_wait3A_85 = tpu.memref_slice %arg10[%run_scoped3A_70, %dma_wait3A_83, %dma_wait3A_84] : memref<2x40x64xf32, #tpu.memory_space<vmem>> -> memref<1x40x64xf32, #tpu.memory_space<vmem>>
        %dma_wait3A_86 = tpu.memref_squeeze %dma_wait3A_85 : memref<1x40x64xf32, #tpu.memory_space<vmem>> -> memref<40x64xf32, #tpu.memory_space<vmem>>
        %dma_wait3A_87 = arith.constant 0 : i32
        %dma_wait3A_88 = tpu.memref_slice %arg9[%run_scoped3A_71, %dma_wait3A_87] : memref<500x40xi32, #tpu.memory_space<vmem>> -> memref<1x40xi32, #tpu.memory_space<vmem>>
        %dma_wait3A_89 = tpu.memref_squeeze %dma_wait3A_88 : memref<1x40xi32, #tpu.memory_space<vmem>> -> memref<40xi32, #tpu.memory_space<vmem>>
        %dma_wait3A_90 = arith.constant 0 : i32
        %dma_wait3A_91 = arith.constant 0 : i32
        %dma_wait3A_92 = tpu.memref_slice %arg11[%dma_wait3A_90, %dma_wait3A_91] : memref<10008x64xf32, #tpu.memory_space<vmem_shared>> -> memref<10008x64xf32, #tpu.memory_space<vmem_shared>>
        tpu.wait_indirect_dma semaphore(%run_scoped3A_72 : memref<!tpu.dma_semaphore, #tpu.memory_space<semaphore_mem>>) src(%dma_wait3A_86 : memref<40x64xf32, #tpu.memory_space<vmem>>) dst(%dma_wait3A_92 : memref<10008x64xf32, #tpu.memory_space<vmem_shared>>)
        tpu.yield
      }) : () -> ()
    } else {
    }
    %eq3A_8 = arith.constant 1 : i32
    %eq3A_9 = arith.cmpi eq, %arg0, %eq3A_8 : i32
    %convert_element_type3A_10 = arith.extui %eq3A_9 : i1 to i32
    %cond3A_11 = arith.constant 0 : i32
    %cond3A_12 = arith.cmpi ne, %convert_element_type3A_10, %cond3A_11 : i32
    scf.if %cond3A_12 {
      %dma_start3A = arith.constant 0 : i32
      %dma_start3A_19 = arith.constant 0 : i32
      %dma_start3A_20 = arith.constant 0 : i32
      %dma_start3A_21 = arith.constant 0 : i32
      %dma_start3A_22 = tpu.memref_slice %arg10[%dma_start3A_19, %dma_start3A_20, %dma_start3A_21] : memref<2x40x64xf32, #tpu.memory_space<vmem>> -> memref<1x40x64xf32, #tpu.memory_space<vmem>>
      %dma_start3A_23 = tpu.memref_squeeze %dma_start3A_22 : memref<1x40x64xf32, #tpu.memory_space<vmem>> -> memref<40x64xf32, #tpu.memory_space<vmem>>
      %dma_start3A_24 = arith.constant 0 : i32
      %dma_start3A_25 = tpu.memref_slice %arg8[%dma_start3A, %dma_start3A_24] : memref<500x40xi32, #tpu.memory_space<vmem>> -> memref<1x40xi32, #tpu.memory_space<vmem>>
      %dma_start3A_26 = tpu.memref_squeeze %dma_start3A_25 : memref<1x40xi32, #tpu.memory_space<vmem>> -> memref<40xi32, #tpu.memory_space<vmem>>
      %dma_start3A_27 = arith.constant 0 : i32
      %dma_start3A_28 = arith.constant 0 : i32
      %dma_start3A_29 = tpu.memref_slice %arg3[%dma_start3A_27, %dma_start3A_28] : memref<10000x64xf32, #tpu.memory_space<hbm>> -> memref<10000x64xf32, #tpu.memory_space<hbm>>
      tpu.enqueue_indirect_dma source(%dma_start3A_29 : memref<10000x64xf32, #tpu.memory_space<hbm>>) target(%dma_start3A_23 : memref<40x64xf32, #tpu.memory_space<vmem>>) offsets(%dma_start3A_26 : memref<40xi32, #tpu.memory_space<vmem>>) semaphore(%arg12 : memref<!tpu.dma_semaphore, #tpu.memory_space<semaphore_mem>>)
      %dma_start3A_30 = arith.constant 1 : i32
      %dma_start3A_31 = arith.constant 1 : i32
      %dma_start3A_32 = arith.constant 0 : i32
      %dma_start3A_33 = arith.constant 0 : i32
      %dma_start3A_34 = tpu.memref_slice %arg10[%dma_start3A_31, %dma_start3A_32, %dma_start3A_33] : memref<2x40x64xf32, #tpu.memory_space<vmem>> -> memref<1x40x64xf32, #tpu.memory_space<vmem>>
      %dma_start3A_35 = tpu.memref_squeeze %dma_start3A_34 : memref<1x40x64xf32, #tpu.memory_space<vmem>> -> memref<40x64xf32, #tpu.memory_space<vmem>>
      %dma_start3A_36 = arith.constant 0 : i32
      %dma_start3A_37 = tpu.memref_slice %arg8[%dma_start3A_30, %dma_start3A_36] : memref<500x40xi32, #tpu.memory_space<vmem>> -> memref<1x40xi32, #tpu.memory_space<vmem>>
      %dma_start3A_38 = tpu.memref_squeeze %dma_start3A_37 : memref<1x40xi32, #tpu.memory_space<vmem>> -> memref<40xi32, #tpu.memory_space<vmem>>
      %dma_start3A_39 = arith.constant 0 : i32
      %dma_start3A_40 = arith.constant 0 : i32
      %dma_start3A_41 = tpu.memref_slice %arg3[%dma_start3A_39, %dma_start3A_40] : memref<10000x64xf32, #tpu.memory_space<hbm>> -> memref<10000x64xf32, #tpu.memory_space<hbm>>
      tpu.enqueue_indirect_dma source(%dma_start3A_41 : memref<10000x64xf32, #tpu.memory_space<hbm>>) target(%dma_start3A_35 : memref<40x64xf32, #tpu.memory_space<vmem>>) offsets(%dma_start3A_38 : memref<40xi32, #tpu.memory_space<vmem>>) semaphore(%arg13 : memref<!tpu.dma_semaphore, #tpu.memory_space<semaphore_mem>>)
      %scan3A = arith.constant 0 : i32
      %scan3A_42 = arith.constant 249 : i32
      %scan3A_43 = arith.addi %scan3A, %scan3A_42 : i32
      %scan3A_44 = arith.constant 1 : i32
      scf.for %scan3A_72 = %scan3A to %scan3A_43 step %scan3A_44  : i32 {
        %mul3A_73 = arith.constant 2 : i32
        %mul3A_74 = arith.muli %scan3A_72, %mul3A_73 : i32
        %add3A = arith.constant 0 : i32
        %add3A_75 = arith.addi %add3A, %mul3A_74 : i32
        %add3A_76 = arith.constant 0 : i32
        %add3A_77 = arith.addi %add3A_75, %add3A_76 : i32
        %dma_wait3A_78 = arith.constant 0 : i32
        %dma_wait3A_79 = arith.constant 0 : i32
        %dma_wait3A_80 = arith.constant 0 : i32
        %dma_wait3A_81 = tpu.memref_slice %arg10[%dma_wait3A_78, %dma_wait3A_79, %dma_wait3A_80] : memref<2x40x64xf32, #tpu.memory_space<vmem>> -> memref<1x40x64xf32, #tpu.memory_space<vmem>>
        %dma_wait3A_82 = tpu.memref_squeeze %dma_wait3A_81 : memref<1x40x64xf32, #tpu.memory_space<vmem>> -> memref<40x64xf32, #tpu.memory_space<vmem>>
        %dma_wait3A_83 = arith.constant 0 : i32
        %dma_wait3A_84 = tpu.memref_slice %arg8[%add3A_77, %dma_wait3A_83] : memref<500x40xi32, #tpu.memory_space<vmem>> -> memref<1x40xi32, #tpu.memory_space<vmem>>
        %dma_wait3A_85 = tpu.memref_squeeze %dma_wait3A_84 : memref<1x40xi32, #tpu.memory_space<vmem>> -> memref<40xi32, #tpu.memory_space<vmem>>
        %dma_wait3A_86 = arith.constant 0 : i32
        %dma_wait3A_87 = arith.constant 0 : i32
        %dma_wait3A_88 = tpu.memref_slice %arg3[%dma_wait3A_86, %dma_wait3A_87] : memref<10000x64xf32, #tpu.memory_space<hbm>> -> memref<10000x64xf32, #tpu.memory_space<hbm>>
        tpu.wait_indirect_dma semaphore(%arg12 : memref<!tpu.dma_semaphore, #tpu.memory_space<semaphore_mem>>) src(%dma_wait3A_88 : memref<10000x64xf32, #tpu.memory_space<hbm>>) dst(%dma_wait3A_82 : memref<40x64xf32, #tpu.memory_space<vmem>>)
        %run_scoped3A_89 = arith.constant 0 : i32
        "tpu.region"() ({
          %run_scoped3A_130 = tpu.sem_alloc : memref<!tpu.dma_semaphore, #tpu.memory_space<semaphore_mem>>
          %dma_start3A_131 = arith.constant 0 : i32
          %dma_start3A_132 = arith.constant 0 : i32
          %dma_start3A_133 = tpu.memref_slice %arg10[%run_scoped3A_89, %dma_start3A_131, %dma_start3A_132] : memref<2x40x64xf32, #tpu.memory_space<vmem>> -> memref<1x40x64xf32, #tpu.memory_space<vmem>>
          %dma_start3A_134 = tpu.memref_squeeze %dma_start3A_133 : memref<1x40x64xf32, #tpu.memory_space<vmem>> -> memref<40x64xf32, #tpu.memory_space<vmem>>
          %dma_start3A_135 = arith.constant 0 : i32
          %dma_start3A_136 = tpu.memref_slice %arg9[%add3A_77, %dma_start3A_135] : memref<500x40xi32, #tpu.memory_space<vmem>> -> memref<1x40xi32, #tpu.memory_space<vmem>>
          %dma_start3A_137 = tpu.memref_squeeze %dma_start3A_136 : memref<1x40xi32, #tpu.memory_space<vmem>> -> memref<40xi32, #tpu.memory_space<vmem>>
          %dma_start3A_138 = arith.constant 0 : i32
          %dma_start3A_139 = arith.constant 0 : i32
          %dma_start3A_140 = tpu.memref_slice %arg11[%dma_start3A_138, %dma_start3A_139] : memref<10008x64xf32, #tpu.memory_space<vmem_shared>> -> memref<10008x64xf32, #tpu.memory_space<vmem_shared>>
          tpu.enqueue_indirect_dma source(%dma_start3A_134 : memref<40x64xf32, #tpu.memory_space<vmem>>) target(%dma_start3A_140 : memref<10008x64xf32, #tpu.memory_space<vmem_shared>>) offsets(%dma_start3A_137 : memref<40xi32, #tpu.memory_space<vmem>>) semaphore(%run_scoped3A_130 : memref<!tpu.dma_semaphore, #tpu.memory_space<semaphore_mem>>) {add = true}
          %dma_wait3A_141 = arith.constant 0 : i32
          %dma_wait3A_142 = arith.constant 0 : i32
          %dma_wait3A_143 = tpu.memref_slice %arg10[%run_scoped3A_89, %dma_wait3A_141, %dma_wait3A_142] : memref<2x40x64xf32, #tpu.memory_space<vmem>> -> memref<1x40x64xf32, #tpu.memory_space<vmem>>
          %dma_wait3A_144 = tpu.memref_squeeze %dma_wait3A_143 : memref<1x40x64xf32, #tpu.memory_space<vmem>> -> memref<40x64xf32, #tpu.memory_space<vmem>>
          %dma_wait3A_145 = arith.constant 0 : i32
          %dma_wait3A_146 = tpu.memref_slice %arg9[%add3A_77, %dma_wait3A_145] : memref<500x40xi32, #tpu.memory_space<vmem>> -> memref<1x40xi32, #tpu.memory_space<vmem>>
          %dma_wait3A_147 = tpu.memref_squeeze %dma_wait3A_146 : memref<1x40xi32, #tpu.memory_space<vmem>> -> memref<40xi32, #tpu.memory_space<vmem>>
          %dma_wait3A_148 = arith.constant 0 : i32
          %dma_wait3A_149 = arith.constant 0 : i32
          %dma_wait3A_150 = tpu.memref_slice %arg11[%dma_wait3A_148, %dma_wait3A_149] : memref<10008x64xf32, #tpu.memory_space<vmem_shared>> -> memref<10008x64xf32, #tpu.memory_space<vmem_shared>>
          tpu.wait_indirect_dma semaphore(%run_scoped3A_130 : memref<!tpu.dma_semaphore, #tpu.memory_space<semaphore_mem>>) src(%dma_wait3A_144 : memref<40x64xf32, #tpu.memory_space<vmem>>) dst(%dma_wait3A_150 : memref<10008x64xf32, #tpu.memory_space<vmem_shared>>)
          tpu.yield
        }) : () -> ()
        %add3A_90 = arith.constant 2 : i32
        %add3A_91 = arith.addi %add3A_77, %add3A_90 : i32
        %dma_start3A_92 = arith.constant 0 : i32
        %dma_start3A_93 = arith.constant 0 : i32
        %dma_start3A_94 = arith.constant 0 : i32
        %dma_start3A_95 = tpu.memref_slice %arg10[%dma_start3A_92, %dma_start3A_93, %dma_start3A_94] : memref<2x40x64xf32, #tpu.memory_space<vmem>> -> memref<1x40x64xf32, #tpu.memory_space<vmem>>
        %dma_start3A_96 = tpu.memref_squeeze %dma_start3A_95 : memref<1x40x64xf32, #tpu.memory_space<vmem>> -> memref<40x64xf32, #tpu.memory_space<vmem>>
        %dma_start3A_97 = arith.constant 0 : i32
        %dma_start3A_98 = tpu.memref_slice %arg8[%add3A_91, %dma_start3A_97] : memref<500x40xi32, #tpu.memory_space<vmem>> -> memref<1x40xi32, #tpu.memory_space<vmem>>
        %dma_start3A_99 = tpu.memref_squeeze %dma_start3A_98 : memref<1x40xi32, #tpu.memory_space<vmem>> -> memref<40xi32, #tpu.memory_space<vmem>>
        %dma_start3A_100 = arith.constant 0 : i32
        %dma_start3A_101 = arith.constant 0 : i32
        %dma_start3A_102 = tpu.memref_slice %arg3[%dma_start3A_100, %dma_start3A_101] : memref<10000x64xf32, #tpu.memory_space<hbm>> -> memref<10000x64xf32, #tpu.memory_space<hbm>>
        tpu.enqueue_indirect_dma source(%dma_start3A_102 : memref<10000x64xf32, #tpu.memory_space<hbm>>) target(%dma_start3A_96 : memref<40x64xf32, #tpu.memory_space<vmem>>) offsets(%dma_start3A_99 : memref<40xi32, #tpu.memory_space<vmem>>) semaphore(%arg12 : memref<!tpu.dma_semaphore, #tpu.memory_space<semaphore_mem>>)
        %add3A_103 = arith.constant 1 : i32
        %add3A_104 = arith.addi %add3A_75, %add3A_103 : i32
        %dma_wait3A_105 = arith.constant 1 : i32
        %dma_wait3A_106 = arith.constant 0 : i32
        %dma_wait3A_107 = arith.constant 0 : i32
        %dma_wait3A_108 = tpu.memref_slice %arg10[%dma_wait3A_105, %dma_wait3A_106, %dma_wait3A_107] : memref<2x40x64xf32, #tpu.memory_space<vmem>> -> memref<1x40x64xf32, #tpu.memory_space<vmem>>
        %dma_wait3A_109 = tpu.memref_squeeze %dma_wait3A_108 : memref<1x40x64xf32, #tpu.memory_space<vmem>> -> memref<40x64xf32, #tpu.memory_space<vmem>>
        %dma_wait3A_110 = arith.constant 0 : i32
        %dma_wait3A_111 = tpu.memref_slice %arg8[%add3A_104, %dma_wait3A_110] : memref<500x40xi32, #tpu.memory_space<vmem>> -> memref<1x40xi32, #tpu.memory_space<vmem>>
        %dma_wait3A_112 = tpu.memref_squeeze %dma_wait3A_111 : memref<1x40xi32, #tpu.memory_space<vmem>> -> memref<40xi32, #tpu.memory_space<vmem>>
        %dma_wait3A_113 = arith.constant 0 : i32
        %dma_wait3A_114 = arith.constant 0 : i32
        %dma_wait3A_115 = tpu.memref_slice %arg3[%dma_wait3A_113, %dma_wait3A_114] : memref<10000x64xf32, #tpu.memory_space<hbm>> -> memref<10000x64xf32, #tpu.memory_space<hbm>>
        tpu.wait_indirect_dma semaphore(%arg13 : memref<!tpu.dma_semaphore, #tpu.memory_space<semaphore_mem>>) src(%dma_wait3A_115 : memref<10000x64xf32, #tpu.memory_space<hbm>>) dst(%dma_wait3A_109 : memref<40x64xf32, #tpu.memory_space<vmem>>)
        %run_scoped3A_116 = arith.constant 1 : i32
        "tpu.region"() ({
          %run_scoped3A_130 = tpu.sem_alloc : memref<!tpu.dma_semaphore, #tpu.memory_space<semaphore_mem>>
          %dma_start3A_131 = arith.constant 0 : i32
          %dma_start3A_132 = arith.constant 0 : i32
          %dma_start3A_133 = tpu.memref_slice %arg10[%run_scoped3A_116, %dma_start3A_131, %dma_start3A_132] : memref<2x40x64xf32, #tpu.memory_space<vmem>> -> memref<1x40x64xf32, #tpu.memory_space<vmem>>
          %dma_start3A_134 = tpu.memref_squeeze %dma_start3A_133 : memref<1x40x64xf32, #tpu.memory_space<vmem>> -> memref<40x64xf32, #tpu.memory_space<vmem>>
          %dma_start3A_135 = arith.constant 0 : i32
          %dma_start3A_136 = tpu.memref_slice %arg9[%add3A_104, %dma_start3A_135] : memref<500x40xi32, #tpu.memory_space<vmem>> -> memref<1x40xi32, #tpu.memory_space<vmem>>
          %dma_start3A_137 = tpu.memref_squeeze %dma_start3A_136 : memref<1x40xi32, #tpu.memory_space<vmem>> -> memref<40xi32, #tpu.memory_space<vmem>>
          %dma_start3A_138 = arith.constant 0 : i32
          %dma_start3A_139 = arith.constant 0 : i32
          %dma_start3A_140 = tpu.memref_slice %arg11[%dma_start3A_138, %dma_start3A_139] : memref<10008x64xf32, #tpu.memory_space<vmem_shared>> -> memref<10008x64xf32, #tpu.memory_space<vmem_shared>>
          tpu.enqueue_indirect_dma source(%dma_start3A_134 : memref<40x64xf32, #tpu.memory_space<vmem>>) target(%dma_start3A_140 : memref<10008x64xf32, #tpu.memory_space<vmem_shared>>) offsets(%dma_start3A_137 : memref<40xi32, #tpu.memory_space<vmem>>) semaphore(%run_scoped3A_130 : memref<!tpu.dma_semaphore, #tpu.memory_space<semaphore_mem>>) {add = true}
          %dma_wait3A_141 = arith.constant 0 : i32
          %dma_wait3A_142 = arith.constant 0 : i32
          %dma_wait3A_143 = tpu.memref_slice %arg10[%run_scoped3A_116, %dma_wait3A_141, %dma_wait3A_142] : memref<2x40x64xf32, #tpu.memory_space<vmem>> -> memref<1x40x64xf32, #tpu.memory_space<vmem>>
          %dma_wait3A_144 = tpu.memref_squeeze %dma_wait3A_143 : memref<1x40x64xf32, #tpu.memory_space<vmem>> -> memref<40x64xf32, #tpu.memory_space<vmem>>
          %dma_wait3A_145 = arith.constant 0 : i32
          %dma_wait3A_146 = tpu.memref_slice %arg9[%add3A_104, %dma_wait3A_145] : memref<500x40xi32, #tpu.memory_space<vmem>> -> memref<1x40xi32, #tpu.memory_space<vmem>>
          %dma_wait3A_147 = tpu.memref_squeeze %dma_wait3A_146 : memref<1x40xi32, #tpu.memory_space<vmem>> -> memref<40xi32, #tpu.memory_space<vmem>>
          %dma_wait3A_148 = arith.constant 0 : i32
          %dma_wait3A_149 = arith.constant 0 : i32
          %dma_wait3A_150 = tpu.memref_slice %arg11[%dma_wait3A_148, %dma_wait3A_149] : memref<10008x64xf32, #tpu.memory_space<vmem_shared>> -> memref<10008x64xf32, #tpu.memory_space<vmem_shared>>
          tpu.wait_indirect_dma semaphore(%run_scoped3A_130 : memref<!tpu.dma_semaphore, #tpu.memory_space<semaphore_mem>>) src(%dma_wait3A_144 : memref<40x64xf32, #tpu.memory_space<vmem>>) dst(%dma_wait3A_150 : memref<10008x64xf32, #tpu.memory_space<vmem_shared>>)
          tpu.yield
        }) : () -> ()
        %add3A_117 = arith.constant 2 : i32
        %add3A_118 = arith.addi %add3A_104, %add3A_117 : i32
        %dma_start3A_119 = arith.constant 1 : i32
        %dma_start3A_120 = arith.constant 0 : i32
        %dma_start3A_121 = arith.constant 0 : i32
        %dma_start3A_122 = tpu.memref_slice %arg10[%dma_start3A_119, %dma_start3A_120, %dma_start3A_121] : memref<2x40x64xf32, #tpu.memory_space<vmem>> -> memref<1x40x64xf32, #tpu.memory_space<vmem>>
        %dma_start3A_123 = tpu.memref_squeeze %dma_start3A_122 : memref<1x40x64xf32, #tpu.memory_space<vmem>> -> memref<40x64xf32, #tpu.memory_space<vmem>>
        %dma_start3A_124 = arith.constant 0 : i32
        %dma_start3A_125 = tpu.memref_slice %arg8[%add3A_118, %dma_start3A_124] : memref<500x40xi32, #tpu.memory_space<vmem>> -> memref<1x40xi32, #tpu.memory_space<vmem>>
        %dma_start3A_126 = tpu.memref_squeeze %dma_start3A_125 : memref<1x40xi32, #tpu.memory_space<vmem>> -> memref<40xi32, #tpu.memory_space<vmem>>
        %dma_start3A_127 = arith.constant 0 : i32
        %dma_start3A_128 = arith.constant 0 : i32
        %dma_start3A_129 = tpu.memref_slice %arg3[%dma_start3A_127, %dma_start3A_128] : memref<10000x64xf32, #tpu.memory_space<hbm>> -> memref<10000x64xf32, #tpu.memory_space<hbm>>
        tpu.enqueue_indirect_dma source(%dma_start3A_129 : memref<10000x64xf32, #tpu.memory_space<hbm>>) target(%dma_start3A_123 : memref<40x64xf32, #tpu.memory_space<vmem>>) offsets(%dma_start3A_126 : memref<40xi32, #tpu.memory_space<vmem>>) semaphore(%arg13 : memref<!tpu.dma_semaphore, #tpu.memory_space<semaphore_mem>>)
      }
      %scan3A_45 = arith.constant 249 : i32
      %dma_wait3A = arith.constant 498 : i32
      %dma_wait3A_46 = arith.constant 0 : i32
      %dma_wait3A_47 = arith.constant 0 : i32
      %dma_wait3A_48 = arith.constant 0 : i32
      %dma_wait3A_49 = tpu.memref_slice %arg10[%dma_wait3A_46, %dma_wait3A_47, %dma_wait3A_48] : memref<2x40x64xf32, #tpu.memory_space<vmem>> -> memref<1x40x64xf32, #tpu.memory_space<vmem>>
      %dma_wait3A_50 = tpu.memref_squeeze %dma_wait3A_49 : memref<1x40x64xf32, #tpu.memory_space<vmem>> -> memref<40x64xf32, #tpu.memory_space<vmem>>
      %dma_wait3A_51 = arith.constant 0 : i32
      %dma_wait3A_52 = tpu.memref_slice %arg8[%dma_wait3A, %dma_wait3A_51] : memref<500x40xi32, #tpu.memory_space<vmem>> -> memref<1x40xi32, #tpu.memory_space<vmem>>
      %dma_wait3A_53 = tpu.memref_squeeze %dma_wait3A_52 : memref<1x40xi32, #tpu.memory_space<vmem>> -> memref<40xi32, #tpu.memory_space<vmem>>
      %dma_wait3A_54 = arith.constant 0 : i32
      %dma_wait3A_55 = arith.constant 0 : i32
      %dma_wait3A_56 = tpu.memref_slice %arg3[%dma_wait3A_54, %dma_wait3A_55] : memref<10000x64xf32, #tpu.memory_space<hbm>> -> memref<10000x64xf32, #tpu.memory_space<hbm>>
      tpu.wait_indirect_dma semaphore(%arg12 : memref<!tpu.dma_semaphore, #tpu.memory_space<semaphore_mem>>) src(%dma_wait3A_56 : memref<10000x64xf32, #tpu.memory_space<hbm>>) dst(%dma_wait3A_50 : memref<40x64xf32, #tpu.memory_space<vmem>>)
      %run_scoped3A = arith.constant 0 : i32
      %run_scoped3A_57 = arith.constant 498 : i32
      "tpu.region"() ({
        %run_scoped3A_72 = tpu.sem_alloc : memref<!tpu.dma_semaphore, #tpu.memory_space<semaphore_mem>>
        %dma_start3A_73 = arith.constant 0 : i32
        %dma_start3A_74 = arith.constant 0 : i32
        %dma_start3A_75 = tpu.memref_slice %arg10[%run_scoped3A, %dma_start3A_73, %dma_start3A_74] : memref<2x40x64xf32, #tpu.memory_space<vmem>> -> memref<1x40x64xf32, #tpu.memory_space<vmem>>
        %dma_start3A_76 = tpu.memref_squeeze %dma_start3A_75 : memref<1x40x64xf32, #tpu.memory_space<vmem>> -> memref<40x64xf32, #tpu.memory_space<vmem>>
        %dma_start3A_77 = arith.constant 0 : i32
        %dma_start3A_78 = tpu.memref_slice %arg9[%run_scoped3A_57, %dma_start3A_77] : memref<500x40xi32, #tpu.memory_space<vmem>> -> memref<1x40xi32, #tpu.memory_space<vmem>>
        %dma_start3A_79 = tpu.memref_squeeze %dma_start3A_78 : memref<1x40xi32, #tpu.memory_space<vmem>> -> memref<40xi32, #tpu.memory_space<vmem>>
        %dma_start3A_80 = arith.constant 0 : i32
        %dma_start3A_81 = arith.constant 0 : i32
        %dma_start3A_82 = tpu.memref_slice %arg11[%dma_start3A_80, %dma_start3A_81] : memref<10008x64xf32, #tpu.memory_space<vmem_shared>> -> memref<10008x64xf32, #tpu.memory_space<vmem_shared>>
        tpu.enqueue_indirect_dma source(%dma_start3A_76 : memref<40x64xf32, #tpu.memory_space<vmem>>) target(%dma_start3A_82 : memref<10008x64xf32, #tpu.memory_space<vmem_shared>>) offsets(%dma_start3A_79 : memref<40xi32, #tpu.memory_space<vmem>>) semaphore(%run_scoped3A_72 : memref<!tpu.dma_semaphore, #tpu.memory_space<semaphore_mem>>) {add = true}
        %dma_wait3A_83 = arith.constant 0 : i32
        %dma_wait3A_84 = arith.constant 0 : i32
        %dma_wait3A_85 = tpu.memref_slice %arg10[%run_scoped3A, %dma_wait3A_83, %dma_wait3A_84] : memref<2x40x64xf32, #tpu.memory_space<vmem>> -> memref<1x40x64xf32, #tpu.memory_space<vmem>>
        %dma_wait3A_86 = tpu.memref_squeeze %dma_wait3A_85 : memref<1x40x64xf32, #tpu.memory_space<vmem>> -> memref<40x64xf32, #tpu.memory_space<vmem>>
        %dma_wait3A_87 = arith.constant 0 : i32
        %dma_wait3A_88 = tpu.memref_slice %arg9[%run_scoped3A_57, %dma_wait3A_87] : memref<500x40xi32, #tpu.memory_space<vmem>> -> memref<1x40xi32, #tpu.memory_space<vmem>>
        %dma_wait3A_89 = tpu.memref_squeeze %dma_wait3A_88 : memref<1x40xi32, #tpu.memory_space<vmem>> -> memref<40xi32, #tpu.memory_space<vmem>>
        %dma_wait3A_90 = arith.constant 0 : i32
        %dma_wait3A_91 = arith.constant 0 : i32
        %dma_wait3A_92 = tpu.memref_slice %arg11[%dma_wait3A_90, %dma_wait3A_91] : memref<10008x64xf32, #tpu.memory_space<vmem_shared>> -> memref<10008x64xf32, #tpu.memory_space<vmem_shared>>
        tpu.wait_indirect_dma semaphore(%run_scoped3A_72 : memref<!tpu.dma_semaphore, #tpu.memory_space<semaphore_mem>>) src(%dma_wait3A_86 : memref<40x64xf32, #tpu.memory_space<vmem>>) dst(%dma_wait3A_92 : memref<10008x64xf32, #tpu.memory_space<vmem_shared>>)
        tpu.yield
      }) : () -> ()
      %dma_wait3A_58 = arith.constant 499 : i32
      %dma_wait3A_59 = arith.constant 1 : i32
      %dma_wait3A_60 = arith.constant 0 : i32
      %dma_wait3A_61 = arith.constant 0 : i32
      %dma_wait3A_62 = tpu.memref_slice %arg10[%dma_wait3A_59, %dma_wait3A_60, %dma_wait3A_61] : memref<2x40x64xf32, #tpu.memory_space<vmem>> -> memref<1x40x64xf32, #tpu.memory_space<vmem>>
      %dma_wait3A_63 = tpu.memref_squeeze %dma_wait3A_62 : memref<1x40x64xf32, #tpu.memory_space<vmem>> -> memref<40x64xf32, #tpu.memory_space<vmem>>
      %dma_wait3A_64 = arith.constant 0 : i32
      %dma_wait3A_65 = tpu.memref_slice %arg8[%dma_wait3A_58, %dma_wait3A_64] : memref<500x40xi32, #tpu.memory_space<vmem>> -> memref<1x40xi32, #tpu.memory_space<vmem>>
      %dma_wait3A_66 = tpu.memref_squeeze %dma_wait3A_65 : memref<1x40xi32, #tpu.memory_space<vmem>> -> memref<40xi32, #tpu.memory_space<vmem>>
      %dma_wait3A_67 = arith.constant 0 : i32
      %dma_wait3A_68 = arith.constant 0 : i32
      %dma_wait3A_69 = tpu.memref_slice %arg3[%dma_wait3A_67, %dma_wait3A_68] : memref<10000x64xf32, #tpu.memory_space<hbm>> -> memref<10000x64xf32, #tpu.memory_space<hbm>>
      tpu.wait_indirect_dma semaphore(%arg13 : memref<!tpu.dma_semaphore, #tpu.memory_space<semaphore_mem>>) src(%dma_wait3A_69 : memref<10000x64xf32, #tpu.memory_space<hbm>>) dst(%dma_wait3A_63 : memref<40x64xf32, #tpu.memory_space<vmem>>)
      %run_scoped3A_70 = arith.constant 1 : i32
      %run_scoped3A_71 = arith.constant 499 : i32
      "tpu.region"() ({
        %run_scoped3A_72 = tpu.sem_alloc : memref<!tpu.dma_semaphore, #tpu.memory_space<semaphore_mem>>
        %dma_start3A_73 = arith.constant 0 : i32
        %dma_start3A_74 = arith.constant 0 : i32
        %dma_start3A_75 = tpu.memref_slice %arg10[%run_scoped3A_70, %dma_start3A_73, %dma_start3A_74] : memref<2x40x64xf32, #tpu.memory_space<vmem>> -> memref<1x40x64xf32, #tpu.memory_space<vmem>>
        %dma_start3A_76 = tpu.memref_squeeze %dma_start3A_75 : memref<1x40x64xf32, #tpu.memory_space<vmem>> -> memref<40x64xf32, #tpu.memory_space<vmem>>
        %dma_start3A_77 = arith.constant 0 : i32
        %dma_start3A_78 = tpu.memref_slice %arg9[%run_scoped3A_71, %dma_start3A_77] : memref<500x40xi32, #tpu.memory_space<vmem>> -> memref<1x40xi32, #tpu.memory_space<vmem>>
        %dma_start3A_79 = tpu.memref_squeeze %dma_start3A_78 : memref<1x40xi32, #tpu.memory_space<vmem>> -> memref<40xi32, #tpu.memory_space<vmem>>
        %dma_start3A_80 = arith.constant 0 : i32
        %dma_start3A_81 = arith.constant 0 : i32
        %dma_start3A_82 = tpu.memref_slice %arg11[%dma_start3A_80, %dma_start3A_81] : memref<10008x64xf32, #tpu.memory_space<vmem_shared>> -> memref<10008x64xf32, #tpu.memory_space<vmem_shared>>
        tpu.enqueue_indirect_dma source(%dma_start3A_76 : memref<40x64xf32, #tpu.memory_space<vmem>>) target(%dma_start3A_82 : memref<10008x64xf32, #tpu.memory_space<vmem_shared>>) offsets(%dma_start3A_79 : memref<40xi32, #tpu.memory_space<vmem>>) semaphore(%run_scoped3A_72 : memref<!tpu.dma_semaphore, #tpu.memory_space<semaphore_mem>>) {add = true}
        %dma_wait3A_83 = arith.constant 0 : i32
        %dma_wait3A_84 = arith.constant 0 : i32
        %dma_wait3A_85 = tpu.memref_slice %arg10[%run_scoped3A_70, %dma_wait3A_83, %dma_wait3A_84] : memref<2x40x64xf32, #tpu.memory_space<vmem>> -> memref<1x40x64xf32, #tpu.memory_space<vmem>>
        %dma_wait3A_86 = tpu.memref_squeeze %dma_wait3A_85 : memref<1x40x64xf32, #tpu.memory_space<vmem>> -> memref<40x64xf32, #tpu.memory_space<vmem>>
        %dma_wait3A_87 = arith.constant 0 : i32
        %dma_wait3A_88 = tpu.memref_slice %arg9[%run_scoped3A_71, %dma_wait3A_87] : memref<500x40xi32, #tpu.memory_space<vmem>> -> memref<1x40xi32, #tpu.memory_space<vmem>>
        %dma_wait3A_89 = tpu.memref_squeeze %dma_wait3A_88 : memref<1x40xi32, #tpu.memory_space<vmem>> -> memref<40xi32, #tpu.memory_space<vmem>>
        %dma_wait3A_90 = arith.constant 0 : i32
        %dma_wait3A_91 = arith.constant 0 : i32
        %dma_wait3A_92 = tpu.memref_slice %arg11[%dma_wait3A_90, %dma_wait3A_91] : memref<10008x64xf32, #tpu.memory_space<vmem_shared>> -> memref<10008x64xf32, #tpu.memory_space<vmem_shared>>
        tpu.wait_indirect_dma semaphore(%run_scoped3A_72 : memref<!tpu.dma_semaphore, #tpu.memory_space<semaphore_mem>>) src(%dma_wait3A_86 : memref<40x64xf32, #tpu.memory_space<vmem>>) dst(%dma_wait3A_92 : memref<10008x64xf32, #tpu.memory_space<vmem_shared>>)
        tpu.yield
      }) : () -> ()
    } else {
    }
    %barrier3A_13 = arith.constant 0 : index
    tpu.barrier barrier_id(%barrier3A_13)
    "tpu.region"() ({
      %run_scoped3A = tpu.sem_alloc : memref<!tpu.dma_semaphore, #tpu.memory_space<semaphore_mem>>
      %dma_start3A = arith.constant 0 : i32
      %dma_start3A_19 = arith.constant 0 : i32
      %dma_start3A_20 = tpu.memref_slice %arg7[%arg0, %dma_start3A, %dma_start3A_19] : memref<2x10000x64xf32, #tpu.memory_space<hbm>> -> memref<1x10000x64xf32, #tpu.memory_space<hbm>>
      %dma_start3A_21 = tpu.memref_squeeze %dma_start3A_20 : memref<1x10000x64xf32, #tpu.memory_space<hbm>> -> memref<10000x64xf32, #tpu.memory_space<hbm>>
      %dma_start3A_22 = arith.constant 0 : i32
      %dma_start3A_23 = tpu.memref_slice %dma_start3A_21[%multiple_of3A, %dma_start3A_22] : memref<10000x64xf32, #tpu.memory_space<hbm>> -> memref<624x64xf32, #tpu.memory_space<hbm>>
      %dma_start3A_24 = arith.constant 0 : i32
      %dma_start3A_25 = tpu.memref_slice %arg11[%multiple_of3A, %dma_start3A_24] : memref<10008x64xf32, #tpu.memory_space<vmem_shared>> -> memref<624x64xf32, #tpu.memory_space<vmem_shared>>
      tpu.enqueue_dma source(%dma_start3A_25 : memref<624x64xf32, #tpu.memory_space<vmem_shared>>) target(%dma_start3A_23 : memref<624x64xf32, #tpu.memory_space<hbm>>) target_semaphore(%run_scoped3A : memref<!tpu.dma_semaphore, #tpu.memory_space<semaphore_mem>>)
      %dma_wait3A = arith.constant 0 : i32
      %dma_wait3A_26 = arith.constant 0 : i32
      %dma_wait3A_27 = tpu.memref_slice %arg7[%arg0, %dma_wait3A, %dma_wait3A_26] : memref<2x10000x64xf32, #tpu.memory_space<hbm>> -> memref<1x10000x64xf32, #tpu.memory_space<hbm>>
      %dma_wait3A_28 = tpu.memref_squeeze %dma_wait3A_27 : memref<1x10000x64xf32, #tpu.memory_space<hbm>> -> memref<10000x64xf32, #tpu.memory_space<hbm>>
      %dma_wait3A_29 = arith.constant 0 : i32
      %dma_wait3A_30 = tpu.memref_slice %dma_wait3A_28[%multiple_of3A, %dma_wait3A_29] : memref<10000x64xf32, #tpu.memory_space<hbm>> -> memref<624x64xf32, #tpu.memory_space<hbm>>
      %dma_wait3A_31 = arith.constant 0 : i32
      %dma_wait3A_32 = tpu.memref_slice %arg11[%multiple_of3A, %dma_wait3A_31] : memref<10008x64xf32, #tpu.memory_space<vmem_shared>> -> memref<624x64xf32, #tpu.memory_space<vmem_shared>>
      tpu.wait_dma2 semaphore(%run_scoped3A : memref<!tpu.dma_semaphore, #tpu.memory_space<semaphore_mem>>) src(%dma_wait3A_32 : memref<624x64xf32, #tpu.memory_space<vmem_shared>>) dst(%dma_wait3A_30 : memref<624x64xf32, #tpu.memory_space<hbm>>)
      tpu.yield
    }) : () -> ()
    %eq3A_14 = arith.constant 15 : i32
    %eq3A_15 = arith.cmpi eq, %arg1, %eq3A_14 : i32
    %convert_element_type3A_16 = arith.extui %eq3A_15 : i1 to i32
    %cond3A_17 = arith.constant 0 : i32
    %cond3A_18 = arith.cmpi ne, %convert_element_type3A_16, %cond3A_17 : i32
    scf.if %cond3A_18 {
      "tpu.region"() ({
        %run_scoped3A = tpu.sem_alloc : memref<!tpu.dma_semaphore, #tpu.memory_space<semaphore_mem>>
        %dma_start3A = arith.constant 0 : i32
        %dma_start3A_19 = arith.constant 0 : i32
        %dma_start3A_20 = tpu.memref_slice %arg7[%arg0, %dma_start3A, %dma_start3A_19] : memref<2x10000x64xf32, #tpu.memory_space<hbm>> -> memref<1x10000x64xf32, #tpu.memory_space<hbm>>
        %dma_start3A_21 = tpu.memref_squeeze %dma_start3A_20 : memref<1x10000x64xf32, #tpu.memory_space<hbm>> -> memref<10000x64xf32, #tpu.memory_space<hbm>>
        %dma_start3A_22 = arith.constant 9984 : i32
        %dma_start3A_23 = arith.constant 0 : i32
        %dma_start3A_24 = tpu.memref_slice %dma_start3A_21[%dma_start3A_22, %dma_start3A_23] : memref<10000x64xf32, #tpu.memory_space<hbm>> -> memref<16x64xf32, #tpu.memory_space<hbm>>
        %dma_start3A_25 = arith.constant 9984 : i32
        %dma_start3A_26 = arith.constant 0 : i32
        %dma_start3A_27 = tpu.memref_slice %arg11[%dma_start3A_25, %dma_start3A_26] : memref<10008x64xf32, #tpu.memory_space<vmem_shared>> -> memref<16x64xf32, #tpu.memory_space<vmem_shared>>
        tpu.enqueue_dma source(%dma_start3A_27 : memref<16x64xf32, #tpu.memory_space<vmem_shared>>) target(%dma_start3A_24 : memref<16x64xf32, #tpu.memory_space<hbm>>) target_semaphore(%run_scoped3A : memref<!tpu.dma_semaphore, #tpu.memory_space<semaphore_mem>>)
        %dma_wait3A = arith.constant 0 : i32
        %dma_wait3A_28 = arith.constant 0 : i32
        %dma_wait3A_29 = tpu.memref_slice %arg7[%arg0, %dma_wait3A, %dma_wait3A_28] : memref<2x10000x64xf32, #tpu.memory_space<hbm>> -> memref<1x10000x64xf32, #tpu.memory_space<hbm>>
        %dma_wait3A_30 = tpu.memref_squeeze %dma_wait3A_29 : memref<1x10000x64xf32, #tpu.memory_space<hbm>> -> memref<10000x64xf32, #tpu.memory_space<hbm>>
        %dma_wait3A_31 = arith.constant 9984 : i32
        %dma_wait3A_32 = arith.constant 0 : i32
        %dma_wait3A_33 = tpu.memref_slice %dma_wait3A_30[%dma_wait3A_31, %dma_wait3A_32] : memref<10000x64xf32, #tpu.memory_space<hbm>> -> memref<16x64xf32, #tpu.memory_space<hbm>>
        %dma_wait3A_34 = arith.constant 9984 : i32
        %dma_wait3A_35 = arith.constant 0 : i32
        %dma_wait3A_36 = tpu.memref_slice %arg11[%dma_wait3A_34, %dma_wait3A_35] : memref<10008x64xf32, #tpu.memory_space<vmem_shared>> -> memref<16x64xf32, #tpu.memory_space<vmem_shared>>
        tpu.wait_dma2 semaphore(%run_scoped3A : memref<!tpu.dma_semaphore, #tpu.memory_space<semaphore_mem>>) src(%dma_wait3A_36 : memref<16x64xf32, #tpu.memory_space<vmem_shared>>) dst(%dma_wait3A_33 : memref<16x64xf32, #tpu.memory_space<hbm>>)
        tpu.yield
      }) : () -> ()
    } else {
    }
    return
  }
}

#map = affine_map<(d0, d1) -> (0, 0, 0)>
#map1 = affine_map<(d0, d1) -> (0, 0)>
module attributes {stable_mosaic.version = 14 : i64} {
  func.func @deg_kernel(%arg0: i32, %arg1: i32, %arg2: memref<32x125x80xi32, #tpu.memory_space<hbm>>, %arg3: memref<10000x16xf32, #tpu.memory_space<hbm>>, %arg4: memref<2x10000x16xf32, #tpu.memory_space<hbm>>, %arg5: memref<125x80xi32, #tpu.memory_space<vmem>>, %arg6: memref<80x16xf32, #tpu.memory_space<vmem>>, %arg7: memref<10000x16xf32, #tpu.memory_space<vmem_shared>>) attributes {dimension_semantics = [#tpu.dimension_semantics<core_parallel>, #tpu.dimension_semantics<subcore_parallel>], iteration_bounds = array<i64: 2, 16>, scalar_prefetch = 0 : i64, scratch_operands = 3 : i64, tpu.core_type = #tpu.core_type<sc_vector_subcore>, window_params = [{transform_indices = #map}, {transform_indices = #map1}, {transform_indices = #map}]} {
    %mul3A = arith.constant 16 : i32
    %mul3A_0 = arith.muli %arg0, %mul3A : i32
    %add3A = arith.addi %mul3A_0, %arg1 : i32
    %mul3A_1 = arith.constant 624 : i32
    %mul3A_2 = arith.muli %arg1, %mul3A_1 : i32
    %multiple_of3A = tpu.assume_multiple %mul3A_2, 8 : i32
    "tpu.region"() ({
      %run_scoped3A = tpu.sem_alloc : memref<!tpu.dma_semaphore, #tpu.memory_space<semaphore_mem>>
      %dma_start3A = arith.constant 0 : i32
      %dma_start3A_20 = tpu.memref_slice %arg7[%multiple_of3A, %dma_start3A] : memref<10000x16xf32, #tpu.memory_space<vmem_shared>> -> memref<624x16xf32, #tpu.memory_space<vmem_shared>>
      %dma_start3A_21 = arith.constant 0 : i32
      %dma_start3A_22 = tpu.memref_slice %arg3[%multiple_of3A, %dma_start3A_21] : memref<10000x16xf32, #tpu.memory_space<hbm>> -> memref<624x16xf32, #tpu.memory_space<hbm>>
      tpu.enqueue_dma source(%dma_start3A_22 : memref<624x16xf32, #tpu.memory_space<hbm>>) target(%dma_start3A_20 : memref<624x16xf32, #tpu.memory_space<vmem_shared>>) target_semaphore(%run_scoped3A : memref<!tpu.dma_semaphore, #tpu.memory_space<semaphore_mem>>)
      %dma_wait3A = arith.constant 0 : i32
      %dma_wait3A_23 = tpu.memref_slice %arg7[%multiple_of3A, %dma_wait3A] : memref<10000x16xf32, #tpu.memory_space<vmem_shared>> -> memref<624x16xf32, #tpu.memory_space<vmem_shared>>
      %dma_wait3A_24 = arith.constant 0 : i32
      %dma_wait3A_25 = tpu.memref_slice %arg3[%multiple_of3A, %dma_wait3A_24] : memref<10000x16xf32, #tpu.memory_space<hbm>> -> memref<624x16xf32, #tpu.memory_space<hbm>>
      tpu.wait_dma2 semaphore(%run_scoped3A : memref<!tpu.dma_semaphore, #tpu.memory_space<semaphore_mem>>) src(%dma_wait3A_25 : memref<624x16xf32, #tpu.memory_space<hbm>>) dst(%dma_wait3A_23 : memref<624x16xf32, #tpu.memory_space<vmem_shared>>)
      tpu.yield
    }) : () -> ()
    %eq3A = arith.constant 15 : i32
    %eq3A_3 = arith.cmpi eq, %arg1, %eq3A : i32
    %convert_element_type3A = arith.extui %eq3A_3 : i1 to i32
    %cond3A = arith.constant 0 : i32
    %cond3A_4 = arith.cmpi ne, %convert_element_type3A, %cond3A : i32
    scf.if %cond3A_4 {
      "tpu.region"() ({
        %run_scoped3A = tpu.sem_alloc : memref<!tpu.dma_semaphore, #tpu.memory_space<semaphore_mem>>
        %dma_start3A = arith.constant 9984 : i32
        %dma_start3A_20 = arith.constant 0 : i32
        %dma_start3A_21 = tpu.memref_slice %arg7[%dma_start3A, %dma_start3A_20] : memref<10000x16xf32, #tpu.memory_space<vmem_shared>> -> memref<16x16xf32, #tpu.memory_space<vmem_shared>>
        %dma_start3A_22 = arith.constant 9984 : i32
        %dma_start3A_23 = arith.constant 0 : i32
        %dma_start3A_24 = tpu.memref_slice %arg3[%dma_start3A_22, %dma_start3A_23] : memref<10000x16xf32, #tpu.memory_space<hbm>> -> memref<16x16xf32, #tpu.memory_space<hbm>>
        tpu.enqueue_dma source(%dma_start3A_24 : memref<16x16xf32, #tpu.memory_space<hbm>>) target(%dma_start3A_21 : memref<16x16xf32, #tpu.memory_space<vmem_shared>>) target_semaphore(%run_scoped3A : memref<!tpu.dma_semaphore, #tpu.memory_space<semaphore_mem>>)
        %dma_wait3A = arith.constant 9984 : i32
        %dma_wait3A_25 = arith.constant 0 : i32
        %dma_wait3A_26 = tpu.memref_slice %arg7[%dma_wait3A, %dma_wait3A_25] : memref<10000x16xf32, #tpu.memory_space<vmem_shared>> -> memref<16x16xf32, #tpu.memory_space<vmem_shared>>
        %dma_wait3A_27 = arith.constant 9984 : i32
        %dma_wait3A_28 = arith.constant 0 : i32
        %dma_wait3A_29 = tpu.memref_slice %arg3[%dma_wait3A_27, %dma_wait3A_28] : memref<10000x16xf32, #tpu.memory_space<hbm>> -> memref<16x16xf32, #tpu.memory_space<hbm>>
        tpu.wait_dma2 semaphore(%run_scoped3A : memref<!tpu.dma_semaphore, #tpu.memory_space<semaphore_mem>>) src(%dma_wait3A_29 : memref<16x16xf32, #tpu.memory_space<hbm>>) dst(%dma_wait3A_26 : memref<16x16xf32, #tpu.memory_space<vmem_shared>>)
        tpu.yield
      }) : () -> ()
    } else {
    }
    "tpu.region"() ({
      %run_scoped3A = tpu.sem_alloc : memref<!tpu.dma_semaphore, #tpu.memory_space<semaphore_mem>>
      %dma_start3A = arith.constant 0 : i32
      %dma_start3A_20 = arith.constant 0 : i32
      %dma_start3A_21 = tpu.memref_slice %arg2[%add3A, %dma_start3A, %dma_start3A_20] : memref<32x125x80xi32, #tpu.memory_space<hbm>> -> memref<1x125x80xi32, #tpu.memory_space<hbm>>
      %dma_start3A_22 = tpu.memref_squeeze %dma_start3A_21 : memref<1x125x80xi32, #tpu.memory_space<hbm>> -> memref<125x80xi32, #tpu.memory_space<hbm>>
      %dma_start3A_23 = arith.constant 0 : i32
      %dma_start3A_24 = arith.constant 0 : i32
      %dma_start3A_25 = tpu.memref_slice %arg2[%add3A, %dma_start3A_23, %dma_start3A_24] : memref<32x125x80xi32, #tpu.memory_space<hbm>> -> memref<1x125x80xi32, #tpu.memory_space<hbm>>
      %dma_start3A_26 = tpu.memref_squeeze %dma_start3A_25 : memref<1x125x80xi32, #tpu.memory_space<hbm>> -> memref<125x80xi32, #tpu.memory_space<hbm>>
      tpu.enqueue_dma source(%dma_start3A_26 : memref<125x80xi32, #tpu.memory_space<hbm>>) target(%arg5 : memref<125x80xi32, #tpu.memory_space<vmem>>) target_semaphore(%run_scoped3A : memref<!tpu.dma_semaphore, #tpu.memory_space<semaphore_mem>>)
      %dma_wait3A = arith.constant 0 : i32
      %dma_wait3A_27 = arith.constant 0 : i32
      %dma_wait3A_28 = tpu.memref_slice %arg2[%add3A, %dma_wait3A, %dma_wait3A_27] : memref<32x125x80xi32, #tpu.memory_space<hbm>> -> memref<1x125x80xi32, #tpu.memory_space<hbm>>
      %dma_wait3A_29 = tpu.memref_squeeze %dma_wait3A_28 : memref<1x125x80xi32, #tpu.memory_space<hbm>> -> memref<125x80xi32, #tpu.memory_space<hbm>>
      %dma_wait3A_30 = arith.constant 0 : i32
      %dma_wait3A_31 = arith.constant 0 : i32
      %dma_wait3A_32 = tpu.memref_slice %arg2[%add3A, %dma_wait3A_30, %dma_wait3A_31] : memref<32x125x80xi32, #tpu.memory_space<hbm>> -> memref<1x125x80xi32, #tpu.memory_space<hbm>>
      %dma_wait3A_33 = tpu.memref_squeeze %dma_wait3A_32 : memref<1x125x80xi32, #tpu.memory_space<hbm>> -> memref<125x80xi32, #tpu.memory_space<hbm>>
      tpu.wait_dma2 semaphore(%run_scoped3A : memref<!tpu.dma_semaphore, #tpu.memory_space<semaphore_mem>>) src(%dma_wait3A_33 : memref<125x80xi32, #tpu.memory_space<hbm>>) dst(%arg5 : memref<125x80xi32, #tpu.memory_space<vmem>>)
      tpu.yield
    }) : () -> ()
    %scan3A = arith.constant 0 : i32
    %scan3A_5 = arith.constant 80 : i32
    %scan3A_6 = arith.addi %scan3A, %scan3A_5 : i32
    %scan3A_7 = arith.constant 1 : i32
    scf.for %scan3A_20 = %scan3A to %scan3A_6 step %scan3A_7  : i32 {
      %mul3A_21 = arith.constant 1 : i32
      %mul3A_22 = arith.muli %scan3A_20, %mul3A_21 : i32
      %add3A_23 = arith.constant 0 : i32
      %add3A_24 = arith.addi %add3A_23, %mul3A_22 : i32
      %broadcast_in_dim3A = arith.constant 1.000000e+00 : f32
      %broadcast_in_dim3A_25 = vector.broadcast %broadcast_in_dim3A : f32 to vector<16xf32>
      %swap3A = arith.index_cast %add3A_24 : i32 to index
      %swap3A_26 = arith.constant 0 : index
      %swap3A_27 = tpu.vector_load %arg6[%swap3A, %swap3A_26] {strides = array<i32>} : memref<80x16xf32, #tpu.memory_space<vmem>>, vector<1x16xf32>,
      %swap3A_28 = vector.shape_cast %swap3A_27 : vector<1x16xf32> to vector<16xf32>
      %swap3A_29 = vector.shape_cast %broadcast_in_dim3A_25 : vector<16xf32> to vector<1x16xf32>
      tpu.vector_store %arg6[%swap3A, %swap3A_26], %swap3A_29 {strides = array<i32>} : memref<80x16xf32, #tpu.memory_space<vmem>>, vector<1x16xf32>,
    }
    %scan3A_8 = arith.constant 80 : i32
    %barrier3A = arith.constant 0 : index
    tpu.barrier barrier_id(%barrier3A)
    %scan3A_9 = arith.constant 0 : i32
    %scan3A_10 = arith.constant 125 : i32
    %scan3A_11 = arith.addi %scan3A_9, %scan3A_10 : i32
    %scan3A_12 = arith.constant 1 : i32
    scf.for %scan3A_20 = %scan3A_9 to %scan3A_11 step %scan3A_12  : i32 {
      %mul3A_21 = arith.constant 1 : i32
      %mul3A_22 = arith.muli %scan3A_20, %mul3A_21 : i32
      %add3A_23 = arith.constant 0 : i32
      %add3A_24 = arith.addi %add3A_23, %mul3A_22 : i32
      "tpu.region"() ({
        %run_scoped3A = tpu.sem_alloc : memref<!tpu.dma_semaphore, #tpu.memory_space<semaphore_mem>>
        %dma_start3A = arith.constant 0 : i32
        %dma_start3A_25 = tpu.memref_slice %arg5[%add3A_24, %dma_start3A] : memref<125x80xi32, #tpu.memory_space<vmem>> -> memref<1x80xi32, #tpu.memory_space<vmem>>
        %dma_start3A_26 = tpu.memref_squeeze %dma_start3A_25 : memref<1x80xi32, #tpu.memory_space<vmem>> -> memref<80xi32, #tpu.memory_space<vmem>>
        %dma_start3A_27 = arith.constant 0 : i32
        %dma_start3A_28 = arith.constant 0 : i32
        %dma_start3A_29 = tpu.memref_slice %arg7[%dma_start3A_27, %dma_start3A_28] : memref<10000x16xf32, #tpu.memory_space<vmem_shared>> -> memref<10000x16xf32, #tpu.memory_space<vmem_shared>>
        tpu.enqueue_indirect_dma source(%arg6 : memref<80x16xf32, #tpu.memory_space<vmem>>) target(%dma_start3A_29 : memref<10000x16xf32, #tpu.memory_space<vmem_shared>>) offsets(%dma_start3A_26 : memref<80xi32, #tpu.memory_space<vmem>>) semaphore(%run_scoped3A : memref<!tpu.dma_semaphore, #tpu.memory_space<semaphore_mem>>) {add = true}
        %dma_wait3A = arith.constant 0 : i32
        %dma_wait3A_30 = tpu.memref_slice %arg5[%add3A_24, %dma_wait3A] : memref<125x80xi32, #tpu.memory_space<vmem>> -> memref<1x80xi32, #tpu.memory_space<vmem>>
        %dma_wait3A_31 = tpu.memref_squeeze %dma_wait3A_30 : memref<1x80xi32, #tpu.memory_space<vmem>> -> memref<80xi32, #tpu.memory_space<vmem>>
        %dma_wait3A_32 = arith.constant 0 : i32
        %dma_wait3A_33 = arith.constant 0 : i32
        %dma_wait3A_34 = tpu.memref_slice %arg7[%dma_wait3A_32, %dma_wait3A_33] : memref<10000x16xf32, #tpu.memory_space<vmem_shared>> -> memref<10000x16xf32, #tpu.memory_space<vmem_shared>>
        tpu.wait_indirect_dma semaphore(%run_scoped3A : memref<!tpu.dma_semaphore, #tpu.memory_space<semaphore_mem>>) src(%arg6 : memref<80x16xf32, #tpu.memory_space<vmem>>) dst(%dma_wait3A_34 : memref<10000x16xf32, #tpu.memory_space<vmem_shared>>)
        tpu.yield
      }) : () -> ()
    }
    %scan3A_13 = arith.constant 125 : i32
    %barrier3A_14 = arith.constant 0 : index
    tpu.barrier barrier_id(%barrier3A_14)
    "tpu.region"() ({
      %run_scoped3A = tpu.sem_alloc : memref<!tpu.dma_semaphore, #tpu.memory_space<semaphore_mem>>
      %dma_start3A = arith.constant 0 : i32
      %dma_start3A_20 = arith.constant 0 : i32
      %dma_start3A_21 = tpu.memref_slice %arg4[%arg0, %dma_start3A, %dma_start3A_20] : memref<2x10000x16xf32, #tpu.memory_space<hbm>> -> memref<1x10000x16xf32, #tpu.memory_space<hbm>>
      %dma_start3A_22 = tpu.memref_squeeze %dma_start3A_21 : memref<1x10000x16xf32, #tpu.memory_space<hbm>> -> memref<10000x16xf32, #tpu.memory_space<hbm>>
      %dma_start3A_23 = arith.constant 0 : i32
      %dma_start3A_24 = tpu.memref_slice %dma_start3A_22[%multiple_of3A, %dma_start3A_23] : memref<10000x16xf32, #tpu.memory_space<hbm>> -> memref<624x16xf32, #tpu.memory_space<hbm>>
      %dma_start3A_25 = arith.constant 0 : i32
      %dma_start3A_26 = tpu.memref_slice %arg7[%multiple_of3A, %dma_start3A_25] : memref<10000x16xf32, #tpu.memory_space<vmem_shared>> -> memref<624x16xf32, #tpu.memory_space<vmem_shared>>
      tpu.enqueue_dma source(%dma_start3A_26 : memref<624x16xf32, #tpu.memory_space<vmem_shared>>) target(%dma_start3A_24 : memref<624x16xf32, #tpu.memory_space<hbm>>) target_semaphore(%run_scoped3A : memref<!tpu.dma_semaphore, #tpu.memory_space<semaphore_mem>>)
      %dma_wait3A = arith.constant 0 : i32
      %dma_wait3A_27 = arith.constant 0 : i32
      %dma_wait3A_28 = tpu.memref_slice %arg4[%arg0, %dma_wait3A, %dma_wait3A_27] : memref<2x10000x16xf32, #tpu.memory_space<hbm>> -> memref<1x10000x16xf32, #tpu.memory_space<hbm>>
      %dma_wait3A_29 = tpu.memref_squeeze %dma_wait3A_28 : memref<1x10000x16xf32, #tpu.memory_space<hbm>> -> memref<10000x16xf32, #tpu.memory_space<hbm>>
      %dma_wait3A_30 = arith.constant 0 : i32
      %dma_wait3A_31 = tpu.memref_slice %dma_wait3A_29[%multiple_of3A, %dma_wait3A_30] : memref<10000x16xf32, #tpu.memory_space<hbm>> -> memref<624x16xf32, #tpu.memory_space<hbm>>
      %dma_wait3A_32 = arith.constant 0 : i32
      %dma_wait3A_33 = tpu.memref_slice %arg7[%multiple_of3A, %dma_wait3A_32] : memref<10000x16xf32, #tpu.memory_space<vmem_shared>> -> memref<624x16xf32, #tpu.memory_space<vmem_shared>>
      tpu.wait_dma2 semaphore(%run_scoped3A : memref<!tpu.dma_semaphore, #tpu.memory_space<semaphore_mem>>) src(%dma_wait3A_33 : memref<624x16xf32, #tpu.memory_space<vmem_shared>>) dst(%dma_wait3A_31 : memref<624x16xf32, #tpu.memory_space<hbm>>)
      tpu.yield
    }) : () -> ()
    %eq3A_15 = arith.constant 15 : i32
    %eq3A_16 = arith.cmpi eq, %arg1, %eq3A_15 : i32
    %convert_element_type3A_17 = arith.extui %eq3A_16 : i1 to i32
    %cond3A_18 = arith.constant 0 : i32
    %cond3A_19 = arith.cmpi ne, %convert_element_type3A_17, %cond3A_18 : i32
    scf.if %cond3A_19 {
      "tpu.region"() ({
        %run_scoped3A = tpu.sem_alloc : memref<!tpu.dma_semaphore, #tpu.memory_space<semaphore_mem>>
        %dma_start3A = arith.constant 0 : i32
        %dma_start3A_20 = arith.constant 0 : i32
        %dma_start3A_21 = tpu.memref_slice %arg4[%arg0, %dma_start3A, %dma_start3A_20] : memref<2x10000x16xf32, #tpu.memory_space<hbm>> -> memref<1x10000x16xf32, #tpu.memory_space<hbm>>
        %dma_start3A_22 = tpu.memref_squeeze %dma_start3A_21 : memref<1x10000x16xf32, #tpu.memory_space<hbm>> -> memref<10000x16xf32, #tpu.memory_space<hbm>>
        %dma_start3A_23 = arith.constant 9984 : i32
        %dma_start3A_24 = arith.constant 0 : i32
        %dma_start3A_25 = tpu.memref_slice %dma_start3A_22[%dma_start3A_23, %dma_start3A_24] : memref<10000x16xf32, #tpu.memory_space<hbm>> -> memref<16x16xf32, #tpu.memory_space<hbm>>
        %dma_start3A_26 = arith.constant 9984 : i32
        %dma_start3A_27 = arith.constant 0 : i32
        %dma_start3A_28 = tpu.memref_slice %arg7[%dma_start3A_26, %dma_start3A_27] : memref<10000x16xf32, #tpu.memory_space<vmem_shared>> -> memref<16x16xf32, #tpu.memory_space<vmem_shared>>
        tpu.enqueue_dma source(%dma_start3A_28 : memref<16x16xf32, #tpu.memory_space<vmem_shared>>) target(%dma_start3A_25 : memref<16x16xf32, #tpu.memory_space<hbm>>) target_semaphore(%run_scoped3A : memref<!tpu.dma_semaphore, #tpu.memory_space<semaphore_mem>>)
        %dma_wait3A = arith.constant 0 : i32
        %dma_wait3A_29 = arith.constant 0 : i32
        %dma_wait3A_30 = tpu.memref_slice %arg4[%arg0, %dma_wait3A, %dma_wait3A_29] : memref<2x10000x16xf32, #tpu.memory_space<hbm>> -> memref<1x10000x16xf32, #tpu.memory_space<hbm>>
        %dma_wait3A_31 = tpu.memref_squeeze %dma_wait3A_30 : memref<1x10000x16xf32, #tpu.memory_space<hbm>> -> memref<10000x16xf32, #tpu.memory_space<hbm>>
        %dma_wait3A_32 = arith.constant 9984 : i32
        %dma_wait3A_33 = arith.constant 0 : i32
        %dma_wait3A_34 = tpu.memref_slice %dma_wait3A_31[%dma_wait3A_32, %dma_wait3A_33] : memref<10000x16xf32, #tpu.memory_space<hbm>> -> memref<16x16xf32, #tpu.memory_space<hbm>>
        %dma_wait3A_35 = arith.constant 9984 : i32
        %dma_wait3A_36 = arith.constant 0 : i32
        %dma_wait3A_37 = tpu.memref_slice %arg7[%dma_wait3A_35, %dma_wait3A_36] : memref<10000x16xf32, #tpu.memory_space<vmem_shared>> -> memref<16x16xf32, #tpu.memory_space<vmem_shared>>
        tpu.wait_dma2 semaphore(%run_scoped3A : memref<!tpu.dma_semaphore, #tpu.memory_space<semaphore_mem>>) src(%dma_wait3A_37 : memref<16x16xf32, #tpu.memory_space<vmem_shared>>) dst(%dma_wait3A_34 : memref<16x16xf32, #tpu.memory_space<hbm>>)
        tpu.yield
      }) : () -> ()
    } else {
    }
    return
  }
}

#map = affine_map<(d0, d1) -> (0, 0)>
#map1 = affine_map<(d0, d1) -> (0, 0, 0)>
module attributes {stable_mosaic.version = 14 : i64} {
  func.func @scat_kernel(%arg0: i32, %arg1: i32, %arg2: memref<10000x64xf32, #tpu.memory_space<hbm>>, %arg3: memref<10000x64xf32, #tpu.memory_space<hbm>>, %arg4: memref<16x500x40xi32, #tpu.memory_space<hbm>>, %arg5: memref<16x500x40xi32, #tpu.memory_space<hbm>>, %arg6: memref<10000x64xf32, #tpu.memory_space<hbm>>, %arg7: memref<2x10000x64xf32, #tpu.memory_space<hbm>>, %arg8: memref<500x40xi32, #tpu.memory_space<vmem>>, %arg9: memref<500x40xi32, #tpu.memory_space<vmem>>, %arg10: memref<2x40x64xf32, #tpu.memory_space<vmem>>, %arg11: memref<10008x64xf32, #tpu.memory_space<vmem_shared>>, %arg12: memref<!tpu.dma_semaphore, #tpu.memory_space<semaphore_mem>>, %arg13: memref<!tpu.dma_semaphore, #tpu.memory_space<semaphore_mem>>) attributes {dimension_semantics = [#tpu.dimension_semantics<core_parallel>, #tpu.dimension_semantics<subcore_parallel>], iteration_bounds = array<i64: 2, 16>, scalar_prefetch = 0 : i64, scratch_operands = 6 : i64, tpu.core_type = #tpu.core_type<sc_vector_subcore>, window_params = [{transform_indices = #map}, {transform_indices = #map}, {transform_indices = #map1}, {transform_indices = #map1}, {transform_indices = #map}, {transform_indices = #map1}]} {
    %mul3A = arith.constant 624 : i32
    %mul3A_0 = arith.muli %arg1, %mul3A : i32
    %multiple_of3A = tpu.assume_multiple %mul3A_0, 8 : i32
    "tpu.region"() ({
      %run_scoped3A = tpu.sem_alloc : memref<!tpu.dma_semaphore, #tpu.memory_space<semaphore_mem>>
      %dma_start3A = arith.constant 0 : i32
      %dma_start3A_19 = arith.constant 0 : i32
      %dma_start3A_20 = tpu.memref_slice %arg4[%arg1, %dma_start3A, %dma_start3A_19] : memref<16x500x40xi32, #tpu.memory_space<hbm>> -> memref<1x500x40xi32, #tpu.memory_space<hbm>>
      %dma_start3A_21 = tpu.memref_squeeze %dma_start3A_20 : memref<1x500x40xi32, #tpu.memory_space<hbm>> -> memref<500x40xi32, #tpu.memory_space<hbm>>
      %dma_start3A_22 = arith.constant 0 : i32
      %dma_start3A_23 = arith.constant 0 : i32
      %dma_start3A_24 = tpu.memref_slice %arg4[%arg1, %dma_start3A_22, %dma_start3A_23] : memref<16x500x40xi32, #tpu.memory_space<hbm>> -> memref<1x500x40xi32, #tpu.memory_space<hbm>>
      %dma_start3A_25 = tpu.memref_squeeze %dma_start3A_24 : memref<1x500x40xi32, #tpu.memory_space<hbm>> -> memref<500x40xi32, #tpu.memory_space<hbm>>
      tpu.enqueue_dma source(%dma_start3A_25 : memref<500x40xi32, #tpu.memory_space<hbm>>) target(%arg8 : memref<500x40xi32, #tpu.memory_space<vmem>>) target_semaphore(%run_scoped3A : memref<!tpu.dma_semaphore, #tpu.memory_space<semaphore_mem>>)
      %dma_wait3A = arith.constant 0 : i32
      %dma_wait3A_26 = arith.constant 0 : i32
      %dma_wait3A_27 = tpu.memref_slice %arg4[%arg1, %dma_wait3A, %dma_wait3A_26] : memref<16x500x40xi32, #tpu.memory_space<hbm>> -> memref<1x500x40xi32, #tpu.memory_space<hbm>>
      %dma_wait3A_28 = tpu.memref_squeeze %dma_wait3A_27 : memref<1x500x40xi32, #tpu.memory_space<hbm>> -> memref<500x40xi32, #tpu.memory_space<hbm>>
      %dma_wait3A_29 = arith.constant 0 : i32
      %dma_wait3A_30 = arith.constant 0 : i32
      %dma_wait3A_31 = tpu.memref_slice %arg4[%arg1, %dma_wait3A_29, %dma_wait3A_30] : memref<16x500x40xi32, #tpu.memory_space<hbm>> -> memref<1x500x40xi32, #tpu.memory_space<hbm>>
      %dma_wait3A_32 = tpu.memref_squeeze %dma_wait3A_31 : memref<1x500x40xi32, #tpu.memory_space<hbm>> -> memref<500x40xi32, #tpu.memory_space<hbm>>
      tpu.wait_dma2 semaphore(%run_scoped3A : memref<!tpu.dma_semaphore, #tpu.memory_space<semaphore_mem>>) src(%dma_wait3A_32 : memref<500x40xi32, #tpu.memory_space<hbm>>) dst(%arg8 : memref<500x40xi32, #tpu.memory_space<vmem>>)
      tpu.yield
    }) : () -> ()
    "tpu.region"() ({
      %run_scoped3A = tpu.sem_alloc : memref<!tpu.dma_semaphore, #tpu.memory_space<semaphore_mem>>
      %dma_start3A = arith.constant 0 : i32
      %dma_start3A_19 = arith.constant 0 : i32
      %dma_start3A_20 = tpu.memref_slice %arg5[%arg1, %dma_start3A, %dma_start3A_19] : memref<16x500x40xi32, #tpu.memory_space<hbm>> -> memref<1x500x40xi32, #tpu.memory_space<hbm>>
      %dma_start3A_21 = tpu.memref_squeeze %dma_start3A_20 : memref<1x500x40xi32, #tpu.memory_space<hbm>> -> memref<500x40xi32, #tpu.memory_space<hbm>>
      %dma_start3A_22 = arith.constant 0 : i32
      %dma_start3A_23 = arith.constant 0 : i32
      %dma_start3A_24 = tpu.memref_slice %arg5[%arg1, %dma_start3A_22, %dma_start3A_23] : memref<16x500x40xi32, #tpu.memory_space<hbm>> -> memref<1x500x40xi32, #tpu.memory_space<hbm>>
      %dma_start3A_25 = tpu.memref_squeeze %dma_start3A_24 : memref<1x500x40xi32, #tpu.memory_space<hbm>> -> memref<500x40xi32, #tpu.memory_space<hbm>>
      tpu.enqueue_dma source(%dma_start3A_25 : memref<500x40xi32, #tpu.memory_space<hbm>>) target(%arg9 : memref<500x40xi32, #tpu.memory_space<vmem>>) target_semaphore(%run_scoped3A : memref<!tpu.dma_semaphore, #tpu.memory_space<semaphore_mem>>)
      %dma_wait3A = arith.constant 0 : i32
      %dma_wait3A_26 = arith.constant 0 : i32
      %dma_wait3A_27 = tpu.memref_slice %arg5[%arg1, %dma_wait3A, %dma_wait3A_26] : memref<16x500x40xi32, #tpu.memory_space<hbm>> -> memref<1x500x40xi32, #tpu.memory_space<hbm>>
      %dma_wait3A_28 = tpu.memref_squeeze %dma_wait3A_27 : memref<1x500x40xi32, #tpu.memory_space<hbm>> -> memref<500x40xi32, #tpu.memory_space<hbm>>
      %dma_wait3A_29 = arith.constant 0 : i32
      %dma_wait3A_30 = arith.constant 0 : i32
      %dma_wait3A_31 = tpu.memref_slice %arg5[%arg1, %dma_wait3A_29, %dma_wait3A_30] : memref<16x500x40xi32, #tpu.memory_space<hbm>> -> memref<1x500x40xi32, #tpu.memory_space<hbm>>
      %dma_wait3A_32 = tpu.memref_squeeze %dma_wait3A_31 : memref<1x500x40xi32, #tpu.memory_space<hbm>> -> memref<500x40xi32, #tpu.memory_space<hbm>>
      tpu.wait_dma2 semaphore(%run_scoped3A : memref<!tpu.dma_semaphore, #tpu.memory_space<semaphore_mem>>) src(%dma_wait3A_32 : memref<500x40xi32, #tpu.memory_space<hbm>>) dst(%arg9 : memref<500x40xi32, #tpu.memory_space<vmem>>)
      tpu.yield
    }) : () -> ()
    "tpu.region"() ({
      %run_scoped3A = tpu.sem_alloc : memref<!tpu.dma_semaphore, #tpu.memory_space<semaphore_mem>>
      %dma_start3A = arith.constant 0 : i32
      %dma_start3A_19 = tpu.memref_slice %arg11[%multiple_of3A, %dma_start3A] : memref<10008x64xf32, #tpu.memory_space<vmem_shared>> -> memref<624x64xf32, #tpu.memory_space<vmem_shared>>
      %dma_start3A_20 = arith.constant 0 : i32
      %dma_start3A_21 = tpu.memref_slice %arg6[%multiple_of3A, %dma_start3A_20] : memref<10000x64xf32, #tpu.memory_space<hbm>> -> memref<624x64xf32, #tpu.memory_space<hbm>>
      tpu.enqueue_dma source(%dma_start3A_21 : memref<624x64xf32, #tpu.memory_space<hbm>>) target(%dma_start3A_19 : memref<624x64xf32, #tpu.memory_space<vmem_shared>>) target_semaphore(%run_scoped3A : memref<!tpu.dma_semaphore, #tpu.memory_space<semaphore_mem>>)
      %dma_wait3A = arith.constant 0 : i32
      %dma_wait3A_22 = tpu.memref_slice %arg11[%multiple_of3A, %dma_wait3A] : memref<10008x64xf32, #tpu.memory_space<vmem_shared>> -> memref<624x64xf32, #tpu.memory_space<vmem_shared>>
      %dma_wait3A_23 = arith.constant 0 : i32
      %dma_wait3A_24 = tpu.memref_slice %arg6[%multiple_of3A, %dma_wait3A_23] : memref<10000x64xf32, #tpu.memory_space<hbm>> -> memref<624x64xf32, #tpu.memory_space<hbm>>
      tpu.wait_dma2 semaphore(%run_scoped3A : memref<!tpu.dma_semaphore, #tpu.memory_space<semaphore_mem>>) src(%dma_wait3A_24 : memref<624x64xf32, #tpu.memory_space<hbm>>) dst(%dma_wait3A_22 : memref<624x64xf32, #tpu.memory_space<vmem_shared>>)
      tpu.yield
    }) : () -> ()
    %eq3A = arith.constant 15 : i32
    %eq3A_1 = arith.cmpi eq, %arg1, %eq3A : i32
    %convert_element_type3A = arith.extui %eq3A_1 : i1 to i32
    %cond3A = arith.constant 0 : i32
    %cond3A_2 = arith.cmpi ne, %convert_element_type3A, %cond3A : i32
    scf.if %cond3A_2 {
      "tpu.region"() ({
        %run_scoped3A = tpu.sem_alloc : memref<!tpu.dma_semaphore, #tpu.memory_space<semaphore_mem>>
        %dma_start3A = arith.constant 9984 : i32
        %dma_start3A_19 = arith.constant 0 : i32
        %dma_start3A_20 = tpu.memref_slice %arg11[%dma_start3A, %dma_start3A_19] : memref<10008x64xf32, #tpu.memory_space<vmem_shared>> -> memref<16x64xf32, #tpu.memory_space<vmem_shared>>
        %dma_start3A_21 = arith.constant 9984 : i32
        %dma_start3A_22 = arith.constant 0 : i32
        %dma_start3A_23 = tpu.memref_slice %arg6[%dma_start3A_21, %dma_start3A_22] : memref<10000x64xf32, #tpu.memory_space<hbm>> -> memref<16x64xf32, #tpu.memory_space<hbm>>
        tpu.enqueue_dma source(%dma_start3A_23 : memref<16x64xf32, #tpu.memory_space<hbm>>) target(%dma_start3A_20 : memref<16x64xf32, #tpu.memory_space<vmem_shared>>) target_semaphore(%run_scoped3A : memref<!tpu.dma_semaphore, #tpu.memory_space<semaphore_mem>>)
        %dma_wait3A = arith.constant 9984 : i32
        %dma_wait3A_24 = arith.constant 0 : i32
        %dma_wait3A_25 = tpu.memref_slice %arg11[%dma_wait3A, %dma_wait3A_24] : memref<10008x64xf32, #tpu.memory_space<vmem_shared>> -> memref<16x64xf32, #tpu.memory_space<vmem_shared>>
        %dma_wait3A_26 = arith.constant 9984 : i32
        %dma_wait3A_27 = arith.constant 0 : i32
        %dma_wait3A_28 = tpu.memref_slice %arg6[%dma_wait3A_26, %dma_wait3A_27] : memref<10000x64xf32, #tpu.memory_space<hbm>> -> memref<16x64xf32, #tpu.memory_space<hbm>>
        tpu.wait_dma2 semaphore(%run_scoped3A : memref<!tpu.dma_semaphore, #tpu.memory_space<semaphore_mem>>) src(%dma_wait3A_28 : memref<16x64xf32, #tpu.memory_space<hbm>>) dst(%dma_wait3A_25 : memref<16x64xf32, #tpu.memory_space<vmem_shared>>)
        tpu.yield
      }) : () -> ()
    } else {
    }
    %barrier3A = arith.constant 0 : index
    tpu.barrier barrier_id(%barrier3A)
    %eq3A_3 = arith.constant 0 : i32
    %eq3A_4 = arith.cmpi eq, %arg0, %eq3A_3 : i32
    %convert_element_type3A_5 = arith.extui %eq3A_4 : i1 to i32
    %cond3A_6 = arith.constant 0 : i32
    %cond3A_7 = arith.cmpi ne, %convert_element_type3A_5, %cond3A_6 : i32
    scf.if %cond3A_7 {
      %dma_start3A = arith.constant 0 : i32
      %dma_start3A_19 = arith.constant 0 : i32
      %dma_start3A_20 = arith.constant 0 : i32
      %dma_start3A_21 = arith.constant 0 : i32
      %dma_start3A_22 = tpu.memref_slice %arg10[%dma_start3A_19, %dma_start3A_20, %dma_start3A_21] : memref<2x40x64xf32, #tpu.memory_space<vmem>> -> memref<1x40x64xf32, #tpu.memory_space<vmem>>
      %dma_start3A_23 = tpu.memref_squeeze %dma_start3A_22 : memref<1x40x64xf32, #tpu.memory_space<vmem>> -> memref<40x64xf32, #tpu.memory_space<vmem>>
      %dma_start3A_24 = arith.constant 0 : i32
      %dma_start3A_25 = tpu.memref_slice %arg8[%dma_start3A, %dma_start3A_24] : memref<500x40xi32, #tpu.memory_space<vmem>> -> memref<1x40xi32, #tpu.memory_space<vmem>>
      %dma_start3A_26 = tpu.memref_squeeze %dma_start3A_25 : memref<1x40xi32, #tpu.memory_space<vmem>> -> memref<40xi32, #tpu.memory_space<vmem>>
      %dma_start3A_27 = arith.constant 0 : i32
      %dma_start3A_28 = arith.constant 0 : i32
      %dma_start3A_29 = tpu.memref_slice %arg2[%dma_start3A_27, %dma_start3A_28] : memref<10000x64xf32, #tpu.memory_space<hbm>> -> memref<10000x64xf32, #tpu.memory_space<hbm>>
      tpu.enqueue_indirect_dma source(%dma_start3A_29 : memref<10000x64xf32, #tpu.memory_space<hbm>>) target(%dma_start3A_23 : memref<40x64xf32, #tpu.memory_space<vmem>>) offsets(%dma_start3A_26 : memref<40xi32, #tpu.memory_space<vmem>>) semaphore(%arg12 : memref<!tpu.dma_semaphore, #tpu.memory_space<semaphore_mem>>)
      %dma_start3A_30 = arith.constant 1 : i32
      %dma_start3A_31 = arith.constant 1 : i32
      %dma_start3A_32 = arith.constant 0 : i32
      %dma_start3A_33 = arith.constant 0 : i32
      %dma_start3A_34 = tpu.memref_slice %arg10[%dma_start3A_31, %dma_start3A_32, %dma_start3A_33] : memref<2x40x64xf32, #tpu.memory_space<vmem>> -> memref<1x40x64xf32, #tpu.memory_space<vmem>>
      %dma_start3A_35 = tpu.memref_squeeze %dma_start3A_34 : memref<1x40x64xf32, #tpu.memory_space<vmem>> -> memref<40x64xf32, #tpu.memory_space<vmem>>
      %dma_start3A_36 = arith.constant 0 : i32
      %dma_start3A_37 = tpu.memref_slice %arg8[%dma_start3A_30, %dma_start3A_36] : memref<500x40xi32, #tpu.memory_space<vmem>> -> memref<1x40xi32, #tpu.memory_space<vmem>>
      %dma_start3A_38 = tpu.memref_squeeze %dma_start3A_37 : memref<1x40xi32, #tpu.memory_space<vmem>> -> memref<40xi32, #tpu.memory_space<vmem>>
      %dma_start3A_39 = arith.constant 0 : i32
      %dma_start3A_40 = arith.constant 0 : i32
      %dma_start3A_41 = tpu.memref_slice %arg2[%dma_start3A_39, %dma_start3A_40] : memref<10000x64xf32, #tpu.memory_space<hbm>> -> memref<10000x64xf32, #tpu.memory_space<hbm>>
      tpu.enqueue_indirect_dma source(%dma_start3A_41 : memref<10000x64xf32, #tpu.memory_space<hbm>>) target(%dma_start3A_35 : memref<40x64xf32, #tpu.memory_space<vmem>>) offsets(%dma_start3A_38 : memref<40xi32, #tpu.memory_space<vmem>>) semaphore(%arg13 : memref<!tpu.dma_semaphore, #tpu.memory_space<semaphore_mem>>)
      %scan3A = arith.constant 0 : i32
      %scan3A_42 = arith.constant 249 : i32
      %scan3A_43 = arith.addi %scan3A, %scan3A_42 : i32
      %scan3A_44 = arith.constant 1 : i32
      scf.for %scan3A_72 = %scan3A to %scan3A_43 step %scan3A_44  : i32 {
        %mul3A_73 = arith.constant 2 : i32
        %mul3A_74 = arith.muli %scan3A_72, %mul3A_73 : i32
        %add3A = arith.constant 0 : i32
        %add3A_75 = arith.addi %add3A, %mul3A_74 : i32
        %add3A_76 = arith.constant 0 : i32
        %add3A_77 = arith.addi %add3A_75, %add3A_76 : i32
        %dma_wait3A_78 = arith.constant 0 : i32
        %dma_wait3A_79 = arith.constant 0 : i32
        %dma_wait3A_80 = arith.constant 0 : i32
        %dma_wait3A_81 = tpu.memref_slice %arg10[%dma_wait3A_78, %dma_wait3A_79, %dma_wait3A_80] : memref<2x40x64xf32, #tpu.memory_space<vmem>> -> memref<1x40x64xf32, #tpu.memory_space<vmem>>
        %dma_wait3A_82 = tpu.memref_squeeze %dma_wait3A_81 : memref<1x40x64xf32, #tpu.memory_space<vmem>> -> memref<40x64xf32, #tpu.memory_space<vmem>>
        %dma_wait3A_83 = arith.constant 0 : i32
        %dma_wait3A_84 = tpu.memref_slice %arg8[%add3A_77, %dma_wait3A_83] : memref<500x40xi32, #tpu.memory_space<vmem>> -> memref<1x40xi32, #tpu.memory_space<vmem>>
        %dma_wait3A_85 = tpu.memref_squeeze %dma_wait3A_84 : memref<1x40xi32, #tpu.memory_space<vmem>> -> memref<40xi32, #tpu.memory_space<vmem>>
        %dma_wait3A_86 = arith.constant 0 : i32
        %dma_wait3A_87 = arith.constant 0 : i32
        %dma_wait3A_88 = tpu.memref_slice %arg2[%dma_wait3A_86, %dma_wait3A_87] : memref<10000x64xf32, #tpu.memory_space<hbm>> -> memref<10000x64xf32, #tpu.memory_space<hbm>>
        tpu.wait_indirect_dma semaphore(%arg12 : memref<!tpu.dma_semaphore, #tpu.memory_space<semaphore_mem>>) src(%dma_wait3A_88 : memref<10000x64xf32, #tpu.memory_space<hbm>>) dst(%dma_wait3A_82 : memref<40x64xf32, #tpu.memory_space<vmem>>)
        %run_scoped3A_89 = arith.constant 0 : i32
        "tpu.region"() ({
          %run_scoped3A_130 = tpu.sem_alloc : memref<!tpu.dma_semaphore, #tpu.memory_space<semaphore_mem>>
          %dma_start3A_131 = arith.constant 0 : i32
          %dma_start3A_132 = arith.constant 0 : i32
          %dma_start3A_133 = tpu.memref_slice %arg10[%run_scoped3A_89, %dma_start3A_131, %dma_start3A_132] : memref<2x40x64xf32, #tpu.memory_space<vmem>> -> memref<1x40x64xf32, #tpu.memory_space<vmem>>
          %dma_start3A_134 = tpu.memref_squeeze %dma_start3A_133 : memref<1x40x64xf32, #tpu.memory_space<vmem>> -> memref<40x64xf32, #tpu.memory_space<vmem>>
          %dma_start3A_135 = arith.constant 0 : i32
          %dma_start3A_136 = tpu.memref_slice %arg9[%add3A_77, %dma_start3A_135] : memref<500x40xi32, #tpu.memory_space<vmem>> -> memref<1x40xi32, #tpu.memory_space<vmem>>
          %dma_start3A_137 = tpu.memref_squeeze %dma_start3A_136 : memref<1x40xi32, #tpu.memory_space<vmem>> -> memref<40xi32, #tpu.memory_space<vmem>>
          %dma_start3A_138 = arith.constant 0 : i32
          %dma_start3A_139 = arith.constant 0 : i32
          %dma_start3A_140 = tpu.memref_slice %arg11[%dma_start3A_138, %dma_start3A_139] : memref<10008x64xf32, #tpu.memory_space<vmem_shared>> -> memref<10008x64xf32, #tpu.memory_space<vmem_shared>>
          tpu.enqueue_indirect_dma source(%dma_start3A_134 : memref<40x64xf32, #tpu.memory_space<vmem>>) target(%dma_start3A_140 : memref<10008x64xf32, #tpu.memory_space<vmem_shared>>) offsets(%dma_start3A_137 : memref<40xi32, #tpu.memory_space<vmem>>) semaphore(%run_scoped3A_130 : memref<!tpu.dma_semaphore, #tpu.memory_space<semaphore_mem>>) {add = true}
          %dma_wait3A_141 = arith.constant 0 : i32
          %dma_wait3A_142 = arith.constant 0 : i32
          %dma_wait3A_143 = tpu.memref_slice %arg10[%run_scoped3A_89, %dma_wait3A_141, %dma_wait3A_142] : memref<2x40x64xf32, #tpu.memory_space<vmem>> -> memref<1x40x64xf32, #tpu.memory_space<vmem>>
          %dma_wait3A_144 = tpu.memref_squeeze %dma_wait3A_143 : memref<1x40x64xf32, #tpu.memory_space<vmem>> -> memref<40x64xf32, #tpu.memory_space<vmem>>
          %dma_wait3A_145 = arith.constant 0 : i32
          %dma_wait3A_146 = tpu.memref_slice %arg9[%add3A_77, %dma_wait3A_145] : memref<500x40xi32, #tpu.memory_space<vmem>> -> memref<1x40xi32, #tpu.memory_space<vmem>>
          %dma_wait3A_147 = tpu.memref_squeeze %dma_wait3A_146 : memref<1x40xi32, #tpu.memory_space<vmem>> -> memref<40xi32, #tpu.memory_space<vmem>>
          %dma_wait3A_148 = arith.constant 0 : i32
          %dma_wait3A_149 = arith.constant 0 : i32
          %dma_wait3A_150 = tpu.memref_slice %arg11[%dma_wait3A_148, %dma_wait3A_149] : memref<10008x64xf32, #tpu.memory_space<vmem_shared>> -> memref<10008x64xf32, #tpu.memory_space<vmem_shared>>
          tpu.wait_indirect_dma semaphore(%run_scoped3A_130 : memref<!tpu.dma_semaphore, #tpu.memory_space<semaphore_mem>>) src(%dma_wait3A_144 : memref<40x64xf32, #tpu.memory_space<vmem>>) dst(%dma_wait3A_150 : memref<10008x64xf32, #tpu.memory_space<vmem_shared>>)
          tpu.yield
        }) : () -> ()
        %add3A_90 = arith.constant 2 : i32
        %add3A_91 = arith.addi %add3A_77, %add3A_90 : i32
        %dma_start3A_92 = arith.constant 0 : i32
        %dma_start3A_93 = arith.constant 0 : i32
        %dma_start3A_94 = arith.constant 0 : i32
        %dma_start3A_95 = tpu.memref_slice %arg10[%dma_start3A_92, %dma_start3A_93, %dma_start3A_94] : memref<2x40x64xf32, #tpu.memory_space<vmem>> -> memref<1x40x64xf32, #tpu.memory_space<vmem>>
        %dma_start3A_96 = tpu.memref_squeeze %dma_start3A_95 : memref<1x40x64xf32, #tpu.memory_space<vmem>> -> memref<40x64xf32, #tpu.memory_space<vmem>>
        %dma_start3A_97 = arith.constant 0 : i32
        %dma_start3A_98 = tpu.memref_slice %arg8[%add3A_91, %dma_start3A_97] : memref<500x40xi32, #tpu.memory_space<vmem>> -> memref<1x40xi32, #tpu.memory_space<vmem>>
        %dma_start3A_99 = tpu.memref_squeeze %dma_start3A_98 : memref<1x40xi32, #tpu.memory_space<vmem>> -> memref<40xi32, #tpu.memory_space<vmem>>
        %dma_start3A_100 = arith.constant 0 : i32
        %dma_start3A_101 = arith.constant 0 : i32
        %dma_start3A_102 = tpu.memref_slice %arg2[%dma_start3A_100, %dma_start3A_101] : memref<10000x64xf32, #tpu.memory_space<hbm>> -> memref<10000x64xf32, #tpu.memory_space<hbm>>
        tpu.enqueue_indirect_dma source(%dma_start3A_102 : memref<10000x64xf32, #tpu.memory_space<hbm>>) target(%dma_start3A_96 : memref<40x64xf32, #tpu.memory_space<vmem>>) offsets(%dma_start3A_99 : memref<40xi32, #tpu.memory_space<vmem>>) semaphore(%arg12 : memref<!tpu.dma_semaphore, #tpu.memory_space<semaphore_mem>>)
        %add3A_103 = arith.constant 1 : i32
        %add3A_104 = arith.addi %add3A_75, %add3A_103 : i32
        %dma_wait3A_105 = arith.constant 1 : i32
        %dma_wait3A_106 = arith.constant 0 : i32
        %dma_wait3A_107 = arith.constant 0 : i32
        %dma_wait3A_108 = tpu.memref_slice %arg10[%dma_wait3A_105, %dma_wait3A_106, %dma_wait3A_107] : memref<2x40x64xf32, #tpu.memory_space<vmem>> -> memref<1x40x64xf32, #tpu.memory_space<vmem>>
        %dma_wait3A_109 = tpu.memref_squeeze %dma_wait3A_108 : memref<1x40x64xf32, #tpu.memory_space<vmem>> -> memref<40x64xf32, #tpu.memory_space<vmem>>
        %dma_wait3A_110 = arith.constant 0 : i32
        %dma_wait3A_111 = tpu.memref_slice %arg8[%add3A_104, %dma_wait3A_110] : memref<500x40xi32, #tpu.memory_space<vmem>> -> memref<1x40xi32, #tpu.memory_space<vmem>>
        %dma_wait3A_112 = tpu.memref_squeeze %dma_wait3A_111 : memref<1x40xi32, #tpu.memory_space<vmem>> -> memref<40xi32, #tpu.memory_space<vmem>>
        %dma_wait3A_113 = arith.constant 0 : i32
        %dma_wait3A_114 = arith.constant 0 : i32
        %dma_wait3A_115 = tpu.memref_slice %arg2[%dma_wait3A_113, %dma_wait3A_114] : memref<10000x64xf32, #tpu.memory_space<hbm>> -> memref<10000x64xf32, #tpu.memory_space<hbm>>
        tpu.wait_indirect_dma semaphore(%arg13 : memref<!tpu.dma_semaphore, #tpu.memory_space<semaphore_mem>>) src(%dma_wait3A_115 : memref<10000x64xf32, #tpu.memory_space<hbm>>) dst(%dma_wait3A_109 : memref<40x64xf32, #tpu.memory_space<vmem>>)
        %run_scoped3A_116 = arith.constant 1 : i32
        "tpu.region"() ({
          %run_scoped3A_130 = tpu.sem_alloc : memref<!tpu.dma_semaphore, #tpu.memory_space<semaphore_mem>>
          %dma_start3A_131 = arith.constant 0 : i32
          %dma_start3A_132 = arith.constant 0 : i32
          %dma_start3A_133 = tpu.memref_slice %arg10[%run_scoped3A_116, %dma_start3A_131, %dma_start3A_132] : memref<2x40x64xf32, #tpu.memory_space<vmem>> -> memref<1x40x64xf32, #tpu.memory_space<vmem>>
          %dma_start3A_134 = tpu.memref_squeeze %dma_start3A_133 : memref<1x40x64xf32, #tpu.memory_space<vmem>> -> memref<40x64xf32, #tpu.memory_space<vmem>>
          %dma_start3A_135 = arith.constant 0 : i32
          %dma_start3A_136 = tpu.memref_slice %arg9[%add3A_104, %dma_start3A_135] : memref<500x40xi32, #tpu.memory_space<vmem>> -> memref<1x40xi32, #tpu.memory_space<vmem>>
          %dma_start3A_137 = tpu.memref_squeeze %dma_start3A_136 : memref<1x40xi32, #tpu.memory_space<vmem>> -> memref<40xi32, #tpu.memory_space<vmem>>
          %dma_start3A_138 = arith.constant 0 : i32
          %dma_start3A_139 = arith.constant 0 : i32
          %dma_start3A_140 = tpu.memref_slice %arg11[%dma_start3A_138, %dma_start3A_139] : memref<10008x64xf32, #tpu.memory_space<vmem_shared>> -> memref<10008x64xf32, #tpu.memory_space<vmem_shared>>
          tpu.enqueue_indirect_dma source(%dma_start3A_134 : memref<40x64xf32, #tpu.memory_space<vmem>>) target(%dma_start3A_140 : memref<10008x64xf32, #tpu.memory_space<vmem_shared>>) offsets(%dma_start3A_137 : memref<40xi32, #tpu.memory_space<vmem>>) semaphore(%run_scoped3A_130 : memref<!tpu.dma_semaphore, #tpu.memory_space<semaphore_mem>>) {add = true}
          %dma_wait3A_141 = arith.constant 0 : i32
          %dma_wait3A_142 = arith.constant 0 : i32
          %dma_wait3A_143 = tpu.memref_slice %arg10[%run_scoped3A_116, %dma_wait3A_141, %dma_wait3A_142] : memref<2x40x64xf32, #tpu.memory_space<vmem>> -> memref<1x40x64xf32, #tpu.memory_space<vmem>>
          %dma_wait3A_144 = tpu.memref_squeeze %dma_wait3A_143 : memref<1x40x64xf32, #tpu.memory_space<vmem>> -> memref<40x64xf32, #tpu.memory_space<vmem>>
          %dma_wait3A_145 = arith.constant 0 : i32
          %dma_wait3A_146 = tpu.memref_slice %arg9[%add3A_104, %dma_wait3A_145] : memref<500x40xi32, #tpu.memory_space<vmem>> -> memref<1x40xi32, #tpu.memory_space<vmem>>
          %dma_wait3A_147 = tpu.memref_squeeze %dma_wait3A_146 : memref<1x40xi32, #tpu.memory_space<vmem>> -> memref<40xi32, #tpu.memory_space<vmem>>
          %dma_wait3A_148 = arith.constant 0 : i32
          %dma_wait3A_149 = arith.constant 0 : i32
          %dma_wait3A_150 = tpu.memref_slice %arg11[%dma_wait3A_148, %dma_wait3A_149] : memref<10008x64xf32, #tpu.memory_space<vmem_shared>> -> memref<10008x64xf32, #tpu.memory_space<vmem_shared>>
          tpu.wait_indirect_dma semaphore(%run_scoped3A_130 : memref<!tpu.dma_semaphore, #tpu.memory_space<semaphore_mem>>) src(%dma_wait3A_144 : memref<40x64xf32, #tpu.memory_space<vmem>>) dst(%dma_wait3A_150 : memref<10008x64xf32, #tpu.memory_space<vmem_shared>>)
          tpu.yield
        }) : () -> ()
        %add3A_117 = arith.constant 2 : i32
        %add3A_118 = arith.addi %add3A_104, %add3A_117 : i32
        %dma_start3A_119 = arith.constant 1 : i32
        %dma_start3A_120 = arith.constant 0 : i32
        %dma_start3A_121 = arith.constant 0 : i32
        %dma_start3A_122 = tpu.memref_slice %arg10[%dma_start3A_119, %dma_start3A_120, %dma_start3A_121] : memref<2x40x64xf32, #tpu.memory_space<vmem>> -> memref<1x40x64xf32, #tpu.memory_space<vmem>>
        %dma_start3A_123 = tpu.memref_squeeze %dma_start3A_122 : memref<1x40x64xf32, #tpu.memory_space<vmem>> -> memref<40x64xf32, #tpu.memory_space<vmem>>
        %dma_start3A_124 = arith.constant 0 : i32
        %dma_start3A_125 = tpu.memref_slice %arg8[%add3A_118, %dma_start3A_124] : memref<500x40xi32, #tpu.memory_space<vmem>> -> memref<1x40xi32, #tpu.memory_space<vmem>>
        %dma_start3A_126 = tpu.memref_squeeze %dma_start3A_125 : memref<1x40xi32, #tpu.memory_space<vmem>> -> memref<40xi32, #tpu.memory_space<vmem>>
        %dma_start3A_127 = arith.constant 0 : i32
        %dma_start3A_128 = arith.constant 0 : i32
        %dma_start3A_129 = tpu.memref_slice %arg2[%dma_start3A_127, %dma_start3A_128] : memref<10000x64xf32, #tpu.memory_space<hbm>> -> memref<10000x64xf32, #tpu.memory_space<hbm>>
        tpu.enqueue_indirect_dma source(%dma_start3A_129 : memref<10000x64xf32, #tpu.memory_space<hbm>>) target(%dma_start3A_123 : memref<40x64xf32, #tpu.memory_space<vmem>>) offsets(%dma_start3A_126 : memref<40xi32, #tpu.memory_space<vmem>>) semaphore(%arg13 : memref<!tpu.dma_semaphore, #tpu.memory_space<semaphore_mem>>)
      }
      %scan3A_45 = arith.constant 249 : i32
      %dma_wait3A = arith.constant 498 : i32
      %dma_wait3A_46 = arith.constant 0 : i32
      %dma_wait3A_47 = arith.constant 0 : i32
      %dma_wait3A_48 = arith.constant 0 : i32
      %dma_wait3A_49 = tpu.memref_slice %arg10[%dma_wait3A_46, %dma_wait3A_47, %dma_wait3A_48] : memref<2x40x64xf32, #tpu.memory_space<vmem>> -> memref<1x40x64xf32, #tpu.memory_space<vmem>>
      %dma_wait3A_50 = tpu.memref_squeeze %dma_wait3A_49 : memref<1x40x64xf32, #tpu.memory_space<vmem>> -> memref<40x64xf32, #tpu.memory_space<vmem>>
      %dma_wait3A_51 = arith.constant 0 : i32
      %dma_wait3A_52 = tpu.memref_slice %arg8[%dma_wait3A, %dma_wait3A_51] : memref<500x40xi32, #tpu.memory_space<vmem>> -> memref<1x40xi32, #tpu.memory_space<vmem>>
      %dma_wait3A_53 = tpu.memref_squeeze %dma_wait3A_52 : memref<1x40xi32, #tpu.memory_space<vmem>> -> memref<40xi32, #tpu.memory_space<vmem>>
      %dma_wait3A_54 = arith.constant 0 : i32
      %dma_wait3A_55 = arith.constant 0 : i32
      %dma_wait3A_56 = tpu.memref_slice %arg2[%dma_wait3A_54, %dma_wait3A_55] : memref<10000x64xf32, #tpu.memory_space<hbm>> -> memref<10000x64xf32, #tpu.memory_space<hbm>>
      tpu.wait_indirect_dma semaphore(%arg12 : memref<!tpu.dma_semaphore, #tpu.memory_space<semaphore_mem>>) src(%dma_wait3A_56 : memref<10000x64xf32, #tpu.memory_space<hbm>>) dst(%dma_wait3A_50 : memref<40x64xf32, #tpu.memory_space<vmem>>)
      %run_scoped3A = arith.constant 0 : i32
      %run_scoped3A_57 = arith.constant 498 : i32
      "tpu.region"() ({
        %run_scoped3A_72 = tpu.sem_alloc : memref<!tpu.dma_semaphore, #tpu.memory_space<semaphore_mem>>
        %dma_start3A_73 = arith.constant 0 : i32
        %dma_start3A_74 = arith.constant 0 : i32
        %dma_start3A_75 = tpu.memref_slice %arg10[%run_scoped3A, %dma_start3A_73, %dma_start3A_74] : memref<2x40x64xf32, #tpu.memory_space<vmem>> -> memref<1x40x64xf32, #tpu.memory_space<vmem>>
        %dma_start3A_76 = tpu.memref_squeeze %dma_start3A_75 : memref<1x40x64xf32, #tpu.memory_space<vmem>> -> memref<40x64xf32, #tpu.memory_space<vmem>>
        %dma_start3A_77 = arith.constant 0 : i32
        %dma_start3A_78 = tpu.memref_slice %arg9[%run_scoped3A_57, %dma_start3A_77] : memref<500x40xi32, #tpu.memory_space<vmem>> -> memref<1x40xi32, #tpu.memory_space<vmem>>
        %dma_start3A_79 = tpu.memref_squeeze %dma_start3A_78 : memref<1x40xi32, #tpu.memory_space<vmem>> -> memref<40xi32, #tpu.memory_space<vmem>>
        %dma_start3A_80 = arith.constant 0 : i32
        %dma_start3A_81 = arith.constant 0 : i32
        %dma_start3A_82 = tpu.memref_slice %arg11[%dma_start3A_80, %dma_start3A_81] : memref<10008x64xf32, #tpu.memory_space<vmem_shared>> -> memref<10008x64xf32, #tpu.memory_space<vmem_shared>>
        tpu.enqueue_indirect_dma source(%dma_start3A_76 : memref<40x64xf32, #tpu.memory_space<vmem>>) target(%dma_start3A_82 : memref<10008x64xf32, #tpu.memory_space<vmem_shared>>) offsets(%dma_start3A_79 : memref<40xi32, #tpu.memory_space<vmem>>) semaphore(%run_scoped3A_72 : memref<!tpu.dma_semaphore, #tpu.memory_space<semaphore_mem>>) {add = true}
        %dma_wait3A_83 = arith.constant 0 : i32
        %dma_wait3A_84 = arith.constant 0 : i32
        %dma_wait3A_85 = tpu.memref_slice %arg10[%run_scoped3A, %dma_wait3A_83, %dma_wait3A_84] : memref<2x40x64xf32, #tpu.memory_space<vmem>> -> memref<1x40x64xf32, #tpu.memory_space<vmem>>
        %dma_wait3A_86 = tpu.memref_squeeze %dma_wait3A_85 : memref<1x40x64xf32, #tpu.memory_space<vmem>> -> memref<40x64xf32, #tpu.memory_space<vmem>>
        %dma_wait3A_87 = arith.constant 0 : i32
        %dma_wait3A_88 = tpu.memref_slice %arg9[%run_scoped3A_57, %dma_wait3A_87] : memref<500x40xi32, #tpu.memory_space<vmem>> -> memref<1x40xi32, #tpu.memory_space<vmem>>
        %dma_wait3A_89 = tpu.memref_squeeze %dma_wait3A_88 : memref<1x40xi32, #tpu.memory_space<vmem>> -> memref<40xi32, #tpu.memory_space<vmem>>
        %dma_wait3A_90 = arith.constant 0 : i32
        %dma_wait3A_91 = arith.constant 0 : i32
        %dma_wait3A_92 = tpu.memref_slice %arg11[%dma_wait3A_90, %dma_wait3A_91] : memref<10008x64xf32, #tpu.memory_space<vmem_shared>> -> memref<10008x64xf32, #tpu.memory_space<vmem_shared>>
        tpu.wait_indirect_dma semaphore(%run_scoped3A_72 : memref<!tpu.dma_semaphore, #tpu.memory_space<semaphore_mem>>) src(%dma_wait3A_86 : memref<40x64xf32, #tpu.memory_space<vmem>>) dst(%dma_wait3A_92 : memref<10008x64xf32, #tpu.memory_space<vmem_shared>>)
        tpu.yield
      }) : () -> ()
      %dma_wait3A_58 = arith.constant 499 : i32
      %dma_wait3A_59 = arith.constant 1 : i32
      %dma_wait3A_60 = arith.constant 0 : i32
      %dma_wait3A_61 = arith.constant 0 : i32
      %dma_wait3A_62 = tpu.memref_slice %arg10[%dma_wait3A_59, %dma_wait3A_60, %dma_wait3A_61] : memref<2x40x64xf32, #tpu.memory_space<vmem>> -> memref<1x40x64xf32, #tpu.memory_space<vmem>>
      %dma_wait3A_63 = tpu.memref_squeeze %dma_wait3A_62 : memref<1x40x64xf32, #tpu.memory_space<vmem>> -> memref<40x64xf32, #tpu.memory_space<vmem>>
      %dma_wait3A_64 = arith.constant 0 : i32
      %dma_wait3A_65 = tpu.memref_slice %arg8[%dma_wait3A_58, %dma_wait3A_64] : memref<500x40xi32, #tpu.memory_space<vmem>> -> memref<1x40xi32, #tpu.memory_space<vmem>>
      %dma_wait3A_66 = tpu.memref_squeeze %dma_wait3A_65 : memref<1x40xi32, #tpu.memory_space<vmem>> -> memref<40xi32, #tpu.memory_space<vmem>>
      %dma_wait3A_67 = arith.constant 0 : i32
      %dma_wait3A_68 = arith.constant 0 : i32
      %dma_wait3A_69 = tpu.memref_slice %arg2[%dma_wait3A_67, %dma_wait3A_68] : memref<10000x64xf32, #tpu.memory_space<hbm>> -> memref<10000x64xf32, #tpu.memory_space<hbm>>
      tpu.wait_indirect_dma semaphore(%arg13 : memref<!tpu.dma_semaphore, #tpu.memory_space<semaphore_mem>>) src(%dma_wait3A_69 : memref<10000x64xf32, #tpu.memory_space<hbm>>) dst(%dma_wait3A_63 : memref<40x64xf32, #tpu.memory_space<vmem>>)
      %run_scoped3A_70 = arith.constant 1 : i32
      %run_scoped3A_71 = arith.constant 499 : i32
      "tpu.region"() ({
        %run_scoped3A_72 = tpu.sem_alloc : memref<!tpu.dma_semaphore, #tpu.memory_space<semaphore_mem>>
        %dma_start3A_73 = arith.constant 0 : i32
        %dma_start3A_74 = arith.constant 0 : i32
        %dma_start3A_75 = tpu.memref_slice %arg10[%run_scoped3A_70, %dma_start3A_73, %dma_start3A_74] : memref<2x40x64xf32, #tpu.memory_space<vmem>> -> memref<1x40x64xf32, #tpu.memory_space<vmem>>
        %dma_start3A_76 = tpu.memref_squeeze %dma_start3A_75 : memref<1x40x64xf32, #tpu.memory_space<vmem>> -> memref<40x64xf32, #tpu.memory_space<vmem>>
        %dma_start3A_77 = arith.constant 0 : i32
        %dma_start3A_78 = tpu.memref_slice %arg9[%run_scoped3A_71, %dma_start3A_77] : memref<500x40xi32, #tpu.memory_space<vmem>> -> memref<1x40xi32, #tpu.memory_space<vmem>>
        %dma_start3A_79 = tpu.memref_squeeze %dma_start3A_78 : memref<1x40xi32, #tpu.memory_space<vmem>> -> memref<40xi32, #tpu.memory_space<vmem>>
        %dma_start3A_80 = arith.constant 0 : i32
        %dma_start3A_81 = arith.constant 0 : i32
        %dma_start3A_82 = tpu.memref_slice %arg11[%dma_start3A_80, %dma_start3A_81] : memref<10008x64xf32, #tpu.memory_space<vmem_shared>> -> memref<10008x64xf32, #tpu.memory_space<vmem_shared>>
        tpu.enqueue_indirect_dma source(%dma_start3A_76 : memref<40x64xf32, #tpu.memory_space<vmem>>) target(%dma_start3A_82 : memref<10008x64xf32, #tpu.memory_space<vmem_shared>>) offsets(%dma_start3A_79 : memref<40xi32, #tpu.memory_space<vmem>>) semaphore(%run_scoped3A_72 : memref<!tpu.dma_semaphore, #tpu.memory_space<semaphore_mem>>) {add = true}
        %dma_wait3A_83 = arith.constant 0 : i32
        %dma_wait3A_84 = arith.constant 0 : i32
        %dma_wait3A_85 = tpu.memref_slice %arg10[%run_scoped3A_70, %dma_wait3A_83, %dma_wait3A_84] : memref<2x40x64xf32, #tpu.memory_space<vmem>> -> memref<1x40x64xf32, #tpu.memory_space<vmem>>
        %dma_wait3A_86 = tpu.memref_squeeze %dma_wait3A_85 : memref<1x40x64xf32, #tpu.memory_space<vmem>> -> memref<40x64xf32, #tpu.memory_space<vmem>>
        %dma_wait3A_87 = arith.constant 0 : i32
        %dma_wait3A_88 = tpu.memref_slice %arg9[%run_scoped3A_71, %dma_wait3A_87] : memref<500x40xi32, #tpu.memory_space<vmem>> -> memref<1x40xi32, #tpu.memory_space<vmem>>
        %dma_wait3A_89 = tpu.memref_squeeze %dma_wait3A_88 : memref<1x40xi32, #tpu.memory_space<vmem>> -> memref<40xi32, #tpu.memory_space<vmem>>
        %dma_wait3A_90 = arith.constant 0 : i32
        %dma_wait3A_91 = arith.constant 0 : i32
        %dma_wait3A_92 = tpu.memref_slice %arg11[%dma_wait3A_90, %dma_wait3A_91] : memref<10008x64xf32, #tpu.memory_space<vmem_shared>> -> memref<10008x64xf32, #tpu.memory_space<vmem_shared>>
        tpu.wait_indirect_dma semaphore(%run_scoped3A_72 : memref<!tpu.dma_semaphore, #tpu.memory_space<semaphore_mem>>) src(%dma_wait3A_86 : memref<40x64xf32, #tpu.memory_space<vmem>>) dst(%dma_wait3A_92 : memref<10008x64xf32, #tpu.memory_space<vmem_shared>>)
        tpu.yield
      }) : () -> ()
    } else {
    }
    %eq3A_8 = arith.constant 1 : i32
    %eq3A_9 = arith.cmpi eq, %arg0, %eq3A_8 : i32
    %convert_element_type3A_10 = arith.extui %eq3A_9 : i1 to i32
    %cond3A_11 = arith.constant 0 : i32
    %cond3A_12 = arith.cmpi ne, %convert_element_type3A_10, %cond3A_11 : i32
    scf.if %cond3A_12 {
      %dma_start3A = arith.constant 0 : i32
      %dma_start3A_19 = arith.constant 0 : i32
      %dma_start3A_20 = arith.constant 0 : i32
      %dma_start3A_21 = arith.constant 0 : i32
      %dma_start3A_22 = tpu.memref_slice %arg10[%dma_start3A_19, %dma_start3A_20, %dma_start3A_21] : memref<2x40x64xf32, #tpu.memory_space<vmem>> -> memref<1x40x64xf32, #tpu.memory_space<vmem>>
      %dma_start3A_23 = tpu.memref_squeeze %dma_start3A_22 : memref<1x40x64xf32, #tpu.memory_space<vmem>> -> memref<40x64xf32, #tpu.memory_space<vmem>>
      %dma_start3A_24 = arith.constant 0 : i32
      %dma_start3A_25 = tpu.memref_slice %arg8[%dma_start3A, %dma_start3A_24] : memref<500x40xi32, #tpu.memory_space<vmem>> -> memref<1x40xi32, #tpu.memory_space<vmem>>
      %dma_start3A_26 = tpu.memref_squeeze %dma_start3A_25 : memref<1x40xi32, #tpu.memory_space<vmem>> -> memref<40xi32, #tpu.memory_space<vmem>>
      %dma_start3A_27 = arith.constant 0 : i32
      %dma_start3A_28 = arith.constant 0 : i32
      %dma_start3A_29 = tpu.memref_slice %arg3[%dma_start3A_27, %dma_start3A_28] : memref<10000x64xf32, #tpu.memory_space<hbm>> -> memref<10000x64xf32, #tpu.memory_space<hbm>>
      tpu.enqueue_indirect_dma source(%dma_start3A_29 : memref<10000x64xf32, #tpu.memory_space<hbm>>) target(%dma_start3A_23 : memref<40x64xf32, #tpu.memory_space<vmem>>) offsets(%dma_start3A_26 : memref<40xi32, #tpu.memory_space<vmem>>) semaphore(%arg12 : memref<!tpu.dma_semaphore, #tpu.memory_space<semaphore_mem>>)
      %dma_start3A_30 = arith.constant 1 : i32
      %dma_start3A_31 = arith.constant 1 : i32
      %dma_start3A_32 = arith.constant 0 : i32
      %dma_start3A_33 = arith.constant 0 : i32
      %dma_start3A_34 = tpu.memref_slice %arg10[%dma_start3A_31, %dma_start3A_32, %dma_start3A_33] : memref<2x40x64xf32, #tpu.memory_space<vmem>> -> memref<1x40x64xf32, #tpu.memory_space<vmem>>
      %dma_start3A_35 = tpu.memref_squeeze %dma_start3A_34 : memref<1x40x64xf32, #tpu.memory_space<vmem>> -> memref<40x64xf32, #tpu.memory_space<vmem>>
      %dma_start3A_36 = arith.constant 0 : i32
      %dma_start3A_37 = tpu.memref_slice %arg8[%dma_start3A_30, %dma_start3A_36] : memref<500x40xi32, #tpu.memory_space<vmem>> -> memref<1x40xi32, #tpu.memory_space<vmem>>
      %dma_start3A_38 = tpu.memref_squeeze %dma_start3A_37 : memref<1x40xi32, #tpu.memory_space<vmem>> -> memref<40xi32, #tpu.memory_space<vmem>>
      %dma_start3A_39 = arith.constant 0 : i32
      %dma_start3A_40 = arith.constant 0 : i32
      %dma_start3A_41 = tpu.memref_slice %arg3[%dma_start3A_39, %dma_start3A_40] : memref<10000x64xf32, #tpu.memory_space<hbm>> -> memref<10000x64xf32, #tpu.memory_space<hbm>>
      tpu.enqueue_indirect_dma source(%dma_start3A_41 : memref<10000x64xf32, #tpu.memory_space<hbm>>) target(%dma_start3A_35 : memref<40x64xf32, #tpu.memory_space<vmem>>) offsets(%dma_start3A_38 : memref<40xi32, #tpu.memory_space<vmem>>) semaphore(%arg13 : memref<!tpu.dma_semaphore, #tpu.memory_space<semaphore_mem>>)
      %scan3A = arith.constant 0 : i32
      %scan3A_42 = arith.constant 249 : i32
      %scan3A_43 = arith.addi %scan3A, %scan3A_42 : i32
      %scan3A_44 = arith.constant 1 : i32
      scf.for %scan3A_72 = %scan3A to %scan3A_43 step %scan3A_44  : i32 {
        %mul3A_73 = arith.constant 2 : i32
        %mul3A_74 = arith.muli %scan3A_72, %mul3A_73 : i32
        %add3A = arith.constant 0 : i32
        %add3A_75 = arith.addi %add3A, %mul3A_74 : i32
        %add3A_76 = arith.constant 0 : i32
        %add3A_77 = arith.addi %add3A_75, %add3A_76 : i32
        %dma_wait3A_78 = arith.constant 0 : i32
        %dma_wait3A_79 = arith.constant 0 : i32
        %dma_wait3A_80 = arith.constant 0 : i32
        %dma_wait3A_81 = tpu.memref_slice %arg10[%dma_wait3A_78, %dma_wait3A_79, %dma_wait3A_80] : memref<2x40x64xf32, #tpu.memory_space<vmem>> -> memref<1x40x64xf32, #tpu.memory_space<vmem>>
        %dma_wait3A_82 = tpu.memref_squeeze %dma_wait3A_81 : memref<1x40x64xf32, #tpu.memory_space<vmem>> -> memref<40x64xf32, #tpu.memory_space<vmem>>
        %dma_wait3A_83 = arith.constant 0 : i32
        %dma_wait3A_84 = tpu.memref_slice %arg8[%add3A_77, %dma_wait3A_83] : memref<500x40xi32, #tpu.memory_space<vmem>> -> memref<1x40xi32, #tpu.memory_space<vmem>>
        %dma_wait3A_85 = tpu.memref_squeeze %dma_wait3A_84 : memref<1x40xi32, #tpu.memory_space<vmem>> -> memref<40xi32, #tpu.memory_space<vmem>>
        %dma_wait3A_86 = arith.constant 0 : i32
        %dma_wait3A_87 = arith.constant 0 : i32
        %dma_wait3A_88 = tpu.memref_slice %arg3[%dma_wait3A_86, %dma_wait3A_87] : memref<10000x64xf32, #tpu.memory_space<hbm>> -> memref<10000x64xf32, #tpu.memory_space<hbm>>
        tpu.wait_indirect_dma semaphore(%arg12 : memref<!tpu.dma_semaphore, #tpu.memory_space<semaphore_mem>>) src(%dma_wait3A_88 : memref<10000x64xf32, #tpu.memory_space<hbm>>) dst(%dma_wait3A_82 : memref<40x64xf32, #tpu.memory_space<vmem>>)
        %run_scoped3A_89 = arith.constant 0 : i32
        "tpu.region"() ({
          %run_scoped3A_130 = tpu.sem_alloc : memref<!tpu.dma_semaphore, #tpu.memory_space<semaphore_mem>>
          %dma_start3A_131 = arith.constant 0 : i32
          %dma_start3A_132 = arith.constant 0 : i32
          %dma_start3A_133 = tpu.memref_slice %arg10[%run_scoped3A_89, %dma_start3A_131, %dma_start3A_132] : memref<2x40x64xf32, #tpu.memory_space<vmem>> -> memref<1x40x64xf32, #tpu.memory_space<vmem>>
          %dma_start3A_134 = tpu.memref_squeeze %dma_start3A_133 : memref<1x40x64xf32, #tpu.memory_space<vmem>> -> memref<40x64xf32, #tpu.memory_space<vmem>>
          %dma_start3A_135 = arith.constant 0 : i32
          %dma_start3A_136 = tpu.memref_slice %arg9[%add3A_77, %dma_start3A_135] : memref<500x40xi32, #tpu.memory_space<vmem>> -> memref<1x40xi32, #tpu.memory_space<vmem>>
          %dma_start3A_137 = tpu.memref_squeeze %dma_start3A_136 : memref<1x40xi32, #tpu.memory_space<vmem>> -> memref<40xi32, #tpu.memory_space<vmem>>
          %dma_start3A_138 = arith.constant 0 : i32
          %dma_start3A_139 = arith.constant 0 : i32
          %dma_start3A_140 = tpu.memref_slice %arg11[%dma_start3A_138, %dma_start3A_139] : memref<10008x64xf32, #tpu.memory_space<vmem_shared>> -> memref<10008x64xf32, #tpu.memory_space<vmem_shared>>
          tpu.enqueue_indirect_dma source(%dma_start3A_134 : memref<40x64xf32, #tpu.memory_space<vmem>>) target(%dma_start3A_140 : memref<10008x64xf32, #tpu.memory_space<vmem_shared>>) offsets(%dma_start3A_137 : memref<40xi32, #tpu.memory_space<vmem>>) semaphore(%run_scoped3A_130 : memref<!tpu.dma_semaphore, #tpu.memory_space<semaphore_mem>>) {add = true}
          %dma_wait3A_141 = arith.constant 0 : i32
          %dma_wait3A_142 = arith.constant 0 : i32
          %dma_wait3A_143 = tpu.memref_slice %arg10[%run_scoped3A_89, %dma_wait3A_141, %dma_wait3A_142] : memref<2x40x64xf32, #tpu.memory_space<vmem>> -> memref<1x40x64xf32, #tpu.memory_space<vmem>>
          %dma_wait3A_144 = tpu.memref_squeeze %dma_wait3A_143 : memref<1x40x64xf32, #tpu.memory_space<vmem>> -> memref<40x64xf32, #tpu.memory_space<vmem>>
          %dma_wait3A_145 = arith.constant 0 : i32
          %dma_wait3A_146 = tpu.memref_slice %arg9[%add3A_77, %dma_wait3A_145] : memref<500x40xi32, #tpu.memory_space<vmem>> -> memref<1x40xi32, #tpu.memory_space<vmem>>
          %dma_wait3A_147 = tpu.memref_squeeze %dma_wait3A_146 : memref<1x40xi32, #tpu.memory_space<vmem>> -> memref<40xi32, #tpu.memory_space<vmem>>
          %dma_wait3A_148 = arith.constant 0 : i32
          %dma_wait3A_149 = arith.constant 0 : i32
          %dma_wait3A_150 = tpu.memref_slice %arg11[%dma_wait3A_148, %dma_wait3A_149] : memref<10008x64xf32, #tpu.memory_space<vmem_shared>> -> memref<10008x64xf32, #tpu.memory_space<vmem_shared>>
          tpu.wait_indirect_dma semaphore(%run_scoped3A_130 : memref<!tpu.dma_semaphore, #tpu.memory_space<semaphore_mem>>) src(%dma_wait3A_144 : memref<40x64xf32, #tpu.memory_space<vmem>>) dst(%dma_wait3A_150 : memref<10008x64xf32, #tpu.memory_space<vmem_shared>>)
          tpu.yield
        }) : () -> ()
        %add3A_90 = arith.constant 2 : i32
        %add3A_91 = arith.addi %add3A_77, %add3A_90 : i32
        %dma_start3A_92 = arith.constant 0 : i32
        %dma_start3A_93 = arith.constant 0 : i32
        %dma_start3A_94 = arith.constant 0 : i32
        %dma_start3A_95 = tpu.memref_slice %arg10[%dma_start3A_92, %dma_start3A_93, %dma_start3A_94] : memref<2x40x64xf32, #tpu.memory_space<vmem>> -> memref<1x40x64xf32, #tpu.memory_space<vmem>>
        %dma_start3A_96 = tpu.memref_squeeze %dma_start3A_95 : memref<1x40x64xf32, #tpu.memory_space<vmem>> -> memref<40x64xf32, #tpu.memory_space<vmem>>
        %dma_start3A_97 = arith.constant 0 : i32
        %dma_start3A_98 = tpu.memref_slice %arg8[%add3A_91, %dma_start3A_97] : memref<500x40xi32, #tpu.memory_space<vmem>> -> memref<1x40xi32, #tpu.memory_space<vmem>>
        %dma_start3A_99 = tpu.memref_squeeze %dma_start3A_98 : memref<1x40xi32, #tpu.memory_space<vmem>> -> memref<40xi32, #tpu.memory_space<vmem>>
        %dma_start3A_100 = arith.constant 0 : i32
        %dma_start3A_101 = arith.constant 0 : i32
        %dma_start3A_102 = tpu.memref_slice %arg3[%dma_start3A_100, %dma_start3A_101] : memref<10000x64xf32, #tpu.memory_space<hbm>> -> memref<10000x64xf32, #tpu.memory_space<hbm>>
        tpu.enqueue_indirect_dma source(%dma_start3A_102 : memref<10000x64xf32, #tpu.memory_space<hbm>>) target(%dma_start3A_96 : memref<40x64xf32, #tpu.memory_space<vmem>>) offsets(%dma_start3A_99 : memref<40xi32, #tpu.memory_space<vmem>>) semaphore(%arg12 : memref<!tpu.dma_semaphore, #tpu.memory_space<semaphore_mem>>)
        %add3A_103 = arith.constant 1 : i32
        %add3A_104 = arith.addi %add3A_75, %add3A_103 : i32
        %dma_wait3A_105 = arith.constant 1 : i32
        %dma_wait3A_106 = arith.constant 0 : i32
        %dma_wait3A_107 = arith.constant 0 : i32
        %dma_wait3A_108 = tpu.memref_slice %arg10[%dma_wait3A_105, %dma_wait3A_106, %dma_wait3A_107] : memref<2x40x64xf32, #tpu.memory_space<vmem>> -> memref<1x40x64xf32, #tpu.memory_space<vmem>>
        %dma_wait3A_109 = tpu.memref_squeeze %dma_wait3A_108 : memref<1x40x64xf32, #tpu.memory_space<vmem>> -> memref<40x64xf32, #tpu.memory_space<vmem>>
        %dma_wait3A_110 = arith.constant 0 : i32
        %dma_wait3A_111 = tpu.memref_slice %arg8[%add3A_104, %dma_wait3A_110] : memref<500x40xi32, #tpu.memory_space<vmem>> -> memref<1x40xi32, #tpu.memory_space<vmem>>
        %dma_wait3A_112 = tpu.memref_squeeze %dma_wait3A_111 : memref<1x40xi32, #tpu.memory_space<vmem>> -> memref<40xi32, #tpu.memory_space<vmem>>
        %dma_wait3A_113 = arith.constant 0 : i32
        %dma_wait3A_114 = arith.constant 0 : i32
        %dma_wait3A_115 = tpu.memref_slice %arg3[%dma_wait3A_113, %dma_wait3A_114] : memref<10000x64xf32, #tpu.memory_space<hbm>> -> memref<10000x64xf32, #tpu.memory_space<hbm>>
        tpu.wait_indirect_dma semaphore(%arg13 : memref<!tpu.dma_semaphore, #tpu.memory_space<semaphore_mem>>) src(%dma_wait3A_115 : memref<10000x64xf32, #tpu.memory_space<hbm>>) dst(%dma_wait3A_109 : memref<40x64xf32, #tpu.memory_space<vmem>>)
        %run_scoped3A_116 = arith.constant 1 : i32
        "tpu.region"() ({
          %run_scoped3A_130 = tpu.sem_alloc : memref<!tpu.dma_semaphore, #tpu.memory_space<semaphore_mem>>
          %dma_start3A_131 = arith.constant 0 : i32
          %dma_start3A_132 = arith.constant 0 : i32
          %dma_start3A_133 = tpu.memref_slice %arg10[%run_scoped3A_116, %dma_start3A_131, %dma_start3A_132] : memref<2x40x64xf32, #tpu.memory_space<vmem>> -> memref<1x40x64xf32, #tpu.memory_space<vmem>>
          %dma_start3A_134 = tpu.memref_squeeze %dma_start3A_133 : memref<1x40x64xf32, #tpu.memory_space<vmem>> -> memref<40x64xf32, #tpu.memory_space<vmem>>
          %dma_start3A_135 = arith.constant 0 : i32
          %dma_start3A_136 = tpu.memref_slice %arg9[%add3A_104, %dma_start3A_135] : memref<500x40xi32, #tpu.memory_space<vmem>> -> memref<1x40xi32, #tpu.memory_space<vmem>>
          %dma_start3A_137 = tpu.memref_squeeze %dma_start3A_136 : memref<1x40xi32, #tpu.memory_space<vmem>> -> memref<40xi32, #tpu.memory_space<vmem>>
          %dma_start3A_138 = arith.constant 0 : i32
          %dma_start3A_139 = arith.constant 0 : i32
          %dma_start3A_140 = tpu.memref_slice %arg11[%dma_start3A_138, %dma_start3A_139] : memref<10008x64xf32, #tpu.memory_space<vmem_shared>> -> memref<10008x64xf32, #tpu.memory_space<vmem_shared>>
          tpu.enqueue_indirect_dma source(%dma_start3A_134 : memref<40x64xf32, #tpu.memory_space<vmem>>) target(%dma_start3A_140 : memref<10008x64xf32, #tpu.memory_space<vmem_shared>>) offsets(%dma_start3A_137 : memref<40xi32, #tpu.memory_space<vmem>>) semaphore(%run_scoped3A_130 : memref<!tpu.dma_semaphore, #tpu.memory_space<semaphore_mem>>) {add = true}
          %dma_wait3A_141 = arith.constant 0 : i32
          %dma_wait3A_142 = arith.constant 0 : i32
          %dma_wait3A_143 = tpu.memref_slice %arg10[%run_scoped3A_116, %dma_wait3A_141, %dma_wait3A_142] : memref<2x40x64xf32, #tpu.memory_space<vmem>> -> memref<1x40x64xf32, #tpu.memory_space<vmem>>
          %dma_wait3A_144 = tpu.memref_squeeze %dma_wait3A_143 : memref<1x40x64xf32, #tpu.memory_space<vmem>> -> memref<40x64xf32, #tpu.memory_space<vmem>>
          %dma_wait3A_145 = arith.constant 0 : i32
          %dma_wait3A_146 = tpu.memref_slice %arg9[%add3A_104, %dma_wait3A_145] : memref<500x40xi32, #tpu.memory_space<vmem>> -> memref<1x40xi32, #tpu.memory_space<vmem>>
          %dma_wait3A_147 = tpu.memref_squeeze %dma_wait3A_146 : memref<1x40xi32, #tpu.memory_space<vmem>> -> memref<40xi32, #tpu.memory_space<vmem>>
          %dma_wait3A_148 = arith.constant 0 : i32
          %dma_wait3A_149 = arith.constant 0 : i32
          %dma_wait3A_150 = tpu.memref_slice %arg11[%dma_wait3A_148, %dma_wait3A_149] : memref<10008x64xf32, #tpu.memory_space<vmem_shared>> -> memref<10008x64xf32, #tpu.memory_space<vmem_shared>>
          tpu.wait_indirect_dma semaphore(%run_scoped3A_130 : memref<!tpu.dma_semaphore, #tpu.memory_space<semaphore_mem>>) src(%dma_wait3A_144 : memref<40x64xf32, #tpu.memory_space<vmem>>) dst(%dma_wait3A_150 : memref<10008x64xf32, #tpu.memory_space<vmem_shared>>)
          tpu.yield
        }) : () -> ()
        %add3A_117 = arith.constant 2 : i32
        %add3A_118 = arith.addi %add3A_104, %add3A_117 : i32
        %dma_start3A_119 = arith.constant 1 : i32
        %dma_start3A_120 = arith.constant 0 : i32
        %dma_start3A_121 = arith.constant 0 : i32
        %dma_start3A_122 = tpu.memref_slice %arg10[%dma_start3A_119, %dma_start3A_120, %dma_start3A_121] : memref<2x40x64xf32, #tpu.memory_space<vmem>> -> memref<1x40x64xf32, #tpu.memory_space<vmem>>
        %dma_start3A_123 = tpu.memref_squeeze %dma_start3A_122 : memref<1x40x64xf32, #tpu.memory_space<vmem>> -> memref<40x64xf32, #tpu.memory_space<vmem>>
        %dma_start3A_124 = arith.constant 0 : i32
        %dma_start3A_125 = tpu.memref_slice %arg8[%add3A_118, %dma_start3A_124] : memref<500x40xi32, #tpu.memory_space<vmem>> -> memref<1x40xi32, #tpu.memory_space<vmem>>
        %dma_start3A_126 = tpu.memref_squeeze %dma_start3A_125 : memref<1x40xi32, #tpu.memory_space<vmem>> -> memref<40xi32, #tpu.memory_space<vmem>>
        %dma_start3A_127 = arith.constant 0 : i32
        %dma_start3A_128 = arith.constant 0 : i32
        %dma_start3A_129 = tpu.memref_slice %arg3[%dma_start3A_127, %dma_start3A_128] : memref<10000x64xf32, #tpu.memory_space<hbm>> -> memref<10000x64xf32, #tpu.memory_space<hbm>>
        tpu.enqueue_indirect_dma source(%dma_start3A_129 : memref<10000x64xf32, #tpu.memory_space<hbm>>) target(%dma_start3A_123 : memref<40x64xf32, #tpu.memory_space<vmem>>) offsets(%dma_start3A_126 : memref<40xi32, #tpu.memory_space<vmem>>) semaphore(%arg13 : memref<!tpu.dma_semaphore, #tpu.memory_space<semaphore_mem>>)
      }
      %scan3A_45 = arith.constant 249 : i32
      %dma_wait3A = arith.constant 498 : i32
      %dma_wait3A_46 = arith.constant 0 : i32
      %dma_wait3A_47 = arith.constant 0 : i32
      %dma_wait3A_48 = arith.constant 0 : i32
      %dma_wait3A_49 = tpu.memref_slice %arg10[%dma_wait3A_46, %dma_wait3A_47, %dma_wait3A_48] : memref<2x40x64xf32, #tpu.memory_space<vmem>> -> memref<1x40x64xf32, #tpu.memory_space<vmem>>
      %dma_wait3A_50 = tpu.memref_squeeze %dma_wait3A_49 : memref<1x40x64xf32, #tpu.memory_space<vmem>> -> memref<40x64xf32, #tpu.memory_space<vmem>>
      %dma_wait3A_51 = arith.constant 0 : i32
      %dma_wait3A_52 = tpu.memref_slice %arg8[%dma_wait3A, %dma_wait3A_51] : memref<500x40xi32, #tpu.memory_space<vmem>> -> memref<1x40xi32, #tpu.memory_space<vmem>>
      %dma_wait3A_53 = tpu.memref_squeeze %dma_wait3A_52 : memref<1x40xi32, #tpu.memory_space<vmem>> -> memref<40xi32, #tpu.memory_space<vmem>>
      %dma_wait3A_54 = arith.constant 0 : i32
      %dma_wait3A_55 = arith.constant 0 : i32
      %dma_wait3A_56 = tpu.memref_slice %arg3[%dma_wait3A_54, %dma_wait3A_55] : memref<10000x64xf32, #tpu.memory_space<hbm>> -> memref<10000x64xf32, #tpu.memory_space<hbm>>
      tpu.wait_indirect_dma semaphore(%arg12 : memref<!tpu.dma_semaphore, #tpu.memory_space<semaphore_mem>>) src(%dma_wait3A_56 : memref<10000x64xf32, #tpu.memory_space<hbm>>) dst(%dma_wait3A_50 : memref<40x64xf32, #tpu.memory_space<vmem>>)
      %run_scoped3A = arith.constant 0 : i32
      %run_scoped3A_57 = arith.constant 498 : i32
      "tpu.region"() ({
        %run_scoped3A_72 = tpu.sem_alloc : memref<!tpu.dma_semaphore, #tpu.memory_space<semaphore_mem>>
        %dma_start3A_73 = arith.constant 0 : i32
        %dma_start3A_74 = arith.constant 0 : i32
        %dma_start3A_75 = tpu.memref_slice %arg10[%run_scoped3A, %dma_start3A_73, %dma_start3A_74] : memref<2x40x64xf32, #tpu.memory_space<vmem>> -> memref<1x40x64xf32, #tpu.memory_space<vmem>>
        %dma_start3A_76 = tpu.memref_squeeze %dma_start3A_75 : memref<1x40x64xf32, #tpu.memory_space<vmem>> -> memref<40x64xf32, #tpu.memory_space<vmem>>
        %dma_start3A_77 = arith.constant 0 : i32
        %dma_start3A_78 = tpu.memref_slice %arg9[%run_scoped3A_57, %dma_start3A_77] : memref<500x40xi32, #tpu.memory_space<vmem>> -> memref<1x40xi32, #tpu.memory_space<vmem>>
        %dma_start3A_79 = tpu.memref_squeeze %dma_start3A_78 : memref<1x40xi32, #tpu.memory_space<vmem>> -> memref<40xi32, #tpu.memory_space<vmem>>
        %dma_start3A_80 = arith.constant 0 : i32
        %dma_start3A_81 = arith.constant 0 : i32
        %dma_start3A_82 = tpu.memref_slice %arg11[%dma_start3A_80, %dma_start3A_81] : memref<10008x64xf32, #tpu.memory_space<vmem_shared>> -> memref<10008x64xf32, #tpu.memory_space<vmem_shared>>
        tpu.enqueue_indirect_dma source(%dma_start3A_76 : memref<40x64xf32, #tpu.memory_space<vmem>>) target(%dma_start3A_82 : memref<10008x64xf32, #tpu.memory_space<vmem_shared>>) offsets(%dma_start3A_79 : memref<40xi32, #tpu.memory_space<vmem>>) semaphore(%run_scoped3A_72 : memref<!tpu.dma_semaphore, #tpu.memory_space<semaphore_mem>>) {add = true}
        %dma_wait3A_83 = arith.constant 0 : i32
        %dma_wait3A_84 = arith.constant 0 : i32
        %dma_wait3A_85 = tpu.memref_slice %arg10[%run_scoped3A, %dma_wait3A_83, %dma_wait3A_84] : memref<2x40x64xf32, #tpu.memory_space<vmem>> -> memref<1x40x64xf32, #tpu.memory_space<vmem>>
        %dma_wait3A_86 = tpu.memref_squeeze %dma_wait3A_85 : memref<1x40x64xf32, #tpu.memory_space<vmem>> -> memref<40x64xf32, #tpu.memory_space<vmem>>
        %dma_wait3A_87 = arith.constant 0 : i32
        %dma_wait3A_88 = tpu.memref_slice %arg9[%run_scoped3A_57, %dma_wait3A_87] : memref<500x40xi32, #tpu.memory_space<vmem>> -> memref<1x40xi32, #tpu.memory_space<vmem>>
        %dma_wait3A_89 = tpu.memref_squeeze %dma_wait3A_88 : memref<1x40xi32, #tpu.memory_space<vmem>> -> memref<40xi32, #tpu.memory_space<vmem>>
        %dma_wait3A_90 = arith.constant 0 : i32
        %dma_wait3A_91 = arith.constant 0 : i32
        %dma_wait3A_92 = tpu.memref_slice %arg11[%dma_wait3A_90, %dma_wait3A_91] : memref<10008x64xf32, #tpu.memory_space<vmem_shared>> -> memref<10008x64xf32, #tpu.memory_space<vmem_shared>>
        tpu.wait_indirect_dma semaphore(%run_scoped3A_72 : memref<!tpu.dma_semaphore, #tpu.memory_space<semaphore_mem>>) src(%dma_wait3A_86 : memref<40x64xf32, #tpu.memory_space<vmem>>) dst(%dma_wait3A_92 : memref<10008x64xf32, #tpu.memory_space<vmem_shared>>)
        tpu.yield
      }) : () -> ()
      %dma_wait3A_58 = arith.constant 499 : i32
      %dma_wait3A_59 = arith.constant 1 : i32
      %dma_wait3A_60 = arith.constant 0 : i32
      %dma_wait3A_61 = arith.constant 0 : i32
      %dma_wait3A_62 = tpu.memref_slice %arg10[%dma_wait3A_59, %dma_wait3A_60, %dma_wait3A_61] : memref<2x40x64xf32, #tpu.memory_space<vmem>> -> memref<1x40x64xf32, #tpu.memory_space<vmem>>
      %dma_wait3A_63 = tpu.memref_squeeze %dma_wait3A_62 : memref<1x40x64xf32, #tpu.memory_space<vmem>> -> memref<40x64xf32, #tpu.memory_space<vmem>>
      %dma_wait3A_64 = arith.constant 0 : i32
      %dma_wait3A_65 = tpu.memref_slice %arg8[%dma_wait3A_58, %dma_wait3A_64] : memref<500x40xi32, #tpu.memory_space<vmem>> -> memref<1x40xi32, #tpu.memory_space<vmem>>
      %dma_wait3A_66 = tpu.memref_squeeze %dma_wait3A_65 : memref<1x40xi32, #tpu.memory_space<vmem>> -> memref<40xi32, #tpu.memory_space<vmem>>
      %dma_wait3A_67 = arith.constant 0 : i32
      %dma_wait3A_68 = arith.constant 0 : i32
      %dma_wait3A_69 = tpu.memref_slice %arg3[%dma_wait3A_67, %dma_wait3A_68] : memref<10000x64xf32, #tpu.memory_space<hbm>> -> memref<10000x64xf32, #tpu.memory_space<hbm>>
      tpu.wait_indirect_dma semaphore(%arg13 : memref<!tpu.dma_semaphore, #tpu.memory_space<semaphore_mem>>) src(%dma_wait3A_69 : memref<10000x64xf32, #tpu.memory_space<hbm>>) dst(%dma_wait3A_63 : memref<40x64xf32, #tpu.memory_space<vmem>>)
      %run_scoped3A_70 = arith.constant 1 : i32
      %run_scoped3A_71 = arith.constant 499 : i32
      "tpu.region"() ({
        %run_scoped3A_72 = tpu.sem_alloc : memref<!tpu.dma_semaphore, #tpu.memory_space<semaphore_mem>>
        %dma_start3A_73 = arith.constant 0 : i32
        %dma_start3A_74 = arith.constant 0 : i32
        %dma_start3A_75 = tpu.memref_slice %arg10[%run_scoped3A_70, %dma_start3A_73, %dma_start3A_74] : memref<2x40x64xf32, #tpu.memory_space<vmem>> -> memref<1x40x64xf32, #tpu.memory_space<vmem>>
        %dma_start3A_76 = tpu.memref_squeeze %dma_start3A_75 : memref<1x40x64xf32, #tpu.memory_space<vmem>> -> memref<40x64xf32, #tpu.memory_space<vmem>>
        %dma_start3A_77 = arith.constant 0 : i32
        %dma_start3A_78 = tpu.memref_slice %arg9[%run_scoped3A_71, %dma_start3A_77] : memref<500x40xi32, #tpu.memory_space<vmem>> -> memref<1x40xi32, #tpu.memory_space<vmem>>
        %dma_start3A_79 = tpu.memref_squeeze %dma_start3A_78 : memref<1x40xi32, #tpu.memory_space<vmem>> -> memref<40xi32, #tpu.memory_space<vmem>>
        %dma_start3A_80 = arith.constant 0 : i32
        %dma_start3A_81 = arith.constant 0 : i32
        %dma_start3A_82 = tpu.memref_slice %arg11[%dma_start3A_80, %dma_start3A_81] : memref<10008x64xf32, #tpu.memory_space<vmem_shared>> -> memref<10008x64xf32, #tpu.memory_space<vmem_shared>>
        tpu.enqueue_indirect_dma source(%dma_start3A_76 : memref<40x64xf32, #tpu.memory_space<vmem>>) target(%dma_start3A_82 : memref<10008x64xf32, #tpu.memory_space<vmem_shared>>) offsets(%dma_start3A_79 : memref<40xi32, #tpu.memory_space<vmem>>) semaphore(%run_scoped3A_72 : memref<!tpu.dma_semaphore, #tpu.memory_space<semaphore_mem>>) {add = true}
        %dma_wait3A_83 = arith.constant 0 : i32
        %dma_wait3A_84 = arith.constant 0 : i32
        %dma_wait3A_85 = tpu.memref_slice %arg10[%run_scoped3A_70, %dma_wait3A_83, %dma_wait3A_84] : memref<2x40x64xf32, #tpu.memory_space<vmem>> -> memref<1x40x64xf32, #tpu.memory_space<vmem>>
        %dma_wait3A_86 = tpu.memref_squeeze %dma_wait3A_85 : memref<1x40x64xf32, #tpu.memory_space<vmem>> -> memref<40x64xf32, #tpu.memory_space<vmem>>
        %dma_wait3A_87 = arith.constant 0 : i32
        %dma_wait3A_88 = tpu.memref_slice %arg9[%run_scoped3A_71, %dma_wait3A_87] : memref<500x40xi32, #tpu.memory_space<vmem>> -> memref<1x40xi32, #tpu.memory_space<vmem>>
        %dma_wait3A_89 = tpu.memref_squeeze %dma_wait3A_88 : memref<1x40xi32, #tpu.memory_space<vmem>> -> memref<40xi32, #tpu.memory_space<vmem>>
        %dma_wait3A_90 = arith.constant 0 : i32
        %dma_wait3A_91 = arith.constant 0 : i32
        %dma_wait3A_92 = tpu.memref_slice %arg11[%dma_wait3A_90, %dma_wait3A_91] : memref<10008x64xf32, #tpu.memory_space<vmem_shared>> -> memref<10008x64xf32, #tpu.memory_space<vmem_shared>>
        tpu.wait_indirect_dma semaphore(%run_scoped3A_72 : memref<!tpu.dma_semaphore, #tpu.memory_space<semaphore_mem>>) src(%dma_wait3A_86 : memref<40x64xf32, #tpu.memory_space<vmem>>) dst(%dma_wait3A_92 : memref<10008x64xf32, #tpu.memory_space<vmem_shared>>)
        tpu.yield
      }) : () -> ()
    } else {
    }
    %barrier3A_13 = arith.constant 0 : index
    tpu.barrier barrier_id(%barrier3A_13)
    "tpu.region"() ({
      %run_scoped3A = tpu.sem_alloc : memref<!tpu.dma_semaphore, #tpu.memory_space<semaphore_mem>>
      %dma_start3A = arith.constant 0 : i32
      %dma_start3A_19 = arith.constant 0 : i32
      %dma_start3A_20 = tpu.memref_slice %arg7[%arg0, %dma_start3A, %dma_start3A_19] : memref<2x10000x64xf32, #tpu.memory_space<hbm>> -> memref<1x10000x64xf32, #tpu.memory_space<hbm>>
      %dma_start3A_21 = tpu.memref_squeeze %dma_start3A_20 : memref<1x10000x64xf32, #tpu.memory_space<hbm>> -> memref<10000x64xf32, #tpu.memory_space<hbm>>
      %dma_start3A_22 = arith.constant 0 : i32
      %dma_start3A_23 = tpu.memref_slice %dma_start3A_21[%multiple_of3A, %dma_start3A_22] : memref<10000x64xf32, #tpu.memory_space<hbm>> -> memref<624x64xf32, #tpu.memory_space<hbm>>
      %dma_start3A_24 = arith.constant 0 : i32
      %dma_start3A_25 = tpu.memref_slice %arg11[%multiple_of3A, %dma_start3A_24] : memref<10008x64xf32, #tpu.memory_space<vmem_shared>> -> memref<624x64xf32, #tpu.memory_space<vmem_shared>>
      tpu.enqueue_dma source(%dma_start3A_25 : memref<624x64xf32, #tpu.memory_space<vmem_shared>>) target(%dma_start3A_23 : memref<624x64xf32, #tpu.memory_space<hbm>>) target_semaphore(%run_scoped3A : memref<!tpu.dma_semaphore, #tpu.memory_space<semaphore_mem>>)
      %dma_wait3A = arith.constant 0 : i32
      %dma_wait3A_26 = arith.constant 0 : i32
      %dma_wait3A_27 = tpu.memref_slice %arg7[%arg0, %dma_wait3A, %dma_wait3A_26] : memref<2x10000x64xf32, #tpu.memory_space<hbm>> -> memref<1x10000x64xf32, #tpu.memory_space<hbm>>
      %dma_wait3A_28 = tpu.memref_squeeze %dma_wait3A_27 : memref<1x10000x64xf32, #tpu.memory_space<hbm>> -> memref<10000x64xf32, #tpu.memory_space<hbm>>
      %dma_wait3A_29 = arith.constant 0 : i32
      %dma_wait3A_30 = tpu.memref_slice %dma_wait3A_28[%multiple_of3A, %dma_wait3A_29] : memref<10000x64xf32, #tpu.memory_space<hbm>> -> memref<624x64xf32, #tpu.memory_space<hbm>>
      %dma_wait3A_31 = arith.constant 0 : i32
      %dma_wait3A_32 = tpu.memref_slice %arg11[%multiple_of3A, %dma_wait3A_31] : memref<10008x64xf32, #tpu.memory_space<vmem_shared>> -> memref<624x64xf32, #tpu.memory_space<vmem_shared>>
      tpu.wait_dma2 semaphore(%run_scoped3A : memref<!tpu.dma_semaphore, #tpu.memory_space<semaphore_mem>>) src(%dma_wait3A_32 : memref<624x64xf32, #tpu.memory_space<vmem_shared>>) dst(%dma_wait3A_30 : memref<624x64xf32, #tpu.memory_space<hbm>>)
      tpu.yield
    }) : () -> ()
    %eq3A_14 = arith.constant 15 : i32
    %eq3A_15 = arith.cmpi eq, %arg1, %eq3A_14 : i32
    %convert_element_type3A_16 = arith.extui %eq3A_15 : i1 to i32
    %cond3A_17 = arith.constant 0 : i32
    %cond3A_18 = arith.cmpi ne, %convert_element_type3A_16, %cond3A_17 : i32
    scf.if %cond3A_18 {
      "tpu.region"() ({
        %run_scoped3A = tpu.sem_alloc : memref<!tpu.dma_semaphore, #tpu.memory_space<semaphore_mem>>
        %dma_start3A = arith.constant 0 : i32
        %dma_start3A_19 = arith.constant 0 : i32
        %dma_start3A_20 = tpu.memref_slice %arg7[%arg0, %dma_start3A, %dma_start3A_19] : memref<2x10000x64xf32, #tpu.memory_space<hbm>> -> memref<1x10000x64xf32, #tpu.memory_space<hbm>>
        %dma_start3A_21 = tpu.memref_squeeze %dma_start3A_20 : memref<1x10000x64xf32, #tpu.memory_space<hbm>> -> memref<10000x64xf32, #tpu.memory_space<hbm>>
        %dma_start3A_22 = arith.constant 9984 : i32
        %dma_start3A_23 = arith.constant 0 : i32
        %dma_start3A_24 = tpu.memref_slice %dma_start3A_21[%dma_start3A_22, %dma_start3A_23] : memref<10000x64xf32, #tpu.memory_space<hbm>> -> memref<16x64xf32, #tpu.memory_space<hbm>>
        %dma_start3A_25 = arith.constant 9984 : i32
        %dma_start3A_26 = arith.constant 0 : i32
        %dma_start3A_27 = tpu.memref_slice %arg11[%dma_start3A_25, %dma_start3A_26] : memref<10008x64xf32, #tpu.memory_space<vmem_shared>> -> memref<16x64xf32, #tpu.memory_space<vmem_shared>>
        tpu.enqueue_dma source(%dma_start3A_27 : memref<16x64xf32, #tpu.memory_space<vmem_shared>>) target(%dma_start3A_24 : memref<16x64xf32, #tpu.memory_space<hbm>>) target_semaphore(%run_scoped3A : memref<!tpu.dma_semaphore, #tpu.memory_space<semaphore_mem>>)
        %dma_wait3A = arith.constant 0 : i32
        %dma_wait3A_28 = arith.constant 0 : i32
        %dma_wait3A_29 = tpu.memref_slice %arg7[%arg0, %dma_wait3A, %dma_wait3A_28] : memref<2x10000x64xf32, #tpu.memory_space<hbm>> -> memref<1x10000x64xf32, #tpu.memory_space<hbm>>
        %dma_wait3A_30 = tpu.memref_squeeze %dma_wait3A_29 : memref<1x10000x64xf32, #tpu.memory_space<hbm>> -> memref<10000x64xf32, #tpu.memory_space<hbm>>
        %dma_wait3A_31 = arith.constant 9984 : i32
        %dma_wait3A_32 = arith.constant 0 : i32
        %dma_wait3A_33 = tpu.memref_slice %dma_wait3A_30[%dma_wait3A_31, %dma_wait3A_32] : memref<10000x64xf32, #tpu.memory_space<hbm>> -> memref<16x64xf32, #tpu.memory_space<hbm>>
        %dma_wait3A_34 = arith.constant 9984 : i32
        %dma_wait3A_35 = arith.constant 0 : i32
        %dma_wait3A_36 = tpu.memref_slice %arg11[%dma_wait3A_34, %dma_wait3A_35] : memref<10008x64xf32, #tpu.memory_space<vmem_shared>> -> memref<16x64xf32, #tpu.memory_space<vmem_shared>>
        tpu.wait_dma2 semaphore(%run_scoped3A : memref<!tpu.dma_semaphore, #tpu.memory_space<semaphore_mem>>) src(%dma_wait3A_36 : memref<16x64xf32, #tpu.memory_space<vmem_shared>>) dst(%dma_wait3A_33 : memref<16x64xf32, #tpu.memory_space<hbm>>)
        tpu.yield
      }) : () -> ()
    } else {
    }
    return
  }
}

module attributes {stable_mosaic.version = 14 : i64} {
  func.func @body(%arg0: i32, %arg1: memref<2000x128xf32, #tpu.memory_space<vmem>>, %arg2: memref<128x128xf32, #tpu.memory_space<vmem>>, %arg3: memref<2000x128xf32, #tpu.memory_space<vmem>>) attributes {dimension_semantics = [#tpu.dimension_semantics<arbitrary>], iteration_bounds = array<i64: 5>, scalar_prefetch = 0 : i64, scratch_operands = 0 : i64, tpu.core_type = #tpu.core_type<tc>, window_params = [{transform_indices = @transform_0, window_bounds = array<i64: 2000, 128>}, {pipeline_mode = #tpu.pipeline_mode<synchronous>, transform_indices = @transform_1, window_bounds = array<i64: 128, 128>}, {transform_indices = @transform_2, window_bounds = array<i64: 2000, 128>}]} {
    %get3A = arith.constant 0 : index
    %get3A_0 = arith.constant 0 : index
    %get3A_1 = vector.load %arg1[%get3A, %get3A_0] : memref<2000x128xf32, #tpu.memory_space<vmem>>, vector<2000x128xf32>
    %get3A_2 = arith.constant 0 : index
    %get3A_3 = arith.constant 0 : index
    %get3A_4 = vector.load %arg2[%get3A_2, %get3A_3] : memref<128x128xf32, #tpu.memory_space<vmem>>, vector<128x128xf32>
    %dot_general3A = arith.constant dense<0.000000e+00> : vector<2000x128xf32>
    %dot_general3A_5 = tpu.matmul %get3A_1, %get3A_4, %dot_general3A {dimension_numbers = #tpu.dot_dimension_numbers<[1], [0], [0], [1], [0, 0, 1, 1], [], []>, transpose_lhs_hint = false} : vector<2000x128xf32>, vector<128x128xf32>, vector<2000x128xf32> -> vector<2000x128xf32>
    %swap3A = arith.constant 0 : index
    %swap3A_6 = arith.constant 0 : index
    %swap3A_7 = vector.load %arg3[%swap3A, %swap3A_6] : memref<2000x128xf32, #tpu.memory_space<vmem>>, vector<2000x128xf32>
    tpu.vector_store %arg3[%swap3A, %swap3A_6], %dot_general3A_5 {strides = array<i32>} : memref<2000x128xf32, #tpu.memory_space<vmem>>, vector<2000x128xf32>,
    return
  }
  func.func @transform_0(%arg0: i32) -> (i32, i32) {
    %c0_i32 = arith.constant 0 : i32
    %c0_i32_0 = arith.constant 0 : i32
    return %arg0, %c0_i32 : i32, i32
  }
  func.func @transform_1(%arg0: i32) -> (i32, i32) {
    %c0_i32 = arith.constant 0 : i32
    %c0_i32_0 = arith.constant 0 : i32
    %c0_i32_1 = arith.constant 0 : i32
    return %c0_i32, %c0_i32_0 : i32, i32
  }
  func.func @transform_2(%arg0: i32) -> (i32, i32) {
    %c0_i32 = arith.constant 0 : i32
    %c0_i32_0 = arith.constant 0 : i32
    return %arg0, %c0_i32 : i32, i32
  }
}

module attributes {stable_mosaic.version = 14 : i64} {
  func.func @body(%arg0: i32, %arg1: memref<2000x128xf32, #tpu.memory_space<vmem>>, %arg2: memref<2x2000x16xf32, #tpu.memory_space<vmem>>, %arg3: memref<2000x64xf32, #tpu.memory_space<vmem>>, %arg4: memref<2000x64xf32, #tpu.memory_space<vmem>>) attributes {dimension_semantics = [#tpu.dimension_semantics<arbitrary>], iteration_bounds = array<i64: 5>, scalar_prefetch = 0 : i64, scratch_operands = 0 : i64, tpu.core_type = #tpu.core_type<tc>, window_params = [{transform_indices = @transform_0, window_bounds = array<i64: 2000, 128>}, {transform_indices = @transform_1, window_bounds = array<i64: 2, 2000, 16>}, {transform_indices = @transform_2, window_bounds = array<i64: 2000, 64>}, {transform_indices = @transform_3, window_bounds = array<i64: 2000, 64>}]} {
    %get3A = arith.constant 0 : index
    %get3A_0 = arith.constant 0 : index
    %get3A_1 = arith.constant 0 : index
    %get3A_2 = vector.load %arg2[%get3A, %get3A_0, %get3A_1] : memref<2x2000x16xf32, #tpu.memory_space<vmem>>, vector<2x2000x16xf32>
    %slice3A = vector.extract_strided_slice %get3A_2 {offsets = [0, 0, 0], sizes = [1, 2000, 1], strides = [1, 1, 1]} : vector<2x2000x16xf32> to vector<1x2000x1xf32>
    %squeeze3A = vector.shape_cast %slice3A : vector<1x2000x1xf32> to vector<2000xf32>
    %slice3A_3 = vector.extract_strided_slice %get3A_2 {offsets = [1, 0, 0], sizes = [1, 2000, 1], strides = [1, 1, 1]} : vector<2x2000x16xf32> to vector<1x2000x1xf32>
    %squeeze3A_4 = vector.shape_cast %slice3A_3 : vector<1x2000x1xf32> to vector<2000xf32>
    %add3A = arith.addf %squeeze3A, %squeeze3A_4 : vector<2000xf32>
    %add3A_5 = arith.constant 1.000000e+00 : f32
    %add3A_6 = vector.broadcast %add3A_5 : f32 to vector<2000xf32>
    %add3A_7 = arith.addf %add3A, %add3A_6 : vector<2000xf32>
    %sqrt3A = math.sqrt %add3A_7 : vector<2000xf32>
    %div3A = arith.constant 1.000000e+00 : f32
    %div3A_8 = vector.broadcast %div3A : f32 to vector<2000xf32>
    %div3A_9 = arith.divf %div3A_8, %sqrt3A : vector<2000xf32>
    %broadcast_in_dim3A = vector.shape_cast %div3A_9 : vector<2000xf32> to vector<2000x1xf32>
    %get3A_10 = arith.constant 0 : index
    %get3A_11 = arith.constant 0 : index
    %get3A_12 = vector.load %arg1[%get3A_10, %get3A_11] : memref<2000x128xf32, #tpu.memory_space<vmem>>, vector<2000x128xf32>
    %mul3A = vector.broadcast %broadcast_in_dim3A : vector<2000x1xf32> to vector<2000x128xf32>
    %mul3A_13 = arith.mulf %get3A_12, %mul3A : vector<2000x128xf32>
    %slice3A_14 = vector.extract_strided_slice %mul3A_13 {offsets = [0, 0], sizes = [2000, 64], strides = [1, 1]} : vector<2000x128xf32> to vector<2000x64xf32>
    %swap3A = arith.constant 0 : index
    %swap3A_15 = arith.constant 0 : index
    %swap3A_16 = vector.load %arg3[%swap3A, %swap3A_15] : memref<2000x64xf32, #tpu.memory_space<vmem>>, vector<2000x64xf32>
    tpu.vector_store %arg3[%swap3A, %swap3A_15], %slice3A_14 {strides = array<i32>} : memref<2000x64xf32, #tpu.memory_space<vmem>>, vector<2000x64xf32>,
    %slice3A_17 = vector.extract_strided_slice %mul3A_13 {offsets = [0, 64], sizes = [2000, 64], strides = [1, 1]} : vector<2000x128xf32> to vector<2000x64xf32>
    %swap3A_18 = arith.constant 0 : index
    %swap3A_19 = arith.constant 0 : index
    %swap3A_20 = vector.load %arg4[%swap3A_18, %swap3A_19] : memref<2000x64xf32, #tpu.memory_space<vmem>>, vector<2000x64xf32>
    tpu.vector_store %arg4[%swap3A_18, %swap3A_19], %slice3A_17 {strides = array<i32>} : memref<2000x64xf32, #tpu.memory_space<vmem>>, vector<2000x64xf32>,
    return
  }
  func.func @transform_0(%arg0: i32) -> (i32, i32) {
    %c0_i32 = arith.constant 0 : i32
    %c0_i32_0 = arith.constant 0 : i32
    return %arg0, %c0_i32 : i32, i32
  }
  func.func @transform_1(%arg0: i32) -> (i32, i32, i32) {
    %c0_i32 = arith.constant 0 : i32
    %c0_i32_0 = arith.constant 0 : i32
    %c0_i32_1 = arith.constant 0 : i32
    return %c0_i32, %arg0, %c0_i32_0 : i32, i32, i32
  }
  func.func @transform_2(%arg0: i32) -> (i32, i32) {
    %c0_i32 = arith.constant 0 : i32
    %c0_i32_0 = arith.constant 0 : i32
    return %arg0, %c0_i32 : i32, i32
  }
  func.func @transform_3(%arg0: i32) -> (i32, i32) {
    %c0_i32 = arith.constant 0 : i32
    %c0_i32_0 = arith.constant 0 : i32
    return %arg0, %c0_i32 : i32, i32
  }
}

module attributes {stable_mosaic.version = 14 : i64} {
  func.func @body(%arg0: i32, %arg1: memref<2x2000x64xf32, #tpu.memory_space<vmem>>, %arg2: memref<2000x64xf32, #tpu.memory_space<vmem>>, %arg3: memref<2000x64xf32, #tpu.memory_space<vmem>>, %arg4: memref<2x2000x16xf32, #tpu.memory_space<vmem>>, %arg5: memref<128x128xf32, #tpu.memory_space<vmem>>, %arg6: memref<1x128xf32, #tpu.memory_space<vmem>>, %arg7: memref<2000x64xf32, #tpu.memory_space<vmem>>, %arg8: memref<2000x64xf32, #tpu.memory_space<vmem>>) attributes {dimension_semantics = [#tpu.dimension_semantics<arbitrary>], iteration_bounds = array<i64: 5>, scalar_prefetch = 0 : i64, scratch_operands = 0 : i64, tpu.core_type = #tpu.core_type<tc>, window_params = [{transform_indices = @transform_0, window_bounds = array<i64: 2, 2000, 64>}, {transform_indices = @transform_1, window_bounds = array<i64: 2000, 64>}, {transform_indices = @transform_2, window_bounds = array<i64: 2000, 64>}, {transform_indices = @transform_3, window_bounds = array<i64: 2, 2000, 16>}, {pipeline_mode = #tpu.pipeline_mode<synchronous>, transform_indices = @transform_4, window_bounds = array<i64: 128, 128>}, {pipeline_mode = #tpu.pipeline_mode<synchronous>, transform_indices = @transform_5, window_bounds = array<i64: 1, 128>}, {transform_indices = @transform_6, window_bounds = array<i64: 2000, 64>}, {transform_indices = @transform_7, window_bounds = array<i64: 2000, 64>}]} {
    %get3A = arith.constant 0 : index
    %get3A_0 = arith.constant 0 : index
    %get3A_1 = arith.constant 0 : index
    %get3A_2 = vector.load %arg4[%get3A, %get3A_0, %get3A_1] : memref<2x2000x16xf32, #tpu.memory_space<vmem>>, vector<2x2000x16xf32>
    %slice3A = vector.extract_strided_slice %get3A_2 {offsets = [0, 0, 0], sizes = [1, 2000, 1], strides = [1, 1, 1]} : vector<2x2000x16xf32> to vector<1x2000x1xf32>
    %squeeze3A = vector.shape_cast %slice3A : vector<1x2000x1xf32> to vector<2000xf32>
    %slice3A_3 = vector.extract_strided_slice %get3A_2 {offsets = [1, 0, 0], sizes = [1, 2000, 1], strides = [1, 1, 1]} : vector<2x2000x16xf32> to vector<1x2000x1xf32>
    %squeeze3A_4 = vector.shape_cast %slice3A_3 : vector<1x2000x1xf32> to vector<2000xf32>
    %add3A = arith.addf %squeeze3A, %squeeze3A_4 : vector<2000xf32>
    %add3A_5 = arith.constant 1.000000e+00 : f32
    %add3A_6 = vector.broadcast %add3A_5 : f32 to vector<2000xf32>
    %add3A_7 = arith.addf %add3A, %add3A_6 : vector<2000xf32>
    %sqrt3A = math.sqrt %add3A_7 : vector<2000xf32>
    %div3A = arith.constant 1.000000e+00 : f32
    %div3A_8 = vector.broadcast %div3A : f32 to vector<2000xf32>
    %div3A_9 = arith.divf %div3A_8, %sqrt3A : vector<2000xf32>
    %broadcast_in_dim3A = vector.shape_cast %div3A_9 : vector<2000xf32> to vector<2000x1xf32>
    %get3A_10 = arith.constant 0 : index
    %get3A_11 = arith.constant 0 : index
    %get3A_12 = arith.constant 0 : index
    %get3A_13 = vector.load %arg1[%get3A_10, %get3A_11, %get3A_12] : memref<2x2000x64xf32, #tpu.memory_space<vmem>>, vector<2x2000x64xf32>
    %get3A_14 = arith.constant 0 : index
    %get3A_15 = arith.constant 0 : index
    %get3A_16 = vector.load %arg6[%get3A_14, %get3A_15] : memref<1x128xf32, #tpu.memory_space<vmem>>, vector<1x128xf32>
    %get3A_17 = arith.constant 0 : index
    %get3A_18 = arith.constant 0 : index
    %get3A_19 = vector.load %arg5[%get3A_17, %get3A_18] : memref<128x128xf32, #tpu.memory_space<vmem>>, vector<128x128xf32>
    %slice3A_20 = vector.extract_strided_slice %get3A_13 {offsets = [0, 0, 0], sizes = [1, 2000, 64], strides = [1, 1, 1]} : vector<2x2000x64xf32> to vector<1x2000x64xf32>
    %squeeze3A_21 = vector.shape_cast %slice3A_20 : vector<1x2000x64xf32> to vector<2000x64xf32>
    %get3A_22 = arith.constant 0 : index
    %get3A_23 = arith.constant 0 : index
    %get3A_24 = vector.load %arg2[%get3A_22, %get3A_23] : memref<2000x64xf32, #tpu.memory_space<vmem>>, vector<2000x64xf32>
    %add3A_25 = arith.addf %squeeze3A_21, %get3A_24 : vector<2000x64xf32>
    %mul3A = vector.broadcast %broadcast_in_dim3A : vector<2000x1xf32> to vector<2000x64xf32>
    %mul3A_26 = arith.mulf %add3A_25, %mul3A : vector<2000x64xf32>
    %slice3A_27 = vector.extract_strided_slice %get3A_16 {offsets = [0, 0], sizes = [1, 64], strides = [1, 1]} : vector<1x128xf32> to vector<1x64xf32>
    %add3A_28 = vector.broadcast %slice3A_27 : vector<1x64xf32> to vector<2000x64xf32>
    %add3A_29 = arith.addf %mul3A_26, %add3A_28 : vector<2000x64xf32>
    %slice3A_30 = vector.extract_strided_slice %get3A_13 {offsets = [1, 0, 0], sizes = [1, 2000, 64], strides = [1, 1, 1]} : vector<2x2000x64xf32> to vector<1x2000x64xf32>
    %squeeze3A_31 = vector.shape_cast %slice3A_30 : vector<1x2000x64xf32> to vector<2000x64xf32>
    %get3A_32 = arith.constant 0 : index
    %get3A_33 = arith.constant 0 : index
    %get3A_34 = vector.load %arg3[%get3A_32, %get3A_33] : memref<2000x64xf32, #tpu.memory_space<vmem>>, vector<2000x64xf32>
    %add3A_35 = arith.addf %squeeze3A_31, %get3A_34 : vector<2000x64xf32>
    %mul3A_36 = vector.broadcast %broadcast_in_dim3A : vector<2000x1xf32> to vector<2000x64xf32>
    %mul3A_37 = arith.mulf %add3A_35, %mul3A_36 : vector<2000x64xf32>
    %slice3A_38 = vector.extract_strided_slice %get3A_16 {offsets = [0, 64], sizes = [1, 64], strides = [1, 1]} : vector<1x128xf32> to vector<1x64xf32>
    %add3A_39 = vector.broadcast %slice3A_38 : vector<1x64xf32> to vector<2000x64xf32>
    %add3A_40 = arith.addf %mul3A_37, %add3A_39 : vector<2000x64xf32>
    %max3A = arith.constant 0.000000e+00 : f32
    %max3A_41 = vector.broadcast %max3A : f32 to vector<2000x64xf32>
    %max3A_42 = arith.maximumf %add3A_29, %max3A_41 : vector<2000x64xf32>
    %max3A_43 = arith.constant 0.000000e+00 : f32
    %max3A_44 = vector.broadcast %max3A_43 : f32 to vector<2000x64xf32>
    %max3A_45 = arith.maximumf %add3A_40, %max3A_44 : vector<2000x64xf32>
    %slice3A_46 = vector.extract_strided_slice %get3A_19 {offsets = [0, 0], sizes = [64, 128], strides = [1, 1]} : vector<128x128xf32> to vector<64x128xf32>
    %dot_general3A = arith.constant dense<0.000000e+00> : vector<2000x128xf32>
    %dot_general3A_47 = tpu.matmul %max3A_42, %slice3A_46, %dot_general3A {dimension_numbers = #tpu.dot_dimension_numbers<[1], [0], [0], [1], [0, 0, 1, 1], [], []>, transpose_lhs_hint = false} : vector<2000x64xf32>, vector<64x128xf32>, vector<2000x128xf32> -> vector<2000x128xf32>
    %slice3A_48 = vector.extract_strided_slice %get3A_19 {offsets = [64, 0], sizes = [64, 128], strides = [1, 1]} : vector<128x128xf32> to vector<64x128xf32>
    %dot_general3A_49 = arith.constant dense<0.000000e+00> : vector<2000x128xf32>
    %dot_general3A_50 = tpu.matmul %max3A_45, %slice3A_48, %dot_general3A_49 {dimension_numbers = #tpu.dot_dimension_numbers<[1], [0], [0], [1], [0, 0, 1, 1], [], []>, transpose_lhs_hint = false} : vector<2000x64xf32>, vector<64x128xf32>, vector<2000x128xf32> -> vector<2000x128xf32>
    %add3A_51 = arith.addf %dot_general3A_47, %dot_general3A_50 : vector<2000x128xf32>
    %mul3A_52 = vector.broadcast %broadcast_in_dim3A : vector<2000x1xf32> to vector<2000x128xf32>
    %mul3A_53 = arith.mulf %add3A_51, %mul3A_52 : vector<2000x128xf32>
    %slice3A_54 = vector.extract_strided_slice %mul3A_53 {offsets = [0, 0], sizes = [2000, 64], strides = [1, 1]} : vector<2000x128xf32> to vector<2000x64xf32>
    %swap3A = arith.constant 0 : index
    %swap3A_55 = arith.constant 0 : index
    %swap3A_56 = vector.load %arg7[%swap3A, %swap3A_55] : memref<2000x64xf32, #tpu.memory_space<vmem>>, vector<2000x64xf32>
    tpu.vector_store %arg7[%swap3A, %swap3A_55], %slice3A_54 {strides = array<i32>} : memref<2000x64xf32, #tpu.memory_space<vmem>>, vector<2000x64xf32>,
    %slice3A_57 = vector.extract_strided_slice %mul3A_53 {offsets = [0, 64], sizes = [2000, 64], strides = [1, 1]} : vector<2000x128xf32> to vector<2000x64xf32>
    %swap3A_58 = arith.constant 0 : index
    %swap3A_59 = arith.constant 0 : index
    %swap3A_60 = vector.load %arg8[%swap3A_58, %swap3A_59] : memref<2000x64xf32, #tpu.memory_space<vmem>>, vector<2000x64xf32>
    tpu.vector_store %arg8[%swap3A_58, %swap3A_59], %slice3A_57 {strides = array<i32>} : memref<2000x64xf32, #tpu.memory_space<vmem>>, vector<2000x64xf32>,
    return
  }
  func.func @transform_0(%arg0: i32) -> (i32, i32, i32) {
    %c0_i32 = arith.constant 0 : i32
    %c0_i32_0 = arith.constant 0 : i32
    %c0_i32_1 = arith.constant 0 : i32
    return %c0_i32, %arg0, %c0_i32_0 : i32, i32, i32
  }
  func.func @transform_1(%arg0: i32) -> (i32, i32) {
    %c0_i32 = arith.constant 0 : i32
    %c0_i32_0 = arith.constant 0 : i32
    return %arg0, %c0_i32 : i32, i32
  }
  func.func @transform_2(%arg0: i32) -> (i32, i32) {
    %c0_i32 = arith.constant 0 : i32
    %c0_i32_0 = arith.constant 0 : i32
    return %arg0, %c0_i32 : i32, i32
  }
  func.func @transform_3(%arg0: i32) -> (i32, i32, i32) {
    %c0_i32 = arith.constant 0 : i32
    %c0_i32_0 = arith.constant 0 : i32
    %c0_i32_1 = arith.constant 0 : i32
    return %c0_i32, %arg0, %c0_i32_0 : i32, i32, i32
  }
  func.func @transform_4(%arg0: i32) -> (i32, i32) {
    %c0_i32 = arith.constant 0 : i32
    %c0_i32_0 = arith.constant 0 : i32
    %c0_i32_1 = arith.constant 0 : i32
    return %c0_i32, %c0_i32_0 : i32, i32
  }
  func.func @transform_5(%arg0: i32) -> (i32, i32) {
    %c0_i32 = arith.constant 0 : i32
    %c0_i32_0 = arith.constant 0 : i32
    %c0_i32_1 = arith.constant 0 : i32
    return %c0_i32, %c0_i32_0 : i32, i32
  }
  func.func @transform_6(%arg0: i32) -> (i32, i32) {
    %c0_i32 = arith.constant 0 : i32
    %c0_i32_0 = arith.constant 0 : i32
    return %arg0, %c0_i32 : i32, i32
  }
  func.func @transform_7(%arg0: i32) -> (i32, i32) {
    %c0_i32 = arith.constant 0 : i32
    %c0_i32_0 = arith.constant 0 : i32
    return %arg0, %c0_i32 : i32, i32
  }
}

module attributes {stable_mosaic.version = 14 : i64} {
  func.func @body(%arg0: i32, %arg1: memref<2x2000x64xf32, #tpu.memory_space<vmem>>, %arg2: memref<2000x64xf32, #tpu.memory_space<vmem>>, %arg3: memref<2000x64xf32, #tpu.memory_space<vmem>>, %arg4: memref<2x2000x16xf32, #tpu.memory_space<vmem>>, %arg5: memref<1x128xf32, #tpu.memory_space<vmem>>, %arg6: memref<128x40xf32, #tpu.memory_space<vmem>>, %arg7: memref<1x40xf32, #tpu.memory_space<vmem>>, %arg8: memref<2000x40xf32, #tpu.memory_space<vmem>>, %arg9: memref<2000x128xf32, #tpu.memory_space<vmem>>) attributes {dimension_semantics = [#tpu.dimension_semantics<arbitrary>], iteration_bounds = array<i64: 5>, scalar_prefetch = 0 : i64, scratch_operands = 0 : i64, tpu.core_type = #tpu.core_type<tc>, window_params = [{transform_indices = @transform_0, window_bounds = array<i64: 2, 2000, 64>}, {transform_indices = @transform_1, window_bounds = array<i64: 2000, 64>}, {transform_indices = @transform_2, window_bounds = array<i64: 2000, 64>}, {transform_indices = @transform_3, window_bounds = array<i64: 2, 2000, 16>}, {pipeline_mode = #tpu.pipeline_mode<synchronous>, transform_indices = @transform_4, window_bounds = array<i64: 1, 128>}, {pipeline_mode = #tpu.pipeline_mode<synchronous>, transform_indices = @transform_5, window_bounds = array<i64: 128, 40>}, {pipeline_mode = #tpu.pipeline_mode<synchronous>, transform_indices = @transform_6, window_bounds = array<i64: 1, 40>}, {transform_indices = @transform_7, window_bounds = array<i64: 2000, 40>}, {transform_indices = @transform_8, window_bounds = array<i64: 2000, 128>}]} {
    %get3A = arith.constant 0 : index
    %get3A_0 = arith.constant 0 : index
    %get3A_1 = arith.constant 0 : index
    %get3A_2 = vector.load %arg4[%get3A, %get3A_0, %get3A_1] : memref<2x2000x16xf32, #tpu.memory_space<vmem>>, vector<2x2000x16xf32>
    %slice3A = vector.extract_strided_slice %get3A_2 {offsets = [0, 0, 0], sizes = [1, 2000, 1], strides = [1, 1, 1]} : vector<2x2000x16xf32> to vector<1x2000x1xf32>
    %squeeze3A = vector.shape_cast %slice3A : vector<1x2000x1xf32> to vector<2000xf32>
    %slice3A_3 = vector.extract_strided_slice %get3A_2 {offsets = [1, 0, 0], sizes = [1, 2000, 1], strides = [1, 1, 1]} : vector<2x2000x16xf32> to vector<1x2000x1xf32>
    %squeeze3A_4 = vector.shape_cast %slice3A_3 : vector<1x2000x1xf32> to vector<2000xf32>
    %add3A = arith.addf %squeeze3A, %squeeze3A_4 : vector<2000xf32>
    %add3A_5 = arith.constant 1.000000e+00 : f32
    %add3A_6 = vector.broadcast %add3A_5 : f32 to vector<2000xf32>
    %add3A_7 = arith.addf %add3A, %add3A_6 : vector<2000xf32>
    %sqrt3A = math.sqrt %add3A_7 : vector<2000xf32>
    %div3A = arith.constant 1.000000e+00 : f32
    %div3A_8 = vector.broadcast %div3A : f32 to vector<2000xf32>
    %div3A_9 = arith.divf %div3A_8, %sqrt3A : vector<2000xf32>
    %broadcast_in_dim3A = vector.shape_cast %div3A_9 : vector<2000xf32> to vector<2000x1xf32>
    %get3A_10 = arith.constant 0 : index
    %get3A_11 = arith.constant 0 : index
    %get3A_12 = arith.constant 0 : index
    %get3A_13 = vector.load %arg1[%get3A_10, %get3A_11, %get3A_12] : memref<2x2000x64xf32, #tpu.memory_space<vmem>>, vector<2x2000x64xf32>
    %get3A_14 = arith.constant 0 : index
    %get3A_15 = arith.constant 0 : index
    %get3A_16 = vector.load %arg5[%get3A_14, %get3A_15] : memref<1x128xf32, #tpu.memory_space<vmem>>, vector<1x128xf32>
    %slice3A_17 = vector.extract_strided_slice %get3A_13 {offsets = [0, 0, 0], sizes = [1, 2000, 64], strides = [1, 1, 1]} : vector<2x2000x64xf32> to vector<1x2000x64xf32>
    %squeeze3A_18 = vector.shape_cast %slice3A_17 : vector<1x2000x64xf32> to vector<2000x64xf32>
    %get3A_19 = arith.constant 0 : index
    %get3A_20 = arith.constant 0 : index
    %get3A_21 = vector.load %arg2[%get3A_19, %get3A_20] : memref<2000x64xf32, #tpu.memory_space<vmem>>, vector<2000x64xf32>
    %add3A_22 = arith.addf %squeeze3A_18, %get3A_21 : vector<2000x64xf32>
    %mul3A = vector.broadcast %broadcast_in_dim3A : vector<2000x1xf32> to vector<2000x64xf32>
    %mul3A_23 = arith.mulf %add3A_22, %mul3A : vector<2000x64xf32>
    %slice3A_24 = vector.extract_strided_slice %get3A_16 {offsets = [0, 0], sizes = [1, 64], strides = [1, 1]} : vector<1x128xf32> to vector<1x64xf32>
    %add3A_25 = vector.broadcast %slice3A_24 : vector<1x64xf32> to vector<2000x64xf32>
    %add3A_26 = arith.addf %mul3A_23, %add3A_25 : vector<2000x64xf32>
    %slice3A_27 = vector.extract_strided_slice %get3A_13 {offsets = [1, 0, 0], sizes = [1, 2000, 64], strides = [1, 1, 1]} : vector<2x2000x64xf32> to vector<1x2000x64xf32>
    %squeeze3A_28 = vector.shape_cast %slice3A_27 : vector<1x2000x64xf32> to vector<2000x64xf32>
    %get3A_29 = arith.constant 0 : index
    %get3A_30 = arith.constant 0 : index
    %get3A_31 = vector.load %arg3[%get3A_29, %get3A_30] : memref<2000x64xf32, #tpu.memory_space<vmem>>, vector<2000x64xf32>
    %add3A_32 = arith.addf %squeeze3A_28, %get3A_31 : vector<2000x64xf32>
    %mul3A_33 = vector.broadcast %broadcast_in_dim3A : vector<2000x1xf32> to vector<2000x64xf32>
    %mul3A_34 = arith.mulf %add3A_32, %mul3A_33 : vector<2000x64xf32>
    %slice3A_35 = vector.extract_strided_slice %get3A_16 {offsets = [0, 64], sizes = [1, 64], strides = [1, 1]} : vector<1x128xf32> to vector<1x64xf32>
    %add3A_36 = vector.broadcast %slice3A_35 : vector<1x64xf32> to vector<2000x64xf32>
    %add3A_37 = arith.addf %mul3A_34, %add3A_36 : vector<2000x64xf32>
    %concatenate3A = tpu.concatenate %add3A_26, %add3A_37 in 1 : vector<2000x64xf32>, vector<2000x64xf32> -> vector<2000x128xf32>
    %get3A_38 = arith.constant 0 : index
    %get3A_39 = arith.constant 0 : index
    %get3A_40 = vector.load %arg6[%get3A_38, %get3A_39] : memref<128x40xf32, #tpu.memory_space<vmem>>, vector<128x40xf32>
    %dot_general3A = arith.constant dense<0.000000e+00> : vector<2000x40xf32>
    %dot_general3A_41 = tpu.matmul %concatenate3A, %get3A_40, %dot_general3A {dimension_numbers = #tpu.dot_dimension_numbers<[1], [0], [0], [1], [0, 0, 1, 1], [], []>, transpose_lhs_hint = false} : vector<2000x128xf32>, vector<128x40xf32>, vector<2000x40xf32> -> vector<2000x40xf32>
    %get3A_42 = arith.constant 0 : index
    %get3A_43 = arith.constant 0 : index
    %get3A_44 = vector.load %arg7[%get3A_42, %get3A_43] : memref<1x40xf32, #tpu.memory_space<vmem>>, vector<1x40xf32>
    %add3A_45 = vector.broadcast %get3A_44 : vector<1x40xf32> to vector<2000x40xf32>
    %add3A_46 = arith.addf %dot_general3A_41, %add3A_45 : vector<2000x40xf32>
    %reduce_max3A = arith.constant dense<0xFF800000> : vector<2000xf32>
    %reduce_max3A_47 = vector.multi_reduction <maximumf>, %add3A_46, %reduce_max3A [1] : vector<2000x40xf32> to vector<2000xf32>
    %broadcast_in_dim3A_48 = vector.shape_cast %reduce_max3A_47 : vector<2000xf32> to vector<2000x1xf32>
    %sub3A = vector.broadcast %broadcast_in_dim3A_48 : vector<2000x1xf32> to vector<2000x40xf32>
    %sub3A_49 = arith.subf %add3A_46, %sub3A : vector<2000x40xf32>
    %exp3A = math.exp %sub3A_49 : vector<2000x40xf32>
    %reduce_sum3A = arith.constant dense<0.000000e+00> : vector<2000xf32>
    %reduce_sum3A_50 = vector.multi_reduction <add>, %exp3A, %reduce_sum3A [1] : vector<2000x40xf32> to vector<2000xf32>
    %broadcast_in_dim3A_51 = vector.shape_cast %reduce_sum3A_50 : vector<2000xf32> to vector<2000x1xf32>
    %log3A = math.log %broadcast_in_dim3A_51 : vector<2000x1xf32>
    %add3A_52 = arith.addf %broadcast_in_dim3A_48, %log3A : vector<2000x1xf32>
    %sub3A_53 = vector.broadcast %add3A_52 : vector<2000x1xf32> to vector<2000x40xf32>
    %sub3A_54 = arith.subf %add3A_46, %sub3A_53 : vector<2000x40xf32>
    %swap3A = arith.constant 0 : index
    %swap3A_55 = arith.constant 0 : index
    %swap3A_56 = vector.load %arg8[%swap3A, %swap3A_55] : memref<2000x40xf32, #tpu.memory_space<vmem>>, vector<2000x40xf32>
    tpu.vector_store %arg8[%swap3A, %swap3A_55], %sub3A_54 {strides = array<i32>} : memref<2000x40xf32, #tpu.memory_space<vmem>>, vector<2000x40xf32>,
    %swap3A_57 = arith.constant 0 : index
    %swap3A_58 = arith.constant 0 : index
    %swap3A_59 = vector.load %arg9[%swap3A_57, %swap3A_58] : memref<2000x128xf32, #tpu.memory_space<vmem>>, vector<2000x128xf32>
    tpu.vector_store %arg9[%swap3A_57, %swap3A_58], %concatenate3A {strides = array<i32>} : memref<2000x128xf32, #tpu.memory_space<vmem>>, vector<2000x128xf32>,
    return
  }
  func.func @transform_0(%arg0: i32) -> (i32, i32, i32) {
    %c0_i32 = arith.constant 0 : i32
    %c0_i32_0 = arith.constant 0 : i32
    %c0_i32_1 = arith.constant 0 : i32
    return %c0_i32, %arg0, %c0_i32_0 : i32, i32, i32
  }
  func.func @transform_1(%arg0: i32) -> (i32, i32) {
    %c0_i32 = arith.constant 0 : i32
    %c0_i32_0 = arith.constant 0 : i32
    return %arg0, %c0_i32 : i32, i32
  }
  func.func @transform_2(%arg0: i32) -> (i32, i32) {
    %c0_i32 = arith.constant 0 : i32
    %c0_i32_0 = arith.constant 0 : i32
    return %arg0, %c0_i32 : i32, i32
  }
  func.func @transform_3(%arg0: i32) -> (i32, i32, i32) {
    %c0_i32 = arith.constant 0 : i32
    %c0_i32_0 = arith.constant 0 : i32
    %c0_i32_1 = arith.constant 0 : i32
    return %c0_i32, %arg0, %c0_i32_0 : i32, i32, i32
  }
  func.func @transform_4(%arg0: i32) -> (i32, i32) {
    %c0_i32 = arith.constant 0 : i32
    %c0_i32_0 = arith.constant 0 : i32
    %c0_i32_1 = arith.constant 0 : i32
    return %c0_i32, %c0_i32_0 : i32, i32
  }
  func.func @transform_5(%arg0: i32) -> (i32, i32) {
    %c0_i32 = arith.constant 0 : i32
    %c0_i32_0 = arith.constant 0 : i32
    %c0_i32_1 = arith.constant 0 : i32
    return %c0_i32, %c0_i32_0 : i32, i32
  }
  func.func @transform_6(%arg0: i32) -> (i32, i32) {
    %c0_i32 = arith.constant 0 : i32
    %c0_i32_0 = arith.constant 0 : i32
    %c0_i32_1 = arith.constant 0 : i32
    return %c0_i32, %c0_i32_0 : i32, i32
  }
  func.func @transform_7(%arg0: i32) -> (i32, i32) {
    %c0_i32 = arith.constant 0 : i32
    %c0_i32_0 = arith.constant 0 : i32
    return %arg0, %c0_i32 : i32, i32
  }
  func.func @transform_8(%arg0: i32) -> (i32, i32) {
    %c0_i32 = arith.constant 0 : i32
    %c0_i32_0 = arith.constant 0 : i32
    return %arg0, %c0_i32 : i32, i32
  }
}

</mosaic_0001>

<sc_bundles>
// kernel: kernel.12.cloned.1.call-start
scs
__scs_entry_jumppad:
0x0: {  	(pc) =	sbr.rel $0x88, $3  }
0x1: {  	(tag) =	ssettag $0x0;
	lr =	simm.s32 $0x1  }
0x2: {  	[smem:$0x3F99] =	sst lr;
	_ =	strace $0xD0000000  }
0x3: {  	_ = 	snop  }
0x4: {  	_ = 	snop  }
0x5: {  	_ = 	snop  }
0x6: {  	_ = 	snop  }
0x7: {  	_ = 	snop  }
__scs_overlays_trampoline_lowered:
0x8: {  	[smem:$0x3FA8] =	sst s0  }
0x9: {  	[smem:$0x3FA9] =	sst s1  }
0xa: {  	[smem:$0x3FAA] =	sst s2  }
0xb: {  	[smem:$0x3FAB] =	sst s3  }
0xc: {  	[smem:$0x3FAC] =	sst s4  }
0xd: {  	[smem:$0x3FAD] =	sst s5  }
0xe: {  	[smem:$0x3FAE] =	sst s6  }
0xf: {  	[smem:$0x3FAF] =	sst s7  }
0x10: {  	[smem:$0x3FB0] =	sst s8  }
0x11: {  	[smem:$0x3FB1] =	sst s9;
	s0 =	simm.s32 @!p0 $0x0  }
0x12: {  	s1 =	sld [smem:$0x3F97];
	s0 =	simm.s32 @p0 $0x1  }
0x13: {  	[smem:$0x3FB2] =	sst s0;
	s0 =	simm.s32 @!p1 $0x0  }
0x14: {  	s2 =	sld [smem:$0x3F96];
	s0 =	simm.s32 @p1 $0x1  }
0x15: {  	[smem:$0x3FB3] =	sst s0;
	s0 =	simm.s32 @!p2 $0x0  }
0x16: {  	s3 =	sld [smem:$0x3FDB];
	s0 =	simm.s32 @p2 $0x1  }
0x17: {  	s4 =	simm.s32 $0x1BF5;
	[smem:$0x3FB5] =	sst s0  }
0x18: {  	s0 =	sld [smem:$0x3F98];
	_ =	swait.ge [sflag:s4], $0x0  }
0x19: {  	s7 =	sld [smem:$0x3F99]  }
0x1a: {  	s8 =	sadd.s32 $0xFFFFE003, lr  }
0x1b: {  	s9 =	sadd.s32 $0xFFFFFEF7, lr;
	s5 =	simm.s32 $0xFFFFFFFF;
	p2 =	slt.u32 s8, $0xFFFFF086  }
0x1c: {  	p1 =	slt.u32 s9, $0xF7A;
	s5 =	simm.s32 @!p2 $0x0  }
0x1d: {  	s5 =	simm.s32 @p1 $0x1;
	p0 =	seq.s32 s7, s2  }
0x1e: {  	s7 =	smul.u32 @!p0 $0xF7A, s2;
	p2 =	seq.s32 @!p0 s5, $0x0  }
0x1f: {  	s9 =	smul.u32 $0xF7A, s1;
	s8 =	simm.s32 @!p0 $0x1BF5;
	p2 =	por !p2, p0  }
0x20: {  	[sflag:s8] =	ssyncset.s32 @!p0 $0xFFFFF086;
	s6 =	sadd.s32 @!p0 s3, s7;
	s7 =	simm.s32 @!p0 $0x108  }
0x21: {  	s3 =	sadd.s32 s3, s9;
	s6 =	sadd.s32 @!p0 $0x88, s6;
	s7 =	simm.s32 @p2 $0x1082  }
0x22: {  	[simem:s7], [sflag:s8] =	dma.local @!p0 [hbm:s6], $0xF7A  }
0x23: {  	s9 =	sor.u32 $0xD0000000, s2;
	s6 =	simm.s32 $0x108;
	_ =	swait.ge @!p0 [sflag:s8], $0x0  }
0x24: {  	s3 =	sadd.s32 $0x88, s3;
	s6 =	simm.s32 @!p1 $0x1082;
	[sflag:s4] =	ssyncset.s32 $0xFFFFF086  }
0x25: {  	[simem:s6], [sflag:s4] =	dma.local [hbm:s3], $0xF7A  }
0x26: {  	[smem:$0x3F99] =	sst s1;
	(tag) =	ssettag s2;
	_ =	strace s9  }
0x27: {  	s1 =	sld [smem:$0x3FA9]  }
0x28: {  	s2 =	sld [smem:$0x3FAA]  }
0x29: {  	s4 =	sld [smem:$0x3FAC]  }
0x2a: {  	p0 =	seq.s32 s5, $0x0;
	s5 =	sld [smem:$0x3FAD]  }
0x2b: {  	s6 =	sld [smem:$0x3FAE]  }
0x2c: {  	s7 =	sld [smem:$0x3FAF]  }
0x2d: {  	s3 =	simm.s32 $0x108;
	s8 =	sld [smem:$0x3FB0]  }
0x2e: {  	s3 =	simm.s32 @!p0 $0x1082;
	s9 =	sld [smem:$0x3FB1]  }
0x2f: {  	lr =	sadd.s32 s0, s3;
	s0 =	sld [smem:$0x3FA8]  }
0x30: {  	s3 =	sld [smem:$0x3FAB]  }
0x31: {  	[smem:$0x3FB4] =	sst s10  }
0x32: {  	s10 =	sld [smem:$0x3FB2];
	_ =	sdelay $0x3  }
0x33: {  	p0 =	seq.s32 s10, $0x1;
	s10 =	sld [smem:$0x3FB4];
	_ =	sdelay $0x3  }
0x34: {  	[smem:$0x3FB4] =	sst s10  }
0x35: {  	s10 =	sld [smem:$0x3FB3];
	_ =	sdelay $0x3  }
0x36: {  	p1 =	seq.s32 s10, $0x1;
	s10 =	sld [smem:$0x3FB4];
	_ =	sdelay $0x3  }
0x37: {  	[smem:$0x3FB4] =	sst s10  }
0x38: {  	s10 =	sld [smem:$0x3FB5]  }
0x39: {  	_ = 	snop;
	(pc) =	sbr.ind lr, $3  }
0x3a: {  	_ = 	snop  }
0x3b: {  	_ = 	snop  }
0x3c: {  	p2 =	seq.s32 s10, $0x1;
	s10 =	sld [smem:$0x3FB4]  }
0x3d: {  	_ =	shalt  }
0x3e: {  	_ =	shalt  }
0x3f: {  	_ =	shalt  }
0x40: {  	_ =	shalt  }
0x41: {  	_ =	shalt  }
0x42: {  	_ =	shalt  }
0x43: {  	_ =	shalt  }
0x44: {  	_ =	shalt  }
0x45: {  	_ =	shalt  }
0x46: {  	_ =	shalt  }
0x47: {  	_ =	shalt  }
0x48: {  	_ =	shalt  }
0x49: {  	_ =	shalt  }
0x4a: {  	_ =	shalt  }
0x4b: {  	_ =	shalt  }
0x4c: {  	_ =	shalt  }
0x4d: {  	_ =	shalt  }
0x4e: {  	_ =	shalt  }
0x4f: {  	_ =	shalt  }
0x50: {  	_ =	shalt  }
0x51: {  	_ =	shalt  }
0x52: {  	_ =	shalt  }
0x53: {  	_ =	shalt  }
0x54: {  	_ =	shalt  }
0x55: {  	_ =	shalt  }
0x56: {  	_ =	shalt  }
0x57: {  	_ =	shalt  }
0x58: {  	_ =	shalt  }
0x59: {  	_ =	shalt  }
0x5a: {  	_ =	shalt  }
0x5b: {  	_ =	shalt  }
0x5c: {  	_ =	shalt  }
0x5d: {  	_ =	shalt  }
0x5e: {  	_ =	shalt  }
0x5f: {  	_ =	shalt  }
0x60: {  	_ =	shalt  }
0x61: {  	_ =	shalt  }
0x62: {  	_ =	shalt  }
0x63: {  	_ =	shalt  }
0x64: {  	_ =	shalt  }
0x65: {  	_ =	shalt  }
0x66: {  	_ =	shalt  }
0x67: {  	_ =	shalt  }
0x68: {  	_ =	shalt  }
0x69: {  	_ =	shalt  }
0x6a: {  	_ =	shalt  }
0x6b: {  	_ =	shalt  }
0x6c: {  	_ =	shalt  }
0x6d: {  	_ =	shalt  }
0x6e: {  	_ =	shalt  }
0x6f: {  	_ =	shalt  }
0x70: {  	_ =	shalt  }
0x71: {  	_ =	shalt  }
0x72: {  	_ =	shalt  }
0x73: {  	_ =	shalt  }
0x74: {  	_ =	shalt  }
0x75: {  	_ =	shalt  }
0x76: {  	_ =	shalt  }
0x77: {  	_ =	shalt  }
0x78: {  	_ =	shalt  }
0x79: {  	_ =	shalt  }
0x7a: {  	_ =	shalt  }
0x7b: {  	_ =	shalt  }
0x7c: {  	_ =	shalt  }
0x7d: {  	_ =	shalt  }
0x7e: {  	_ =	shalt  }
0x7f: {  	_ =	shalt  }
0x80: {  	_ =	shalt  }
0x81: {  	_ =	shalt  }
0x82: {  	_ =	shalt  }
0x83: {  	_ =	shalt  }
0x84: {  	_ =	shalt  }
0x85: {  	_ =	shalt  }
0x86: {  	_ =	shalt  }
0x87: {  	_ =	shalt  }
.Lfunc_end0:
.L_simem_size_0:
called_computation.1_lowered:
.L_overlay_start_0:
0x88: {  	s2 =	sld [smem:$0x3FD9]  }
0x89: {  	s3 =	sld [smem:$0x3FFE];
	_ =	sdelay $0x1  }
0x8a: {  	s1 =	srdreg.scid  }
0x8b: {  	s0 =	sand.u32 $0x1, s1  }
0x8c: {  	s14 =	sshll.u32 s0, $0xA;
	s2 =	sadd.s32 s3, s2  }
0x8d: {  	s2 =	sadd.s32 s2, s14  }
0x8e: {  	[smem:$0x3FC0] =	sst s2  }
0x8f: {  	_ = 	snop  }
0x90: {  	s2 =	sld [smem:$0x3FD0];
	_ =	sdelay $0x2  }
0x91: {  	s15 =	simm.s32 $0xA;
	s4 =	simm.s32 $0x10  }
0x92: {  	[smem:s4], [sflag:s15] =	dma.local [hbm:s2], $0x1  }
0x93: {  	_ =	swait.eq [sflag:s15], $0x1  }
0x94: {  	[sflag:s15] =	ssyncset.done $0x0  }
0x95: {  	s16 =	sld [smem:$0x10];
	[sflag:s15] =	ssyncadd.s32 $0xFFFFFFFF  }
0x96: {  	s17 =	sld [smem:$0x11];
	(tm) =	ssettm $0x1  }
0x97: {  	s18 =	sld [smem:$0x3FFB];
	_ =	sdelay $0x3  }
0x98: {  	_ =	strace s18  }
0x99: {  	s4 =	sld [smem:$0x3FFC];
	_ =	sdelay $0x3  }
0x9a: {  	_ =	strace s4  }
0x9b: {  	s4 =	sld [smem:$0x3FFD];
	_ =	sdelay $0x3  }
0x9c: {  	_ =	strace s4  }
0x9d: {  	_ =	strace $0x8FFFFFFF  }
0x9e: {  	s19 =	sld [smem:$0x3FDB];
	_ =	sdelay $0x1  }
0x9f: {  	s5 =	simm.s32 $_scs_section_size  }
0xa0: {  	s6 =	simm.s32 $_size__tile_overlayer_lowered;
	s7 =	simm.s32 $_tile_overlayer_lowered  }
0xa1: {  	s22 =	simm.s32 $0x1BFF;
	s21 =	sshll.u32 s7, $0x1;
	s4 =	sadd.s32 s5, s19  }
0xa2: {  	s8 =	simm.s32 $0x0;
	s20 =	sshll.u32 s6, $0x1;
	s6 =	sadd.s32 s21, s4  }
0xa3: {  	[timem:s8], [sflag:s22] =	dma.local [hbm:s6], s20  }
0xa4: {  	_ =	swait.ge [sflag:s22], s20  }
0xa5: {  	s5 =	ssub.s32 $0x0, s20;
	[sflag:s22] =	ssyncset.done $0x0  }
0xa6: {  	[sflag:s22] =	ssyncadd.s32 s5;
	_ =	sdelay $0x1  }
0xa7: {  	s23 =	simm.s32 $0x1B8B  }
0xa8: {  	_ =	swait.ge [sflag:s23], $0x1  }
0xa9: {  	[sflag:s23] =	ssyncset.done $0x0  }
0xaa: {  	s25 =	simm.s32 $0x1B8E;
	s24 =	sld [smem:$0x3FFE];
	[sflag:s23] =	ssyncadd.s32 $0xFFFFFFFF  }
0xab: {  	s26 =	simm.s32 $execute0_lowered;
	[smem:$0x3FD2] =	sst s25  }
0xac: {  	s6 =	sshll.u32 s26, $0x1;
	_ =	strace $0x80000049;
	[dreg:$0x1] =	wrdreg $0xFFFFFFFF  }
0xad: {  	s28 =	simm.s32 $_size_execute0_lowered;
	s4 =	sadd.s32 s4, s6;
	[dreg:$0x0] =	wrdreg $0x0  }
0xae: {  	s6 =	sshll.u32 s28, $0x1;
	[dreg:$0x2] =	wrdreg s4  }
0xaf: {  	[dreg:$0x3] =	wrdreg s6  }
0xb0: {  	[dreg:$0x4] =	wrdreg $0xC0  }
0xb1: {  	_ =	task [dreg:s8], $0x5FFFF  }
0xb2: {  	[dreg:$0x1] =	wrdreg $0xFFFFFFFF  }
0xb3: {  	[dreg:$0x0] =	wrdreg $0x60  }
0xb4: {  	[dreg:$0x2] =	wrdreg s24  }
0xb5: {  	[dreg:$0x3] =	wrdreg s16  }
0xb6: {  	[dreg:$0x4] =	wrdreg s17  }
0xb7: {  	[dreg:$0x5] =	wrdreg $0xB0400  }
0xb8: {  	[dreg:$0x6] =	wrdreg $0x9  }
0xb9: {  	_ =	task.clear_ibuf [dreg:s8], $0x7FFFF;
	_ =	strace $0x90000049  }
0xba: {  	s29 =	simm.s32 $0x9;
	_ =	strace $0x8000004B  }
0xbb: {  	_ =	swait.ge [sflag:s29], $0x1  }
0xbc: {  	[sflag:s29] =	ssyncadd.s32 $0xFFFFFFFF  }
0xbd: {  	_ =	strace $0x9000004B  }
0xbe: {  	_ =	sfence  }
0xbf: {  	s30 =	sld [smem:$0x0];
	_ =	sdelay $0x2  }
0xc0: {  	s31 =	sshll.u32 s1, $0xD;
	s1 =	sshrl.u32 s1, $0x2  }
0xc1: {  	s3 =	sand.u32 $0x4000, s31;
	s1 =	sadd.s32 s1, s30  }
0xc2: {  	s0 =	sor.u32 s3, s0;
	s1 =	sshll.u32 s1, $0x11  }
0xc3: {  	s0 =	sor.u32 s1, s0  }
0xc4: {  	s0 =	sadd.s32 $0x8F2B, s0  }
0xc5: {  	[sflag:s0] =	ssyncadd.remote.s32 $0x1  }
0xc6: {  	_ =	sfence.sel $0xFFFF  }
0xc7: {  	[dreg:$0x0] =	wrdreg $0xFFFFFFFF;
	(pc) =	sbr.abs _section_cstart, $3  }
0xc8: {  	[dreg:$0x1] =	wrdreg $0xFFFFFFFF  }
0xc9: {  	_ =	task.clear_ibuf [dreg:s8], $0x2FFFF;
	_ =	strace $0x9FFFFFFF  }
0xca: {  	(tm) =	ssettm $0x7FFFFFFF  }
0xcb: {  	_ =	shalt  }
tec
execute0_lowered:
.L_overlay_start_1:
0x0: {  	(tag) =	ssettag $0x1  }
0x1: {  	s10 =	rddreg [dreg:$0x0]  }
0x2: {  	s7 =	rddreg [dreg:$0x1]  }
0x3: {  	s11 =	rddreg [dreg:$0x2]  }
0x4: {  	s2 =	rddreg [dreg:$0x3]  }
0x5: {  	s0 =	rddreg [dreg:$0x4]  }
0x6: {  	s3 =	simm.s32 $0x0;
	s1 =	stileid.u32;
	s4 =	srdreg.scid  }
0x7: {  	s19 =	simm.s32 $0x9C40;
	s20 =	simm.s32 $0xA640;
	s21 =	simm.s32 $0x1  }
0x8: {  	s22 =	simm.s32 $0x2;
	s23 =	simm.s32 $0x9BF0;
	s24 =	simm.s32 $0x9C18  }
0x9: {  	s25 =	simm.s32 $0x0;
	[smem:$0x7FF] =	sst s3;
	s8 =	smul.u32 $0x9C4, s1  }
0xa: {  	s9 =	smul.u32 $0x9C00, s1;
	s12 =	sand.u32 $0x1, s4;
	s4 =	sadd.s32 $0x7DA00, s10  }
0xb: {  	s5 =	sadd.s32 $0x6A000, s10;
	s18 =	sadd.s32 $0x9C000, s2;
	p1 =	sne.s32 s1, $0xF  }
0xc: {  	s31 =	sshll.u32 s1, $0x6;
	_ =	strace $0x8000004A;
	s13 =	ssub.s32 $0x2, s12  }
0xd: {  	s30 =	smul.u32 $0x13880, s12;
	p0 =	seq.s32 s12, $0x1;
	s14 =	sadd.s32 s8, s10  }
0xe: {  	s6 =	sshrl.u32 s9, $0x3;
	s15 =	sshrl.u32 s13, $0x1;
	s7 =	sadd.s32 s7, s8  }
.Ltmp0:
0xf: {  	s17 =	sadd.s32 s9, s2;
	s16 =	sadd.s32 s6, s10;
	(pc) =	sbr.rel .LBB2_1-.Ltmp0, $4  }
0x10: {  	s13 =	ssub.s32 s13, s15;
	s8 =	sadd.s32 $0x2000, s14;
	s10 =	sadd.s32 $0xA4C00, s10  }
0x11: {  	s11 =	sadd.s32 s11, s30;
	s14 =	simm.s32 $0x4E20;
	s15 =	sor.u32 $0x1C03, s31  }
0x12: {  	s9 =	sadd.s32 $0x91400, s16;
	s12 =	smax.u32 s13, $0x1;
	s13 =	simm.s32 $0x3  }
0x13: {  	s16 =	sshrl.u32 s17, $0x3;
	s17 =	sshrl.u32 @!p1 s18, $0x3;
	s18 =	simm.s32 $0x28  }
.LBB2_7:
0x14: {  	[tilespmem:s20], [sflag:$0x2] =	stream.indirect.gather [hbm4b:s5+s18], $0x40, s28, s18, $0xb8;
	[tilespmem:$0x14CA0] =	vst v63  }
.LBB2_8:
0x15: {  	_ =	swait.ge [sflag:s21], $0xA00  }
0x16: {  	[sflag:s21] =	ssyncset.done $0x0  }
0x17: {  	[sflag:s21] =	ssyncadd.s32 $0xFFFFF600  }
0x18: {  	[spmem:s2] =	stream.indirect.scatter.add.f32 [tilespmem:s19], [sflag:$0x3], $0x40, s23, s18, $0xb8;
	[tilespmem:$0x14CA0] =	vst v63  }
0x19: {  	_ =	swait.ge [sflag:s13], $0xA00  }
0x1a: {  	[sflag:s13] =	ssyncset.done $0x0  }
0x1b: {  	[sflag:s13] =	ssyncadd.s32 $0xFFFFF600  }
0x1c: {  	_ =	swait.ge [sflag:s22], $0xA00  }
0x1d: {  	[sflag:s22] =	ssyncset.done $0x0  }
0x1e: {  	[sflag:s22] =	ssyncadd.s32 $0xFFFFF600  }
0x1f: {  	[spmem:s2] =	stream.indirect.scatter.add.f32 [tilespmem:s20], [sflag:$0x3], $0x40, s24, s18, $0xb8;
	[tilespmem:$0x14CA0] =	vst v63  }
0x20: {  	_ =	swait.ge [sflag:s13], $0xA00  }
0x21: {  	[sflag:s13] =	ssyncset.done $0x0  }
0x22: {  	[sflag:s13] =	ssyncadd.s32 $0xFFFFF600  }
0x23: {  	s26 =	sadd.s32 s6, s11;
	[bflag:$0x0] =	sbarrier.arrive $0xFFFF  }
0x24: {  	[hbm:s26], [sflag:s15] =	dma.local [spmem:s16], $0x1380  }
0x25: {  	_ =	swait.ge [sflag:s13], $0x1380  }
0x26: {  	s25 =	sadd.s32 $0x1, s25;
	[sflag:s13] =	ssyncset.done $0x0  }
0x27: {  	p2 =	sne.s32 s25, s12;
	s26 =	sadd.s32 @!p1 $0x13800, s11;
	[sflag:s13] =	ssyncadd.s32 $0xFFFFEC80  }
0x28: {  	[hbm:s26], [sflag:s15] =	dma.local @!p1 [spmem:s17], $0x80  }
.Ltmp1:
0x29: {  	_ = 	snop;
	(pc) =	sbr.rel @!p2 .LBB2_9-.Ltmp1, $4  }
0x2a: {  	s26 =	simm.s32 @!p1 $0x3  }
0x2b: {  	_ =	swait.ge @!p1 [sflag:s26], $0x80  }
0x2c: {  	[sflag:s26] =	ssyncset.done @!p1 $0x0  }
0x2d: {  	[sflag:s26] =	ssyncadd.s32 @!p1 $0xFFFFFF80  }
.LBB2_1:
0x2e: {  	[tilespmem:s3], [sflag:$0x3] =	stream.linear.gather [hbm4b:s7+s3], $0x4E20, $0x38;
	[tilespmem:$0x14CA0] =	vst v63  }
0x2f: {  	_ =	swait.ge [sflag:s13], $0x4E20  }
0x30: {  	[sflag:s13] =	ssyncset.done $0x0  }
0x31: {  	[sflag:s13] =	ssyncadd.s32 $0xFFFFB1E0  }
0x32: {  	[tilespmem:s14], [sflag:$0x3] =	stream.linear.gather [hbm4b:s8+s3], $0x4E20, $0x38;
	[tilespmem:$0x14CA0] =	vst v63  }
0x33: {  	_ =	swait.ge [sflag:s13], $0x4E20  }
0x34: {  	[sflag:s13] =	ssyncset.done $0x0  }
0x35: {  	[sflag:s13] =	ssyncadd.s32 $0xFFFFB1E0  }
0x36: {  	[spmem:s16], [sflag:s15] =	dma.local [hbm:s9], $0x1380  }
0x37: {  	_ =	swait.ge [sflag:s13], $0x1380  }
0x38: {  	[sflag:s13] =	ssyncset.done $0x0  }
0x39: {  	s26 =	simm.s32 @!p1 $0x3;
	[sflag:s13] =	ssyncadd.s32 $0xFFFFEC80  }
0x3a: {  	[spmem:s17], [sflag:s15] =	dma.local @!p1 [hbm:s10], $0x80  }
.Ltmp2:
0x3b: {  	_ =	swait.ge @!p1 [sflag:s26], $0x80;
	(pc) =	sbr.rel @!p0 .LBB2_2-.Ltmp2, $4  }
0x3c: {  	[sflag:s26] =	ssyncset.done @!p1 $0x0  }
0x3d: {  	[sflag:s26] =	ssyncadd.s32 @!p1 $0xFFFFFF80  }
0x3e: {  	[bflag:$0x0] =	sbarrier.arrive $0xFFFF  }
0x3f: {  	s26 =	simm.s32 $0x0  }
0x40: {  	[tilespmem:s19], [sflag:$0x1] =	stream.indirect.gather [hbm4b:s5+s18], $0x40, s26, s18, $0xb8;
	[tilespmem:$0x14CA0] =	vst v63  }
0x41: {  	_ = 	snop  }
0x42: {  	[tilespmem:s20], [sflag:$0x2] =	stream.indirect.gather [hbm4b:s5+s18], $0x40, s18, s18, $0xb8;
	[tilespmem:$0x14CA0] =	vst v63  }
0x43: {  	_ =	swait.ge [sflag:s21], $0xA00  }
0x44: {  	[sflag:s21] =	ssyncset.done $0x0  }
0x45: {  	s29 =	simm.s32 $0x4E20;
	[sflag:s21] =	ssyncadd.s32 $0xFFFFF600  }
0x46: {  	[spmem:s2] =	stream.indirect.scatter.add.f32 [tilespmem:s19], [sflag:$0x3], $0x40, s29, s18, $0xb8;
	[tilespmem:$0x14CA0] =	vst v63  }
0x47: {  	_ =	swait.ge [sflag:s13], $0xA00  }
0x48: {  	[sflag:s13] =	ssyncset.done $0x0  }
0x49: {  	s30 =	simm.s32 $0x50;
	[sflag:s13] =	ssyncadd.s32 $0xFFFFF600  }
0x4a: {  	[tilespmem:s19], [sflag:$0x1] =	stream.indirect.gather [hbm4b:s5+s18], $0x40, s30, s18, $0xb8;
	[tilespmem:$0x14CA0] =	vst v63  }
0x4b: {  	_ =	swait.ge [sflag:s22], $0xA00  }
0x4c: {  	[sflag:s22] =	ssyncset.done $0x0  }
0x4d: {  	s31 =	simm.s32 $0x4E48;
	[sflag:s22] =	ssyncadd.s32 $0xFFFFF600  }
0x4e: {  	[spmem:s2] =	stream.indirect.scatter.add.f32 [tilespmem:s20], [sflag:$0x3], $0x40, s31, s18, $0xb8;
	[tilespmem:$0x14CA0] =	vst v63  }
0x4f: {  	_ =	swait.ge [sflag:s13], $0xA00  }
0x50: {  	[sflag:s13] =	ssyncset.done $0x0  }
0x51: {  	s26 =	simm.s32 $0x140;
	s28 =	simm.s32 $0x78;
	[sflag:s13] =	ssyncadd.s32 $0xFFFFF600  }
.LBB2_6:
0x52: {  	[tilespmem:s20], [sflag:$0x2] =	stream.indirect.gather [hbm4b:s5+s18], $0x40, s28, s18, $0xb8;
	[tilespmem:$0x14CA0] =	vst v63  }
0x53: {  	s28 =	smov.u32 s26  }
0x54: {  	p2 =	sne.s32 s26, $0x13600;
	s26 =	sadd.s32 $0x140, s26;
	_ =	swait.ge [sflag:s21], $0xA00  }
0x55: {  	s28 =	sshra.s32 s28, $0x2;
	[sflag:s21] =	ssyncset.done $0x0  }
0x56: {  	s29 =	sadd.s32 $0x4E20, s28;
	[sflag:s21] =	ssyncadd.s32 $0xFFFFF600  }
0x57: {  	[spmem:s2] =	stream.indirect.scatter.add.f32 [tilespmem:s19], [sflag:$0x3], $0x40, s29, s18, $0xb8;
	[tilespmem:$0x14CA0] =	vst v63  }
0x58: {  	_ =	swait.ge [sflag:s13], $0xA00  }
0x59: {  	[sflag:s13] =	ssyncset.done $0x0  }
0x5a: {  	s29 =	sadd.s32 $0x50, s28;
	[sflag:s13] =	ssyncadd.s32 $0xFFFFF600  }
0x5b: {  	[tilespmem:s19], [sflag:$0x1] =	stream.indirect.gather [hbm4b:s5+s18], $0x40, s29, s18, $0xb8;
	[tilespmem:$0x14CA0] =	vst v63  }
0x5c: {  	_ =	swait.ge [sflag:s22], $0xA00  }
0x5d: {  	[sflag:s22] =	ssyncset.done $0x0  }
.Ltmp3:
0x5e: {  	s29 =	sadd.s32 $0x4E48, s28;
	[sflag:s22] =	ssyncadd.s32 $0xFFFFF600;
	(pc) =	sbr.rel @p2 .LBB2_6-.Ltmp3, $4  }
0x5f: {  	[spmem:s2] =	stream.indirect.scatter.add.f32 [tilespmem:s20], [sflag:$0x3], $0x40, s29, s18, $0xb8;
	[tilespmem:$0x14CA0] =	vst v63  }
0x60: {  	_ =	swait.ge [sflag:s13], $0xA00  }
0x61: {  	[sflag:s13] =	ssyncset.done $0x0  }
0x62: {  	s28 =	sadd.s32 $0x78, s28;
	[sflag:s13] =	ssyncadd.s32 $0xFFFFF600  }
.Ltmp4:
0x63: {  	_ = 	snop;
	(pc) =	sbr.rel .LBB2_7-.Ltmp4, $1  }
0x64: {  	_ =	sdelay $0x3  }
.LBB2_2:
0x65: {  	[tilespmem:s19], [sflag:$0x1] =	stream.indirect.gather [hbm4b:s4+s18], $0x40, s26, s18, $0xb8;
	[tilespmem:$0x14CA0] =	vst v63  }
0x66: {  	_ = 	snop  }
0x67: {  	[tilespmem:s20], [sflag:$0x2] =	stream.indirect.gather [hbm4b:s4+s18], $0x40, s18, s18, $0xb8;
	[tilespmem:$0x14CA0] =	vst v63  }
0x68: {  	_ =	swait.ge [sflag:s21], $0xA00  }
0x69: {  	[sflag:s21] =	ssyncset.done $0x0  }
0x6a: {  	s29 =	simm.s32 $0x4E20;
	[sflag:s21] =	ssyncadd.s32 $0xFFFFF600  }
0x6b: {  	[spmem:s2] =	stream.indirect.scatter.add.f32 [tilespmem:s19], [sflag:$0x3], $0x40, s29, s18, $0xb8;
	[tilespmem:$0x14CA0] =	vst v63  }
0x6c: {  	_ =	swait.ge [sflag:s13], $0xA00  }
0x6d: {  	[sflag:s13] =	ssyncset.done $0x0  }
0x6e: {  	s30 =	simm.s32 $0x50;
	[sflag:s13] =	ssyncadd.s32 $0xFFFFF600  }
0x6f: {  	[tilespmem:s19], [sflag:$0x1] =	stream.indirect.gather [hbm4b:s4+s18], $0x40, s30, s18, $0xb8;
	[tilespmem:$0x14CA0] =	vst v63  }
0x70: {  	_ =	swait.ge [sflag:s22], $0xA00  }
0x71: {  	[sflag:s22] =	ssyncset.done $0x0  }
0x72: {  	s31 =	simm.s32 $0x4E48;
	[sflag:s22] =	ssyncadd.s32 $0xFFFFF600  }
0x73: {  	[spmem:s2] =	stream.indirect.scatter.add.f32 [tilespmem:s20], [sflag:$0x3], $0x40, s31, s18, $0xb8;
	[tilespmem:$0x14CA0] =	vst v63  }
0x74: {  	_ =	swait.ge [sflag:s13], $0xA00  }
0x75: {  	[sflag:s13] =	ssyncset.done $0x0  }
0x76: {  	s26 =	simm.s32 $0x140;
	s28 =	simm.s32 $0x78;
	[sflag:s13] =	ssyncadd.s32 $0xFFFFF600  }
.LBB2_3:
0x77: {  	[tilespmem:s20], [sflag:$0x2] =	stream.indirect.gather [hbm4b:s4+s18], $0x40, s28, s18, $0xb8;
	[tilespmem:$0x14CA0] =	vst v63  }
0x78: {  	s28 =	smov.u32 s26  }
0x79: {  	p2 =	seq.s32 s26, $0x13600;
	s26 =	sadd.s32 $0x140, s26;
	_ =	swait.ge [sflag:s21], $0xA00  }
0x7a: {  	s28 =	sshra.s32 s28, $0x2;
	[sflag:s21] =	ssyncset.done $0x0  }
0x7b: {  	s29 =	sadd.s32 $0x4E20, s28;
	[sflag:s21] =	ssyncadd.s32 $0xFFFFF600  }
0x7c: {  	[spmem:s2] =	stream.indirect.scatter.add.f32 [tilespmem:s19], [sflag:$0x3], $0x40, s29, s18, $0xb8;
	[tilespmem:$0x14CA0] =	vst v63  }
0x7d: {  	_ =	swait.ge [sflag:s13], $0xA00  }
0x7e: {  	[sflag:s13] =	ssyncset.done $0x0  }
0x7f: {  	s29 =	sadd.s32 $0x50, s28;
	[sflag:s13] =	ssyncadd.s32 $0xFFFFF600  }
0x80: {  	[tilespmem:s19], [sflag:$0x1] =	stream.indirect.gather [hbm4b:s4+s18], $0x40, s29, s18, $0xb8;
	[tilespmem:$0x14CA0] =	vst v63  }
0x81: {  	_ =	swait.ge [sflag:s22], $0xA00  }
0x82: {  	[sflag:s22] =	ssyncset.done $0x0  }
.Ltmp5:
0x83: {  	s29 =	sadd.s32 $0x4E48, s28;
	[sflag:s22] =	ssyncadd.s32 $0xFFFFF600;
	(pc) =	sbr.rel @!p2 .LBB2_3-.Ltmp5, $4  }
0x84: {  	[spmem:s2] =	stream.indirect.scatter.add.f32 [tilespmem:s20], [sflag:$0x3], $0x40, s29, s18, $0xb8;
	[tilespmem:$0x14CA0] =	vst v63  }
0x85: {  	_ =	swait.ge [sflag:s13], $0xA00  }
0x86: {  	[sflag:s13] =	ssyncset.done $0x0  }
0x87: {  	s28 =	sadd.s32 $0x78, s28;
	[sflag:s13] =	ssyncadd.s32 $0xFFFFF600  }
.Ltmp6:
0x88: {  	(pc) =	sbr.rel .LBB2_8-.Ltmp6, $2  }
0x89: {  	_ =	sdelay $0x2  }
0x8a: {  	[tilespmem:s20], [sflag:$0x2] =	stream.indirect.gather [hbm4b:s4+s18], $0x40, s28, s18, $0xb8;
	[tilespmem:$0x14CA0] =	vst v63  }
.LBB2_9:
0x8b: {  	_ =	sfence.sel $0x180000  }
0x8c: {  	[bflag:$0x0] =	sbarrier.arrive $0xFFFF  }
0x8d: {  	p0 =	sne.s32 s1, $0x0;
	_ =	strace $0x9000004A  }
0x8e: {  	s0 =	sadd.s32 @!p0 $0x100000, s0;
	[bflag:$0x2] =	sbarrier.arrive $0xFFFF  }
0x8f: {  	[sflag:s0] =	ssyncadd.tile.s32 @!p0 $0x1;
	_ =	shalt  }
.Lfunc_end2:
_tile_overlayer_lowered:
.L_overlay_start_2:
0x90: {  	(tag) =	ssettag $0x2  }
0x91: {  	s0 =	rddreg [dreg:$0x0];
	s2 =	stileid.u32  }
0x92: {  	s1 =	rddreg [dreg:$0x1];
	p0 =	sne.s32 s2, $0x0  }
0x93: {  	s3 =	rddreg [dreg:$0x2];
	[bflag:$0x3] =	sbarrier.arrive $0xFFFF;
	s2 =	simm.s32 @!p0 $0x1C03  }
0x94: {  	[timem:s3], [sflag:s2] =	dma.local @!p0 [hbm:s0], s1  }
0x95: {  	s0 =	simm.s32 @!p0 $0x3  }
0x96: {  	_ =	swait.ge @!p0 [sflag:s0], s1  }
0x97: {  	s1 =	ssub.s32 @!p0 $0x0, s1;
	[sflag:s0] =	ssyncset.done @!p0 $0x0  }
0x98: {  	[sflag:s0] =	ssyncadd.s32 @!p0 s1  }
0x99: {  	[bflag:$0x3] =	sbarrier.arrive $0xFFFF  }
0x9a: {  	_ =	shalt  }

// kernel: kernel.15.cloned.1.call-start
scs
__scs_entry_jumppad:
0x0: {  	(pc) =	sbr.rel $0x88, $3  }
0x1: {  	(tag) =	ssettag $0x0;
	lr =	simm.s32 $0x1  }
0x2: {  	[smem:$0x3F99] =	sst lr;
	_ =	strace $0xD0000000  }
0x3: {  	_ = 	snop  }
0x4: {  	_ = 	snop  }
0x5: {  	_ = 	snop  }
0x6: {  	_ = 	snop  }
0x7: {  	_ = 	snop  }
__scs_overlays_trampoline_lowered:
0x8: {  	[smem:$0x3FA8] =	sst s0  }
0x9: {  	[smem:$0x3FA9] =	sst s1  }
0xa: {  	[smem:$0x3FAA] =	sst s2  }
0xb: {  	[smem:$0x3FAB] =	sst s3  }
0xc: {  	[smem:$0x3FAC] =	sst s4  }
0xd: {  	[smem:$0x3FAD] =	sst s5  }
0xe: {  	[smem:$0x3FAE] =	sst s6  }
0xf: {  	[smem:$0x3FAF] =	sst s7  }
0x10: {  	[smem:$0x3FB0] =	sst s8  }
0x11: {  	[smem:$0x3FB1] =	sst s9;
	s0 =	simm.s32 @!p0 $0x0  }
0x12: {  	s1 =	sld [smem:$0x3F97];
	s0 =	simm.s32 @p0 $0x1  }
0x13: {  	[smem:$0x3FB2] =	sst s0;
	s0 =	simm.s32 @!p1 $0x0  }
0x14: {  	s2 =	sld [smem:$0x3F96];
	s0 =	simm.s32 @p1 $0x1  }
0x15: {  	[smem:$0x3FB3] =	sst s0;
	s0 =	simm.s32 @!p2 $0x0  }
0x16: {  	s3 =	sld [smem:$0x3FDB];
	s0 =	simm.s32 @p2 $0x1  }
0x17: {  	s4 =	simm.s32 $0x1BF5;
	[smem:$0x3FB5] =	sst s0  }
0x18: {  	s0 =	sld [smem:$0x3F98];
	_ =	swait.ge [sflag:s4], $0x0  }
0x19: {  	s7 =	sld [smem:$0x3F99]  }
0x1a: {  	s8 =	sadd.s32 $0xFFFFE003, lr  }
0x1b: {  	s9 =	sadd.s32 $0xFFFFFEF7, lr;
	s5 =	simm.s32 $0xFFFFFFFF;
	p2 =	slt.u32 s8, $0xFFFFF086  }
0x1c: {  	p1 =	slt.u32 s9, $0xF7A;
	s5 =	simm.s32 @!p2 $0x0  }
0x1d: {  	s5 =	simm.s32 @p1 $0x1;
	p0 =	seq.s32 s7, s2  }
0x1e: {  	s7 =	smul.u32 @!p0 $0xF7A, s2;
	p2 =	seq.s32 @!p0 s5, $0x0  }
0x1f: {  	s9 =	smul.u32 $0xF7A, s1;
	s8 =	simm.s32 @!p0 $0x1BF5;
	p2 =	por !p2, p0  }
0x20: {  	[sflag:s8] =	ssyncset.s32 @!p0 $0xFFFFF086;
	s6 =	sadd.s32 @!p0 s3, s7;
	s7 =	simm.s32 @!p0 $0x108  }
0x21: {  	s3 =	sadd.s32 s3, s9;
	s6 =	sadd.s32 @!p0 $0x88, s6;
	s7 =	simm.s32 @p2 $0x1082  }
0x22: {  	[simem:s7], [sflag:s8] =	dma.local @!p0 [hbm:s6], $0xF7A  }
0x23: {  	s9 =	sor.u32 $0xD0000000, s2;
	s6 =	simm.s32 $0x108;
	_ =	swait.ge @!p0 [sflag:s8], $0x0  }
0x24: {  	s3 =	sadd.s32 $0x88, s3;
	s6 =	simm.s32 @!p1 $0x1082;
	[sflag:s4] =	ssyncset.s32 $0xFFFFF086  }
0x25: {  	[simem:s6], [sflag:s4] =	dma.local [hbm:s3], $0xF7A  }
0x26: {  	[smem:$0x3F99] =	sst s1;
	(tag) =	ssettag s2;
	_ =	strace s9  }
0x27: {  	s1 =	sld [smem:$0x3FA9]  }
0x28: {  	s2 =	sld [smem:$0x3FAA]  }
0x29: {  	s4 =	sld [smem:$0x3FAC]  }
0x2a: {  	p0 =	seq.s32 s5, $0x0;
	s5 =	sld [smem:$0x3FAD]  }
0x2b: {  	s6 =	sld [smem:$0x3FAE]  }
0x2c: {  	s7 =	sld [smem:$0x3FAF]  }
0x2d: {  	s3 =	simm.s32 $0x108;
	s8 =	sld [smem:$0x3FB0]  }
0x2e: {  	s3 =	simm.s32 @!p0 $0x1082;
	s9 =	sld [smem:$0x3FB1]  }
0x2f: {  	lr =	sadd.s32 s0, s3;
	s0 =	sld [smem:$0x3FA8]  }
0x30: {  	s3 =	sld [smem:$0x3FAB]  }
0x31: {  	[smem:$0x3FB4] =	sst s10  }
0x32: {  	s10 =	sld [smem:$0x3FB2];
	_ =	sdelay $0x3  }
0x33: {  	p0 =	seq.s32 s10, $0x1;
	s10 =	sld [smem:$0x3FB4];
	_ =	sdelay $0x3  }
0x34: {  	[smem:$0x3FB4] =	sst s10  }
0x35: {  	s10 =	sld [smem:$0x3FB3];
	_ =	sdelay $0x3  }
0x36: {  	p1 =	seq.s32 s10, $0x1;
	s10 =	sld [smem:$0x3FB4];
	_ =	sdelay $0x3  }
0x37: {  	[smem:$0x3FB4] =	sst s10  }
0x38: {  	s10 =	sld [smem:$0x3FB5]  }
0x39: {  	_ = 	snop;
	(pc) =	sbr.ind lr, $3  }
0x3a: {  	_ = 	snop  }
0x3b: {  	_ = 	snop  }
0x3c: {  	p2 =	seq.s32 s10, $0x1;
	s10 =	sld [smem:$0x3FB4]  }
0x3d: {  	_ =	shalt  }
0x3e: {  	_ =	shalt  }
0x3f: {  	_ =	shalt  }
0x40: {  	_ =	shalt  }
0x41: {  	_ =	shalt  }
0x42: {  	_ =	shalt  }
0x43: {  	_ =	shalt  }
0x44: {  	_ =	shalt  }
0x45: {  	_ =	shalt  }
0x46: {  	_ =	shalt  }
0x47: {  	_ =	shalt  }
0x48: {  	_ =	shalt  }
0x49: {  	_ =	shalt  }
0x4a: {  	_ =	shalt  }
0x4b: {  	_ =	shalt  }
0x4c: {  	_ =	shalt  }
0x4d: {  	_ =	shalt  }
0x4e: {  	_ =	shalt  }
0x4f: {  	_ =	shalt  }
0x50: {  	_ =	shalt  }
0x51: {  	_ =	shalt  }
0x52: {  	_ =	shalt  }
0x53: {  	_ =	shalt  }
0x54: {  	_ =	shalt  }
0x55: {  	_ =	shalt  }
0x56: {  	_ =	shalt  }
0x57: {  	_ =	shalt  }
0x58: {  	_ =	shalt  }
0x59: {  	_ =	shalt  }
0x5a: {  	_ =	shalt  }
0x5b: {  	_ =	shalt  }
0x5c: {  	_ =	shalt  }
0x5d: {  	_ =	shalt  }
0x5e: {  	_ =	shalt  }
0x5f: {  	_ =	shalt  }
0x60: {  	_ =	shalt  }
0x61: {  	_ =	shalt  }
0x62: {  	_ =	shalt  }
0x63: {  	_ =	shalt  }
0x64: {  	_ =	shalt  }
0x65: {  	_ =	shalt  }
0x66: {  	_ =	shalt  }
0x67: {  	_ =	shalt  }
0x68: {  	_ =	shalt  }
0x69: {  	_ =	shalt  }
0x6a: {  	_ =	shalt  }
0x6b: {  	_ =	shalt  }
0x6c: {  	_ =	shalt  }
0x6d: {  	_ =	shalt  }
0x6e: {  	_ =	shalt  }
0x6f: {  	_ =	shalt  }
0x70: {  	_ =	shalt  }
0x71: {  	_ =	shalt  }
0x72: {  	_ =	shalt  }
0x73: {  	_ =	shalt  }
0x74: {  	_ =	shalt  }
0x75: {  	_ =	shalt  }
0x76: {  	_ =	shalt  }
0x77: {  	_ =	shalt  }
0x78: {  	_ =	shalt  }
0x79: {  	_ =	shalt  }
0x7a: {  	_ =	shalt  }
0x7b: {  	_ =	shalt  }
0x7c: {  	_ =	shalt  }
0x7d: {  	_ =	shalt  }
0x7e: {  	_ =	shalt  }
0x7f: {  	_ =	shalt  }
0x80: {  	_ =	shalt  }
0x81: {  	_ =	shalt  }
0x82: {  	_ =	shalt  }
0x83: {  	_ =	shalt  }
0x84: {  	_ =	shalt  }
0x85: {  	_ =	shalt  }
0x86: {  	_ =	shalt  }
0x87: {  	_ =	shalt  }
.Lfunc_end0:
.L_simem_size_0:
called_computation.2_lowered:
.L_overlay_start_0:
0x88: {  	s2 =	sld [smem:$0x3FD9]  }
0x89: {  	s3 =	sld [smem:$0x3FFE];
	_ =	sdelay $0x1  }
0x8a: {  	s1 =	srdreg.scid  }
0x8b: {  	s0 =	sand.u32 $0x1, s1  }
0x8c: {  	s14 =	sshll.u32 s0, $0xA;
	s2 =	sadd.s32 s3, s2  }
0x8d: {  	s2 =	sadd.s32 s2, s14  }
0x8e: {  	[smem:$0x3FC0] =	sst s2  }
0x8f: {  	_ = 	snop  }
0x90: {  	s2 =	sld [smem:$0x3FD0];
	_ =	sdelay $0x2  }
0x91: {  	s15 =	simm.s32 $0xA;
	s4 =	simm.s32 $0x10  }
0x92: {  	[smem:s4], [sflag:s15] =	dma.local [hbm:s2], $0x1  }
0x93: {  	_ =	swait.eq [sflag:s15], $0x1  }
0x94: {  	[sflag:s15] =	ssyncset.done $0x0  }
0x95: {  	s16 =	sld [smem:$0x10];
	[sflag:s15] =	ssyncadd.s32 $0xFFFFFFFF  }
0x96: {  	s17 =	sld [smem:$0x11];
	(tm) =	ssettm $0x1  }
0x97: {  	s18 =	sld [smem:$0x3FFB];
	_ =	sdelay $0x3  }
0x98: {  	_ =	strace s18  }
0x99: {  	s4 =	sld [smem:$0x3FFC];
	_ =	sdelay $0x3  }
0x9a: {  	_ =	strace s4  }
0x9b: {  	s4 =	sld [smem:$0x3FFD];
	_ =	sdelay $0x3  }
0x9c: {  	_ =	strace s4  }
0x9d: {  	_ =	strace $0x8FFFFFFF  }
0x9e: {  	s19 =	sld [smem:$0x3FDB];
	_ =	sdelay $0x1  }
0x9f: {  	s5 =	simm.s32 $_scs_section_size  }
0xa0: {  	s6 =	simm.s32 $_size__tile_overlayer_lowered;
	s7 =	simm.s32 $_tile_overlayer_lowered  }
0xa1: {  	s22 =	simm.s32 $0x1BFF;
	s21 =	sshll.u32 s7, $0x1;
	s4 =	sadd.s32 s5, s19  }
0xa2: {  	s8 =	simm.s32 $0x0;
	s20 =	sshll.u32 s6, $0x1;
	s6 =	sadd.s32 s21, s4  }
0xa3: {  	[timem:s8], [sflag:s22] =	dma.local [hbm:s6], s20  }
0xa4: {  	_ =	swait.ge [sflag:s22], s20  }
0xa5: {  	s5 =	ssub.s32 $0x0, s20;
	[sflag:s22] =	ssyncset.done $0x0  }
0xa6: {  	[sflag:s22] =	ssyncadd.s32 s5;
	_ =	sdelay $0x1  }
0xa7: {  	s23 =	simm.s32 $0x1B8B  }
0xa8: {  	_ =	swait.ge [sflag:s23], $0x1  }
0xa9: {  	[sflag:s23] =	ssyncset.done $0x0  }
0xaa: {  	s25 =	simm.s32 $0x1B8E;
	s24 =	sld [smem:$0x3FFE];
	[sflag:s23] =	ssyncadd.s32 $0xFFFFFFFF  }
0xab: {  	s26 =	simm.s32 $execute0_lowered;
	[smem:$0x3FD2] =	sst s25  }
0xac: {  	s6 =	sshll.u32 s26, $0x1;
	_ =	strace $0x8000004C;
	[dreg:$0x1] =	wrdreg $0xFFFFFFFF  }
0xad: {  	s28 =	simm.s32 $_size_execute0_lowered;
	s4 =	sadd.s32 s4, s6;
	[dreg:$0x0] =	wrdreg $0x0  }
0xae: {  	s6 =	sshll.u32 s28, $0x1;
	[dreg:$0x2] =	wrdreg s4  }
0xaf: {  	[dreg:$0x3] =	wrdreg s6  }
0xb0: {  	[dreg:$0x4] =	wrdreg $0xC0  }
0xb1: {  	_ =	task [dreg:s8], $0x5FFFF  }
0xb2: {  	[dreg:$0x1] =	wrdreg $0xFFFFFFFF  }
0xb3: {  	[dreg:$0x0] =	wrdreg $0x60  }
0xb4: {  	[dreg:$0x2] =	wrdreg s24  }
0xb5: {  	[dreg:$0x3] =	wrdreg s16  }
0xb6: {  	[dreg:$0x4] =	wrdreg s17  }
0xb7: {  	[dreg:$0x5] =	wrdreg $0xB0400  }
0xb8: {  	[dreg:$0x6] =	wrdreg $0x9  }
0xb9: {  	_ =	task.clear_ibuf [dreg:s8], $0x7FFFF;
	_ =	strace $0x9000004C  }
0xba: {  	s29 =	simm.s32 $0x9;
	_ =	strace $0x8000004E  }
0xbb: {  	_ =	swait.ge [sflag:s29], $0x1  }
0xbc: {  	[sflag:s29] =	ssyncadd.s32 $0xFFFFFFFF  }
0xbd: {  	_ =	strace $0x9000004E  }
0xbe: {  	_ =	sfence  }
0xbf: {  	s30 =	sld [smem:$0x0];
	_ =	sdelay $0x2  }
0xc0: {  	s31 =	sshll.u32 s1, $0xD;
	s1 =	sshrl.u32 s1, $0x2  }
0xc1: {  	s3 =	sand.u32 $0x4000, s31;
	s1 =	sadd.s32 s1, s30  }
0xc2: {  	s0 =	sor.u32 s3, s0;
	s1 =	sshll.u32 s1, $0x11  }
0xc3: {  	s0 =	sor.u32 s1, s0  }
0xc4: {  	s0 =	sadd.s32 $0x8F2B, s0  }
0xc5: {  	[sflag:s0] =	ssyncadd.remote.s32 $0x1  }
0xc6: {  	_ =	sfence.sel $0xFFFF  }
0xc7: {  	[dreg:$0x0] =	wrdreg $0xFFFFFFFF;
	(pc) =	sbr.abs _section_cstart, $3  }
0xc8: {  	[dreg:$0x1] =	wrdreg $0xFFFFFFFF  }
0xc9: {  	_ =	task.clear_ibuf [dreg:s8], $0x2FFFF;
	_ =	strace $0x9FFFFFFF  }
0xca: {  	(tm) =	ssettm $0x7FFFFFFF  }
0xcb: {  	_ =	shalt  }
tec
execute0_lowered:
.L_overlay_start_1:
0x0: {  	(tag) =	ssettag $0x1  }
0x1: {  	s10 =	rddreg [dreg:$0x0]  }
0x2: {  	s7 =	rddreg [dreg:$0x1]  }
0x3: {  	s11 =	rddreg [dreg:$0x2]  }
0x4: {  	s2 =	rddreg [dreg:$0x3]  }
0x5: {  	s0 =	rddreg [dreg:$0x4]  }
0x6: {  	s3 =	simm.s32 $0x0;
	s1 =	stileid.u32;
	s4 =	srdreg.scid  }
0x7: {  	s19 =	simm.s32 $0x9C40;
	s20 =	simm.s32 $0xA640;
	s21 =	simm.s32 $0x1  }
0x8: {  	s22 =	simm.s32 $0x2;
	s23 =	simm.s32 $0x9BF0;
	s24 =	simm.s32 $0x9C18  }
0x9: {  	s25 =	simm.s32 $0x0;
	[smem:$0x7FF] =	sst s3;
	s8 =	smul.u32 $0x9C4, s1  }
0xa: {  	s9 =	smul.u32 $0x9C00, s1;
	s12 =	sand.u32 $0x1, s4;
	s4 =	sadd.s32 $0x7DA00, s10  }
0xb: {  	s5 =	sadd.s32 $0x6A000, s10;
	s18 =	sadd.s32 $0x9C000, s2;
	p1 =	sne.s32 s1, $0xF  }
0xc: {  	s31 =	sshll.u32 s1, $0x6;
	_ =	strace $0x8000004D;
	s13 =	ssub.s32 $0x2, s12  }
0xd: {  	s30 =	smul.u32 $0x13880, s12;
	p0 =	seq.s32 s12, $0x1;
	s14 =	sadd.s32 s8, s10  }
0xe: {  	s6 =	sshrl.u32 s9, $0x3;
	s15 =	sshrl.u32 s13, $0x1;
	s7 =	sadd.s32 s7, s8  }
.Ltmp0:
0xf: {  	s17 =	sadd.s32 s9, s2;
	s16 =	sadd.s32 s6, s10;
	(pc) =	sbr.rel .LBB2_1-.Ltmp0, $4  }
0x10: {  	s13 =	ssub.s32 s13, s15;
	s8 =	sadd.s32 $0x2000, s14;
	s10 =	sadd.s32 $0xA4C00, s10  }
0x11: {  	s11 =	sadd.s32 s11, s30;
	s14 =	simm.s32 $0x4E20;
	s15 =	sor.u32 $0x1C03, s31  }
0x12: {  	s9 =	sadd.s32 $0x91400, s16;
	s12 =	smax.u32 s13, $0x1;
	s13 =	simm.s32 $0x3  }
0x13: {  	s16 =	sshrl.u32 s17, $0x3;
	s17 =	sshrl.u32 @!p1 s18, $0x3;
	s18 =	simm.s32 $0x28  }
.LBB2_7:
0x14: {  	[tilespmem:s20], [sflag:$0x2] =	stream.indirect.gather [hbm4b:s5+s18], $0x40, s28, s18, $0xb8;
	[tilespmem:$0x14CA0] =	vst v63  }
.LBB2_8:
0x15: {  	_ =	swait.ge [sflag:s21], $0xA00  }
0x16: {  	[sflag:s21] =	ssyncset.done $0x0  }
0x17: {  	[sflag:s21] =	ssyncadd.s32 $0xFFFFF600  }
0x18: {  	[spmem:s2] =	stream.indirect.scatter.add.f32 [tilespmem:s19], [sflag:$0x3], $0x40, s23, s18, $0xb8;
	[tilespmem:$0x14CA0] =	vst v63  }
0x19: {  	_ =	swait.ge [sflag:s13], $0xA00  }
0x1a: {  	[sflag:s13] =	ssyncset.done $0x0  }
0x1b: {  	[sflag:s13] =	ssyncadd.s32 $0xFFFFF600  }
0x1c: {  	_ =	swait.ge [sflag:s22], $0xA00  }
0x1d: {  	[sflag:s22] =	ssyncset.done $0x0  }
0x1e: {  	[sflag:s22] =	ssyncadd.s32 $0xFFFFF600  }
0x1f: {  	[spmem:s2] =	stream.indirect.scatter.add.f32 [tilespmem:s20], [sflag:$0x3], $0x40, s24, s18, $0xb8;
	[tilespmem:$0x14CA0] =	vst v63  }
0x20: {  	_ =	swait.ge [sflag:s13], $0xA00  }
0x21: {  	[sflag:s13] =	ssyncset.done $0x0  }
0x22: {  	[sflag:s13] =	ssyncadd.s32 $0xFFFFF600  }
0x23: {  	s26 =	sadd.s32 s6, s11;
	[bflag:$0x0] =	sbarrier.arrive $0xFFFF  }
0x24: {  	[hbm:s26], [sflag:s15] =	dma.local [spmem:s16], $0x1380  }
0x25: {  	_ =	swait.ge [sflag:s13], $0x1380  }
0x26: {  	s25 =	sadd.s32 $0x1, s25;
	[sflag:s13] =	ssyncset.done $0x0  }
0x27: {  	p2 =	sne.s32 s25, s12;
	s26 =	sadd.s32 @!p1 $0x13800, s11;
	[sflag:s13] =	ssyncadd.s32 $0xFFFFEC80  }
0x28: {  	[hbm:s26], [sflag:s15] =	dma.local @!p1 [spmem:s17], $0x80  }
.Ltmp1:
0x29: {  	_ = 	snop;
	(pc) =	sbr.rel @!p2 .LBB2_9-.Ltmp1, $4  }
0x2a: {  	s26 =	simm.s32 @!p1 $0x3  }
0x2b: {  	_ =	swait.ge @!p1 [sflag:s26], $0x80  }
0x2c: {  	[sflag:s26] =	ssyncset.done @!p1 $0x0  }
0x2d: {  	[sflag:s26] =	ssyncadd.s32 @!p1 $0xFFFFFF80  }
.LBB2_1:
0x2e: {  	[tilespmem:s3], [sflag:$0x3] =	stream.linear.gather [hbm4b:s7+s3], $0x4E20, $0x38;
	[tilespmem:$0x14CA0] =	vst v63  }
0x2f: {  	_ =	swait.ge [sflag:s13], $0x4E20  }
0x30: {  	[sflag:s13] =	ssyncset.done $0x0  }
0x31: {  	[sflag:s13] =	ssyncadd.s32 $0xFFFFB1E0  }
0x32: {  	[tilespmem:s14], [sflag:$0x3] =	stream.linear.gather [hbm4b:s8+s3], $0x4E20, $0x38;
	[tilespmem:$0x14CA0] =	vst v63  }
0x33: {  	_ =	swait.ge [sflag:s13], $0x4E20  }
0x34: {  	[sflag:s13] =	ssyncset.done $0x0  }
0x35: {  	[sflag:s13] =	ssyncadd.s32 $0xFFFFB1E0  }
0x36: {  	[spmem:s16], [sflag:s15] =	dma.local [hbm:s9], $0x1380  }
0x37: {  	_ =	swait.ge [sflag:s13], $0x1380  }
0x38: {  	[sflag:s13] =	ssyncset.done $0x0  }
0x39: {  	s26 =	simm.s32 @!p1 $0x3;
	[sflag:s13] =	ssyncadd.s32 $0xFFFFEC80  }
0x3a: {  	[spmem:s17], [sflag:s15] =	dma.local @!p1 [hbm:s10], $0x80  }
.Ltmp2:
0x3b: {  	_ =	swait.ge @!p1 [sflag:s26], $0x80;
	(pc) =	sbr.rel @!p0 .LBB2_2-.Ltmp2, $4  }
0x3c: {  	[sflag:s26] =	ssyncset.done @!p1 $0x0  }
0x3d: {  	[sflag:s26] =	ssyncadd.s32 @!p1 $0xFFFFFF80  }
0x3e: {  	[bflag:$0x0] =	sbarrier.arrive $0xFFFF  }
0x3f: {  	s26 =	simm.s32 $0x0  }
0x40: {  	[tilespmem:s19], [sflag:$0x1] =	stream.indirect.gather [hbm4b:s5+s18], $0x40, s26, s18, $0xb8;
	[tilespmem:$0x14CA0] =	vst v63  }
0x41: {  	_ = 	snop  }
0x42: {  	[tilespmem:s20], [sflag:$0x2] =	stream.indirect.gather [hbm4b:s5+s18], $0x40, s18, s18, $0xb8;
	[tilespmem:$0x14CA0] =	vst v63  }
0x43: {  	_ =	swait.ge [sflag:s21], $0xA00  }
0x44: {  	[sflag:s21] =	ssyncset.done $0x0  }
0x45: {  	s29 =	simm.s32 $0x4E20;
	[sflag:s21] =	ssyncadd.s32 $0xFFFFF600  }
0x46: {  	[spmem:s2] =	stream.indirect.scatter.add.f32 [tilespmem:s19], [sflag:$0x3], $0x40, s29, s18, $0xb8;
	[tilespmem:$0x14CA0] =	vst v63  }
0x47: {  	_ =	swait.ge [sflag:s13], $0xA00  }
0x48: {  	[sflag:s13] =	ssyncset.done $0x0  }
0x49: {  	s30 =	simm.s32 $0x50;
	[sflag:s13] =	ssyncadd.s32 $0xFFFFF600  }
0x4a: {  	[tilespmem:s19], [sflag:$0x1] =	stream.indirect.gather [hbm4b:s5+s18], $0x40, s30, s18, $0xb8;
	[tilespmem:$0x14CA0] =	vst v63  }
0x4b: {  	_ =	swait.ge [sflag:s22], $0xA00  }
0x4c: {  	[sflag:s22] =	ssyncset.done $0x0  }
0x4d: {  	s31 =	simm.s32 $0x4E48;
	[sflag:s22] =	ssyncadd.s32 $0xFFFFF600  }
0x4e: {  	[spmem:s2] =	stream.indirect.scatter.add.f32 [tilespmem:s20], [sflag:$0x3], $0x40, s31, s18, $0xb8;
	[tilespmem:$0x14CA0] =	vst v63  }
0x4f: {  	_ =	swait.ge [sflag:s13], $0xA00  }
0x50: {  	[sflag:s13] =	ssyncset.done $0x0  }
0x51: {  	s26 =	simm.s32 $0x140;
	s28 =	simm.s32 $0x78;
	[sflag:s13] =	ssyncadd.s32 $0xFFFFF600  }
.LBB2_6:
0x52: {  	[tilespmem:s20], [sflag:$0x2] =	stream.indirect.gather [hbm4b:s5+s18], $0x40, s28, s18, $0xb8;
	[tilespmem:$0x14CA0] =	vst v63  }
0x53: {  	s28 =	smov.u32 s26  }
0x54: {  	p2 =	sne.s32 s26, $0x13600;
	s26 =	sadd.s32 $0x140, s26;
	_ =	swait.ge [sflag:s21], $0xA00  }
0x55: {  	s28 =	sshra.s32 s28, $0x2;
	[sflag:s21] =	ssyncset.done $0x0  }
0x56: {  	s29 =	sadd.s32 $0x4E20, s28;
	[sflag:s21] =	ssyncadd.s32 $0xFFFFF600  }
0x57: {  	[spmem:s2] =	stream.indirect.scatter.add.f32 [tilespmem:s19], [sflag:$0x3], $0x40, s29, s18, $0xb8;
	[tilespmem:$0x14CA0] =	vst v63  }
0x58: {  	_ =	swait.ge [sflag:s13], $0xA00  }
0x59: {  	[sflag:s13] =	ssyncset.done $0x0  }
0x5a: {  	s29 =	sadd.s32 $0x50, s28;
	[sflag:s13] =	ssyncadd.s32 $0xFFFFF600  }
0x5b: {  	[tilespmem:s19], [sflag:$0x1] =	stream.indirect.gather [hbm4b:s5+s18], $0x40, s29, s18, $0xb8;
	[tilespmem:$0x14CA0] =	vst v63  }
0x5c: {  	_ =	swait.ge [sflag:s22], $0xA00  }
0x5d: {  	[sflag:s22] =	ssyncset.done $0x0  }
.Ltmp3:
0x5e: {  	s29 =	sadd.s32 $0x4E48, s28;
	[sflag:s22] =	ssyncadd.s32 $0xFFFFF600;
	(pc) =	sbr.rel @p2 .LBB2_6-.Ltmp3, $4  }
0x5f: {  	[spmem:s2] =	stream.indirect.scatter.add.f32 [tilespmem:s20], [sflag:$0x3], $0x40, s29, s18, $0xb8;
	[tilespmem:$0x14CA0] =	vst v63  }
0x60: {  	_ =	swait.ge [sflag:s13], $0xA00  }
0x61: {  	[sflag:s13] =	ssyncset.done $0x0  }
0x62: {  	s28 =	sadd.s32 $0x78, s28;
	[sflag:s13] =	ssyncadd.s32 $0xFFFFF600  }
.Ltmp4:
0x63: {  	_ = 	snop;
	(pc) =	sbr.rel .LBB2_7-.Ltmp4, $1  }
0x64: {  	_ =	sdelay $0x3  }
.LBB2_2:
0x65: {  	[tilespmem:s19], [sflag:$0x1] =	stream.indirect.gather [hbm4b:s4+s18], $0x40, s26, s18, $0xb8;
	[tilespmem:$0x14CA0] =	vst v63  }
0x66: {  	_ = 	snop  }
0x67: {  	[tilespmem:s20], [sflag:$0x2] =	stream.indirect.gather [hbm4b:s4+s18], $0x40, s18, s18, $0xb8;
	[tilespmem:$0x14CA0] =	vst v63  }
0x68: {  	_ =	swait.ge [sflag:s21], $0xA00  }
0x69: {  	[sflag:s21] =	ssyncset.done $0x0  }
0x6a: {  	s29 =	simm.s32 $0x4E20;
	[sflag:s21] =	ssyncadd.s32 $0xFFFFF600  }
0x6b: {  	[spmem:s2] =	stream.indirect.scatter.add.f32 [tilespmem:s19], [sflag:$0x3], $0x40, s29, s18, $0xb8;
	[tilespmem:$0x14CA0] =	vst v63  }
0x6c: {  	_ =	swait.ge [sflag:s13], $0xA00  }
0x6d: {  	[sflag:s13] =	ssyncset.done $0x0  }
0x6e: {  	s30 =	simm.s32 $0x50;
	[sflag:s13] =	ssyncadd.s32 $0xFFFFF600  }
0x6f: {  	[tilespmem:s19], [sflag:$0x1] =	stream.indirect.gather [hbm4b:s4+s18], $0x40, s30, s18, $0xb8;
	[tilespmem:$0x14CA0] =	vst v63  }
0x70: {  	_ =	swait.ge [sflag:s22], $0xA00  }
0x71: {  	[sflag:s22] =	ssyncset.done $0x0  }
0x72: {  	s31 =	simm.s32 $0x4E48;
	[sflag:s22] =	ssyncadd.s32 $0xFFFFF600  }
0x73: {  	[spmem:s2] =	stream.indirect.scatter.add.f32 [tilespmem:s20], [sflag:$0x3], $0x40, s31, s18, $0xb8;
	[tilespmem:$0x14CA0] =	vst v63  }
0x74: {  	_ =	swait.ge [sflag:s13], $0xA00  }
0x75: {  	[sflag:s13] =	ssyncset.done $0x0  }
0x76: {  	s26 =	simm.s32 $0x140;
	s28 =	simm.s32 $0x78;
	[sflag:s13] =	ssyncadd.s32 $0xFFFFF600  }
.LBB2_3:
0x77: {  	[tilespmem:s20], [sflag:$0x2] =	stream.indirect.gather [hbm4b:s4+s18], $0x40, s28, s18, $0xb8;
	[tilespmem:$0x14CA0] =	vst v63  }
0x78: {  	s28 =	smov.u32 s26  }
0x79: {  	p2 =	seq.s32 s26, $0x13600;
	s26 =	sadd.s32 $0x140, s26;
	_ =	swait.ge [sflag:s21], $0xA00  }
0x7a: {  	s28 =	sshra.s32 s28, $0x2;
	[sflag:s21] =	ssyncset.done $0x0  }
0x7b: {  	s29 =	sadd.s32 $0x4E20, s28;
	[sflag:s21] =	ssyncadd.s32 $0xFFFFF600  }
0x7c: {  	[spmem:s2] =	stream.indirect.scatter.add.f32 [tilespmem:s19], [sflag:$0x3], $0x40, s29, s18, $0xb8;
	[tilespmem:$0x14CA0] =	vst v63  }
0x7d: {  	_ =	swait.ge [sflag:s13], $0xA00  }
0x7e: {  	[sflag:s13] =	ssyncset.done $0x0  }
0x7f: {  	s29 =	sadd.s32 $0x50, s28;
	[sflag:s13] =	ssyncadd.s32 $0xFFFFF600  }
0x80: {  	[tilespmem:s19], [sflag:$0x1] =	stream.indirect.gather [hbm4b:s4+s18], $0x40, s29, s18, $0xb8;
	[tilespmem:$0x14CA0] =	vst v63  }
0x81: {  	_ =	swait.ge [sflag:s22], $0xA00  }
0x82: {  	[sflag:s22] =	ssyncset.done $0x0  }
.Ltmp5:
0x83: {  	s29 =	sadd.s32 $0x4E48, s28;
	[sflag:s22] =	ssyncadd.s32 $0xFFFFF600;
	(pc) =	sbr.rel @!p2 .LBB2_3-.Ltmp5, $4  }
0x84: {  	[spmem:s2] =	stream.indirect.scatter.add.f32 [tilespmem:s20], [sflag:$0x3], $0x40, s29, s18, $0xb8;
	[tilespmem:$0x14CA0] =	vst v63  }
0x85: {  	_ =	swait.ge [sflag:s13], $0xA00  }
0x86: {  	[sflag:s13] =	ssyncset.done $0x0  }
0x87: {  	s28 =	sadd.s32 $0x78, s28;
	[sflag:s13] =	ssyncadd.s32 $0xFFFFF600  }
.Ltmp6:
0x88: {  	(pc) =	sbr.rel .LBB2_8-.Ltmp6, $2  }
0x89: {  	_ =	sdelay $0x2  }
0x8a: {  	[tilespmem:s20], [sflag:$0x2] =	stream.indirect.gather [hbm4b:s4+s18], $0x40, s28, s18, $0xb8;
	[tilespmem:$0x14CA0] =	vst v63  }
.LBB2_9:
0x8b: {  	_ =	sfence.sel $0x180000  }
0x8c: {  	[bflag:$0x0] =	sbarrier.arrive $0xFFFF  }
0x8d: {  	p0 =	sne.s32 s1, $0x0;
	_ =	strace $0x9000004D  }
0x8e: {  	s0 =	sadd.s32 @!p0 $0x100000, s0;
	[bflag:$0x2] =	sbarrier.arrive $0xFFFF  }
0x8f: {  	[sflag:s0] =	ssyncadd.tile.s32 @!p0 $0x1;
	_ =	shalt  }
.Lfunc_end2:
_tile_overlayer_lowered:
.L_overlay_start_2:
0x90: {  	(tag) =	ssettag $0x2  }
0x91: {  	s0 =	rddreg [dreg:$0x0];
	s2 =	stileid.u32  }
0x92: {  	s1 =	rddreg [dreg:$0x1];
	p0 =	sne.s32 s2, $0x0  }
0x93: {  	s3 =	rddreg [dreg:$0x2];
	[bflag:$0x3] =	sbarrier.arrive $0xFFFF;
	s2 =	simm.s32 @!p0 $0x1C03  }
0x94: {  	[timem:s3], [sflag:s2] =	dma.local @!p0 [hbm:s0], s1  }
0x95: {  	s0 =	simm.s32 @!p0 $0x3  }
0x96: {  	_ =	swait.ge @!p0 [sflag:s0], s1  }
0x97: {  	s1 =	ssub.s32 @!p0 $0x0, s1;
	[sflag:s0] =	ssyncset.done @!p0 $0x0  }
0x98: {  	[sflag:s0] =	ssyncadd.s32 @!p0 s1  }
0x99: {  	[bflag:$0x3] =	sbarrier.arrive $0xFFFF  }
0x9a: {  	_ =	shalt  }

// kernel: kernel.9.cloned.1.call-start
scs
__scs_entry_jumppad:
0x0: {  	(pc) =	sbr.rel $0x88, $3  }
0x1: {  	(tag) =	ssettag $0x0;
	lr =	simm.s32 $0x1  }
0x2: {  	[smem:$0x3F99] =	sst lr;
	_ =	strace $0xD0000000  }
0x3: {  	_ = 	snop  }
0x4: {  	_ = 	snop  }
0x5: {  	_ = 	snop  }
0x6: {  	_ = 	snop  }
0x7: {  	_ = 	snop  }
__scs_overlays_trampoline_lowered:
0x8: {  	[smem:$0x3FA8] =	sst s0  }
0x9: {  	[smem:$0x3FA9] =	sst s1  }
0xa: {  	[smem:$0x3FAA] =	sst s2  }
0xb: {  	[smem:$0x3FAB] =	sst s3  }
0xc: {  	[smem:$0x3FAC] =	sst s4  }
0xd: {  	[smem:$0x3FAD] =	sst s5  }
0xe: {  	[smem:$0x3FAE] =	sst s6  }
0xf: {  	[smem:$0x3FAF] =	sst s7  }
0x10: {  	[smem:$0x3FB0] =	sst s8  }
0x11: {  	[smem:$0x3FB1] =	sst s9;
	s0 =	simm.s32 @!p0 $0x0  }
0x12: {  	s1 =	sld [smem:$0x3F97];
	s0 =	simm.s32 @p0 $0x1  }
0x13: {  	[smem:$0x3FB2] =	sst s0;
	s0 =	simm.s32 @!p1 $0x0  }
0x14: {  	s2 =	sld [smem:$0x3F96];
	s0 =	simm.s32 @p1 $0x1  }
0x15: {  	[smem:$0x3FB3] =	sst s0;
	s0 =	simm.s32 @!p2 $0x0  }
0x16: {  	s3 =	sld [smem:$0x3FDB];
	s0 =	simm.s32 @p2 $0x1  }
0x17: {  	s4 =	simm.s32 $0x1BF5;
	[smem:$0x3FB5] =	sst s0  }
0x18: {  	s0 =	sld [smem:$0x3F98];
	_ =	swait.ge [sflag:s4], $0x0  }
0x19: {  	s7 =	sld [smem:$0x3F99]  }
0x1a: {  	s8 =	sadd.s32 $0xFFFFE003, lr  }
0x1b: {  	s9 =	sadd.s32 $0xFFFFFEF7, lr;
	s5 =	simm.s32 $0xFFFFFFFF;
	p2 =	slt.u32 s8, $0xFFFFF086  }
0x1c: {  	p1 =	slt.u32 s9, $0xF7A;
	s5 =	simm.s32 @!p2 $0x0  }
0x1d: {  	s5 =	simm.s32 @p1 $0x1;
	p0 =	seq.s32 s7, s2  }
0x1e: {  	s7 =	smul.u32 @!p0 $0xF7A, s2;
	p2 =	seq.s32 @!p0 s5, $0x0  }
0x1f: {  	s9 =	smul.u32 $0xF7A, s1;
	s8 =	simm.s32 @!p0 $0x1BF5;
	p2 =	por !p2, p0  }
0x20: {  	[sflag:s8] =	ssyncset.s32 @!p0 $0xFFFFF086;
	s6 =	sadd.s32 @!p0 s3, s7;
	s7 =	simm.s32 @!p0 $0x108  }
0x21: {  	s3 =	sadd.s32 s3, s9;
	s6 =	sadd.s32 @!p0 $0x88, s6;
	s7 =	simm.s32 @p2 $0x1082  }
0x22: {  	[simem:s7], [sflag:s8] =	dma.local @!p0 [hbm:s6], $0xF7A  }
0x23: {  	s9 =	sor.u32 $0xD0000000, s2;
	s6 =	simm.s32 $0x108;
	_ =	swait.ge @!p0 [sflag:s8], $0x0  }
0x24: {  	s3 =	sadd.s32 $0x88, s3;
	s6 =	simm.s32 @!p1 $0x1082;
	[sflag:s4] =	ssyncset.s32 $0xFFFFF086  }
0x25: {  	[simem:s6], [sflag:s4] =	dma.local [hbm:s3], $0xF7A  }
0x26: {  	[smem:$0x3F99] =	sst s1;
	(tag) =	ssettag s2;
	_ =	strace s9  }
0x27: {  	s1 =	sld [smem:$0x3FA9]  }
0x28: {  	s2 =	sld [smem:$0x3FAA]  }
0x29: {  	s4 =	sld [smem:$0x3FAC]  }
0x2a: {  	p0 =	seq.s32 s5, $0x0;
	s5 =	sld [smem:$0x3FAD]  }
0x2b: {  	s6 =	sld [smem:$0x3FAE]  }
0x2c: {  	s7 =	sld [smem:$0x3FAF]  }
0x2d: {  	s3 =	simm.s32 $0x108;
	s8 =	sld [smem:$0x3FB0]  }
0x2e: {  	s3 =	simm.s32 @!p0 $0x1082;
	s9 =	sld [smem:$0x3FB1]  }
0x2f: {  	lr =	sadd.s32 s0, s3;
	s0 =	sld [smem:$0x3FA8]  }
0x30: {  	s3 =	sld [smem:$0x3FAB]  }
0x31: {  	[smem:$0x3FB4] =	sst s10  }
0x32: {  	s10 =	sld [smem:$0x3FB2];
	_ =	sdelay $0x3  }
0x33: {  	p0 =	seq.s32 s10, $0x1;
	s10 =	sld [smem:$0x3FB4];
	_ =	sdelay $0x3  }
0x34: {  	[smem:$0x3FB4] =	sst s10  }
0x35: {  	s10 =	sld [smem:$0x3FB3];
	_ =	sdelay $0x3  }
0x36: {  	p1 =	seq.s32 s10, $0x1;
	s10 =	sld [smem:$0x3FB4];
	_ =	sdelay $0x3  }
0x37: {  	[smem:$0x3FB4] =	sst s10  }
0x38: {  	s10 =	sld [smem:$0x3FB5]  }
0x39: {  	_ = 	snop;
	(pc) =	sbr.ind lr, $3  }
0x3a: {  	_ = 	snop  }
0x3b: {  	_ = 	snop  }
0x3c: {  	p2 =	seq.s32 s10, $0x1;
	s10 =	sld [smem:$0x3FB4]  }
0x3d: {  	_ =	shalt  }
0x3e: {  	_ =	shalt  }
0x3f: {  	_ =	shalt  }
0x40: {  	_ =	shalt  }
0x41: {  	_ =	shalt  }
0x42: {  	_ =	shalt  }
0x43: {  	_ =	shalt  }
0x44: {  	_ =	shalt  }
0x45: {  	_ =	shalt  }
0x46: {  	_ =	shalt  }
0x47: {  	_ =	shalt  }
0x48: {  	_ =	shalt  }
0x49: {  	_ =	shalt  }
0x4a: {  	_ =	shalt  }
0x4b: {  	_ =	shalt  }
0x4c: {  	_ =	shalt  }
0x4d: {  	_ =	shalt  }
0x4e: {  	_ =	shalt  }
0x4f: {  	_ =	shalt  }
0x50: {  	_ =	shalt  }
0x51: {  	_ =	shalt  }
0x52: {  	_ =	shalt  }
0x53: {  	_ =	shalt  }
0x54: {  	_ =	shalt  }
0x55: {  	_ =	shalt  }
0x56: {  	_ =	shalt  }
0x57: {  	_ =	shalt  }
0x58: {  	_ =	shalt  }
0x59: {  	_ =	shalt  }
0x5a: {  	_ =	shalt  }
0x5b: {  	_ =	shalt  }
0x5c: {  	_ =	shalt  }
0x5d: {  	_ =	shalt  }
0x5e: {  	_ =	shalt  }
0x5f: {  	_ =	shalt  }
0x60: {  	_ =	shalt  }
0x61: {  	_ =	shalt  }
0x62: {  	_ =	shalt  }
0x63: {  	_ =	shalt  }
0x64: {  	_ =	shalt  }
0x65: {  	_ =	shalt  }
0x66: {  	_ =	shalt  }
0x67: {  	_ =	shalt  }
0x68: {  	_ =	shalt  }
0x69: {  	_ =	shalt  }
0x6a: {  	_ =	shalt  }
0x6b: {  	_ =	shalt  }
0x6c: {  	_ =	shalt  }
0x6d: {  	_ =	shalt  }
0x6e: {  	_ =	shalt  }
0x6f: {  	_ =	shalt  }
0x70: {  	_ =	shalt  }
0x71: {  	_ =	shalt  }
0x72: {  	_ =	shalt  }
0x73: {  	_ =	shalt  }
0x74: {  	_ =	shalt  }
0x75: {  	_ =	shalt  }
0x76: {  	_ =	shalt  }
0x77: {  	_ =	shalt  }
0x78: {  	_ =	shalt  }
0x79: {  	_ =	shalt  }
0x7a: {  	_ =	shalt  }
0x7b: {  	_ =	shalt  }
0x7c: {  	_ =	shalt  }
0x7d: {  	_ =	shalt  }
0x7e: {  	_ =	shalt  }
0x7f: {  	_ =	shalt  }
0x80: {  	_ =	shalt  }
0x81: {  	_ =	shalt  }
0x82: {  	_ =	shalt  }
0x83: {  	_ =	shalt  }
0x84: {  	_ =	shalt  }
0x85: {  	_ =	shalt  }
0x86: {  	_ =	shalt  }
0x87: {  	_ =	shalt  }
.Lfunc_end0:
.L_simem_size_0:
called_computation_lowered:
.L_overlay_start_0:
0x88: {  	s2 =	sld [smem:$0x3FD9]  }
0x89: {  	s3 =	sld [smem:$0x3FFE];
	_ =	sdelay $0x1  }
0x8a: {  	s1 =	srdreg.scid  }
0x8b: {  	s0 =	sand.u32 $0x1, s1  }
0x8c: {  	s14 =	sshll.u32 s0, $0xA;
	s2 =	sadd.s32 s3, s2  }
0x8d: {  	s2 =	sadd.s32 s2, s14  }
0x8e: {  	[smem:$0x3FC0] =	sst s2  }
0x8f: {  	_ = 	snop  }
0x90: {  	s2 =	sld [smem:$0x3FD0];
	_ =	sdelay $0x2  }
0x91: {  	s15 =	simm.s32 $0xA;
	s4 =	simm.s32 $0x10  }
0x92: {  	[smem:s4], [sflag:s15] =	dma.local [hbm:s2], $0x1  }
0x93: {  	_ =	swait.eq [sflag:s15], $0x1  }
0x94: {  	[sflag:s15] =	ssyncset.done $0x0  }
0x95: {  	[sflag:s15] =	ssyncadd.s32 $0xFFFFFFFF  }
0x96: {  	s16 =	sld [smem:$0x11];
	(tm) =	ssettm $0x1  }
0x97: {  	s17 =	sld [smem:$0x3FFB];
	_ =	sdelay $0x3  }
0x98: {  	_ =	strace s17  }
0x99: {  	s3 =	sld [smem:$0x3FFC];
	_ =	sdelay $0x3  }
0x9a: {  	_ =	strace s3  }
0x9b: {  	s3 =	sld [smem:$0x3FFD];
	_ =	sdelay $0x3  }
0x9c: {  	_ =	strace s3  }
0x9d: {  	_ =	strace $0x8FFFFFFF  }
0x9e: {  	s18 =	sld [smem:$0x3FDB];
	_ =	sdelay $0x1  }
0x9f: {  	s19 =	simm.s32 $_scs_section_size  }
0xa0: {  	s5 =	simm.s32 $_size__tile_overlayer_lowered;
	s6 =	simm.s32 $_tile_overlayer_lowered  }
0xa1: {  	s22 =	simm.s32 $0x1BFF;
	s21 =	sshll.u32 s6, $0x1;
	s3 =	sadd.s32 s19, s18  }
0xa2: {  	s7 =	simm.s32 $0x0;
	s20 =	sshll.u32 s5, $0x1;
	s5 =	sadd.s32 s21, s3  }
0xa3: {  	[timem:s7], [sflag:s22] =	dma.local [hbm:s5], s20  }
0xa4: {  	_ =	swait.ge [sflag:s22], s20  }
0xa5: {  	s4 =	ssub.s32 $0x0, s20;
	[sflag:s22] =	ssyncset.done $0x0  }
0xa6: {  	[sflag:s22] =	ssyncadd.s32 s4;
	_ =	sdelay $0x1  }
0xa7: {  	s23 =	simm.s32 $0x1B8B  }
0xa8: {  	_ =	swait.ge [sflag:s23], $0x1  }
0xa9: {  	[sflag:s23] =	ssyncset.done $0x0  }
0xaa: {  	s25 =	simm.s32 $0x1B8E;
	s24 =	sld [smem:$0x3FFE];
	[sflag:s23] =	ssyncadd.s32 $0xFFFFFFFF  }
0xab: {  	s26 =	simm.s32 $execute0_lowered;
	[smem:$0x3FD2] =	sst s25  }
0xac: {  	s5 =	sshll.u32 s26, $0x1;
	_ =	strace $0x80000046;
	[dreg:$0x1] =	wrdreg $0xFFFFFFFF  }
0xad: {  	s28 =	simm.s32 $_size_execute0_lowered;
	s3 =	sadd.s32 s3, s5;
	[dreg:$0x0] =	wrdreg $0x0  }
0xae: {  	s5 =	sshll.u32 s28, $0x1;
	[dreg:$0x2] =	wrdreg s3  }
0xaf: {  	[dreg:$0x3] =	wrdreg s5  }
0xb0: {  	[dreg:$0x4] =	wrdreg $0xC0  }
0xb1: {  	_ =	task [dreg:s7], $0x5FFFF  }
0xb2: {  	[dreg:$0x1] =	wrdreg $0xFFFFFFFF  }
0xb3: {  	[dreg:$0x0] =	wrdreg $0x60  }
0xb4: {  	[dreg:$0x2] =	wrdreg s24  }
0xb5: {  	[dreg:$0x3] =	wrdreg s16  }
0xb6: {  	[dreg:$0x4] =	wrdreg $0x68000  }
0xb7: {  	[dreg:$0x5] =	wrdreg $0x9  }
0xb8: {  	_ =	task.clear_ibuf [dreg:s7], $0x6FFFF;
	_ =	strace $0x90000046  }
0xb9: {  	s29 =	simm.s32 $0x9;
	_ =	strace $0x80000048  }
0xba: {  	_ =	swait.ge [sflag:s29], $0x1  }
0xbb: {  	[sflag:s29] =	ssyncadd.s32 $0xFFFFFFFF  }
0xbc: {  	_ =	strace $0x90000048  }
0xbd: {  	_ =	sfence  }
0xbe: {  	s30 =	sld [smem:$0x0];
	_ =	sdelay $0x2  }
0xbf: {  	s31 =	sshll.u32 s1, $0xD;
	s1 =	sshrl.u32 s1, $0x2  }
0xc0: {  	s3 =	sand.u32 $0x4000, s31;
	s1 =	sadd.s32 s1, s30  }
0xc1: {  	s0 =	sor.u32 s3, s0;
	s1 =	sshll.u32 s1, $0x11  }
0xc2: {  	s0 =	sor.u32 s1, s0  }
0xc3: {  	s0 =	sadd.s32 $0x8F2B, s0  }
0xc4: {  	[sflag:s0] =	ssyncadd.remote.s32 $0x1  }
0xc5: {  	_ =	sfence.sel $0xFFFF  }
0xc6: {  	[dreg:$0x0] =	wrdreg $0xFFFFFFFF;
	(pc) =	sbr.abs _section_cstart, $3  }
0xc7: {  	[dreg:$0x1] =	wrdreg $0xFFFFFFFF  }
0xc8: {  	_ =	task.clear_ibuf [dreg:s7], $0x2FFFF;
	_ =	strace $0x9FFFFFFF  }
0xc9: {  	(tm) =	ssettm $0x7FFFFFFF  }
tec
execute0_lowered:
.L_overlay_start_1:
0x0: {  	(tag) =	ssettag $0x1  }
0x1: {  	s4 =	rddreg [dreg:$0x0]  }
0x2: {  	s6 =	rddreg [dreg:$0x1]  }
0x3: {  	s1 =	rddreg [dreg:$0x2]  }
0x4: {  	s0 =	rddreg [dreg:$0x3]  }
0x5: {  	s3 =	simm.s32 $0x0;
	s2 =	srdreg.scid;
	s13 =	simm.s32 $0x4000  }
0x6: {  	s16 =	simm.s32 $0x0;
	[smem:$0x7FF] =	sst s3;
	s7 =	sand.u32 $0x1, s2  }
0x7: {  	s2 =	stileid.u32;
	s12 =	sadd.s32 $0x138000, s1;
	s5 =	smul.u32 $0x27100, s7  }
0x8: {  	_ =	strace $0x80000047;
	s8 =	sshll.u32 s2, $0xB;
	s9 =	smul.u32 $0x4E000, s2  }
0x9: {  	s29 =	ssub.s32 $0x2, s7;
	s14 =	smul.u32 $0x2700, s2;
	s31 =	sshll.u32 s2, $0x6  }
0xa: {  	s7 =	sshll.u32 s7, $0xF;
	p0 =	sne.s32 s2, $0xF;
	s8 =	sadd.s32 s8, s4  }
0xb: {  	s30 =	sshrl.u32 s29, $0x1;
	s10 =	sadd.s32 s5, s4;
	s9 =	sshrl.u32 s9, $0x2  }
0xc: {  	s11 =	ssub.s32 s29, s30;
	s4 =	sadd.s32 s6, s14;
	s5 =	sor.u32 $0x1C01, s31  }
0xd: {  	s6 =	sadd.s32 $0x27000, s6;
	s7 =	sadd.s32 s7, s8;
	s9 =	sadd.s32 s9, s1  }
0xe: {  	s7 =	sadd.s32 $0xBE00, s7;
	s15 =	sadd.s32 $0x1BE00, s10;
	s8 =	smax.u32 s11, $0x1  }
0xf: {  	s10 =	simm.s32 $0x1;
	s11 =	sshrl.u32 @!p0 s12, $0x3;
	s12 =	simm.s32 $0x50  }
0x10: {  	v0 =	vimm.f32 $1.000000000e+00;
	s9 =	sshrl.u32 s9, $0x3;
	s14 =	sadd.s32 s14, s15;
	s15 =	sadd.s32 @!p0 $0x27000, s15  }
.LBB2_1:
0x11: {  	[spmem:s9], [sflag:s5] =	dma.local [hbm:s4], $0x2700  }
0x12: {  	_ =	swait.ge [sflag:s10], $0x2700  }
0x13: {  	[sflag:s10] =	ssyncset.done $0x0  }
0x14: {  	s17 =	simm.s32 @!p0 $0x1;
	[sflag:s10] =	ssyncadd.s32 $0xFFFFD900  }
0x15: {  	[spmem:s11], [sflag:s5] =	dma.local @!p0 [hbm:s6], $0x100  }
0x16: {  	_ =	swait.ge @!p0 [sflag:s17], $0x100  }
0x17: {  	[sflag:s17] =	ssyncset.done @!p0 $0x0  }
0x18: {  	[sflag:s17] =	ssyncadd.s32 @!p0 $0xFFFFFF00  }
0x19: {  	[tilespmem:s3], [sflag:$0x1] =	stream.linear.gather [hbm4b:s7+s3], $0x3E80, $0x38;
	[tilespmem:$0x8F10] =	vst v63  }
0x1a: {  	_ =	swait.ge [sflag:s10], $0x3E80  }
0x1b: {  	[sflag:s10] =	ssyncset.done $0x0  }
0x1c: {  	s18 =	simm.s32 $0x0;
	s17 =	simm.s32 $0x200;
	[sflag:s10] =	ssyncadd.s32 $0xFFFFC180  }
.LBB2_2:
0x1d: {  	p1 =	sne.s32 s17, $0x9E00;
	[tilespmem:s18+$0x4000] =	vst v0;
	s18 =	smov.u32 s17;
	s17 =	sadd.s32 $0x200, s17  }
.Ltmp0:
0x1e: {  	(pc) =	sbr.rel @p1 .LBB2_2-.Ltmp0, $2  }
0x1f: {  	_ =	sdelay $0x2  }
0x20: {  	s18 =	sshra.s32 s18, $0x2  }
0x21: {  	[tilespmem:s18+$0x4000] =	vst v0  }
0x22: {  	s17 =	simm.s32 $0x0;
	[bflag:$0x0] =	sbarrier.arrive $0xFFFF  }
0x23: {  	[spmem:s1] =	stream.indirect.scatter.add.f32 [tilespmem:s13], [sflag:$0x1], $0x10, s17, s12, $0xb8;
	[tilespmem:$0x8F10] =	vst v63  }
0x24: {  	_ =	swait.ge [sflag:s10], $0x500  }
0x25: {  	s17 =	simm.s32 $0x200;
	[sflag:s10] =	ssyncset.done $0x0  }
.LBB2_4:
0x26: {  	s18 =	sshra.s32 s17, $0x2;
	[sflag:s10] =	ssyncadd.s32 $0xFFFFFB00;
	p1 =	sne.s32 s17, $0xF800  }
0x27: {  	[spmem:s1] =	stream.indirect.scatter.add.f32 [tilespmem:s13], [sflag:$0x1], $0x10, s18, s12, $0xb8;
	[tilespmem:$0x8F10] =	vst v63  }
.Ltmp1:
0x28: {  	_ = 	snop;
	(pc) =	sbr.rel @p1 .LBB2_4-.Ltmp1, $4  }
0x29: {  	_ = 	snop  }
0x2a: {  	s17 =	sadd.s32 $0x200, s17  }
0x2b: {  	_ =	swait.ge [sflag:s10], $0x500  }
0x2c: {  	[sflag:s10] =	ssyncset.done $0x0  }
0x2d: {  	[sflag:s10] =	ssyncadd.s32 $0xFFFFFB00  }
0x2e: {  	[bflag:$0x0] =	sbarrier.arrive $0xFFFF  }
0x2f: {  	[hbm:s14], [sflag:s5] =	dma.local [spmem:s9], $0x2700  }
0x30: {  	s16 =	sadd.s32 $0x1, s16;
	_ =	swait.ge [sflag:s10], $0x2700  }
0x31: {  	p1 =	sne.s32 s16, s8;
	[sflag:s10] =	ssyncset.done $0x0  }
.Ltmp2:
0x32: {  	s17 =	simm.s32 @!p0 $0x1;
	[sflag:s10] =	ssyncadd.s32 $0xFFFFD900;
	(pc) =	sbr.rel @p1 .LBB2_1-.Ltmp2, $4  }
0x33: {  	[hbm:s15], [sflag:s5] =	dma.local @!p0 [spmem:s11], $0x100  }
0x34: {  	_ =	swait.ge @!p0 [sflag:s17], $0x100  }
0x35: {  	[sflag:s17] =	ssyncset.done @!p0 $0x0  }
0x36: {  	[sflag:s17] =	ssyncadd.s32 @!p0 $0xFFFFFF00  }
0x37: {  	_ =	sfence.sel $0x180000  }
0x38: {  	[bflag:$0x0] =	sbarrier.arrive $0xFFFF  }
0x39: {  	p0 =	sne.s32 s2, $0x0;
	_ =	strace $0x90000047  }
0x3a: {  	s0 =	sadd.s32 @!p0 $0x100000, s0;
	[bflag:$0x2] =	sbarrier.arrive $0xFFFF  }
0x3b: {  	[sflag:s0] =	ssyncadd.tile.s32 @!p0 $0x1;
	_ =	shalt  }
.Lfunc_end2:
_tile_overlayer_lowered:
.L_overlay_start_2:
0x3c: {  	(tag) =	ssettag $0x2  }
0x3d: {  	s0 =	rddreg [dreg:$0x0];
	s2 =	stileid.u32  }
0x3e: {  	s1 =	rddreg [dreg:$0x1];
	p0 =	sne.s32 s2, $0x0  }
0x3f: {  	s3 =	rddreg [dreg:$0x2];
	[bflag:$0x3] =	sbarrier.arrive $0xFFFF;
	s2 =	simm.s32 @!p0 $0x1C01  }
0x40: {  	[timem:s3], [sflag:s2] =	dma.local @!p0 [hbm:s0], s1  }
0x41: {  	s0 =	simm.s32 @!p0 $0x1  }
0x42: {  	_ =	swait.ge @!p0 [sflag:s0], s1  }
0x43: {  	s1 =	ssub.s32 @!p0 $0x0, s1;
	[sflag:s0] =	ssyncset.done @!p0 $0x0  }
0x44: {  	[sflag:s0] =	ssyncadd.s32 @!p0 s1  }
0x45: {  	[bflag:$0x3] =	sbarrier.arrive $0xFFFF  }
0x46: {  	_ =	shalt  }

</sc_bundles>
